<compile_context>
chip_gen: v7x
topology: tpu7x:2x2x1
jax: 0.10.2.dev20260603
libtpu: 0.0.44.dev20260713+nightly
codegen_flags: <defaults>
</compile_context>

<pallas_src>
import functools

import jax
import jax.numpy as jnp
from jax import lax
from jax.experimental import pallas as pl
from jax.experimental.pallas import tpu as pltpu
from jax.experimental.pallas import tpu_sc as plsc

N = 100000
D = 128

_INFO = plsc.get_sparse_core_info()
_NC = _INFO.num_cores
_NS = _INFO.num_subcores
_NW = _NC * _NS

V = 512

CS = 128
NBUF = 4
PER_W = (-(-N // _NW) + 7) // 8 * 8
NCH = -(-PER_W // CS)
STAGE = NCH * CS


def _make_kernel():
    mesh = plsc.VectorSubcoreMesh(core_axis_name="c", subcore_axis_name="s")
    scratch = [pltpu.VMEM((STAGE,), jnp.int32),
               pltpu.VMEM_SHARED((V, D), jnp.float32),
               pltpu.VMEM((NBUF * CS, D), jnp.float32),
               pltpu.SemaphoreType.DMA((NBUF,)),
               pltpu.SemaphoreType.DMA((NBUF,)),
               pltpu.SemaphoreType.DMA]

    @functools.partial(
        pl.kernel,
        mesh=mesh,
        out_type=jax.ShapeDtypeStruct((N, D), jnp.float32),
        scratch_types=scratch,
    )
    def emb(table_hbm, idx_hbm, out_hbm, idx_v, table_sh, rows_v, gsems, ssems,
            tsem):
        rows = [rows_v.at[pl.ds(b * CS, CS)] for b in range(NBUF)]
        gsem = [gsems.at[b] for b in range(NBUF)]
        ssem = [ssems.at[b] for b in range(NBUF)]

        sid = lax.axis_index("s")
        wid = sid * _NC + lax.axis_index("c")
        base = wid * PER_W

        seg = V // _NS
        tcp = pltpu.async_copy(table_hbm.at[pl.ds(sid * seg, seg)],
                               table_sh.at[pl.ds(sid * seg, seg)], tsem)
        stage0 = jnp.minimum(base, N - STAGE)
        pltpu.sync_copy(idx_hbm.at[pl.ds(stage0, STAGE)], idx_v)
        tcp.wait()
        plsc.subcore_barrier()

        r0 = [jnp.minimum(base + c * CS, N - CS) for c in range(NCH)]

        def gather(c, b):
            return pltpu.async_copy(
                table_sh.at[idx_v.at[pl.ds(r0[c] - stage0, CS)]],
                rows[b], gsem[b])

        def store(c, b):
            return pltpu.async_copy(
                rows[b], out_hbm.at[pl.ds(r0[c], CS)], ssem[b])

        warm = NBUF - 1
        gh, sh = {}, {}
        waited = set()
        for c in range(min(warm, NCH)):
            gh[c] = gather(c, c % NBUF)
        for c in range(NCH):
            b = c % NBUF
            j = c + warm
            if j < NCH:
                if j >= NBUF:
                    sh[j - NBUF].wait()
                    waited.add(j - NBUF)
                gh[j] = gather(j, j % NBUF)
            gh[c].wait()
            sh[c] = store(c, b)
        for c in range(NCH):
            if c not in waited:
                sh[c].wait()

    return emb


_EMB = _make_kernel()


def kernel(node_types, node_type_embeddings):
    return _EMB(node_type_embeddings, node_types)

# --- scband reference (transcript-rebuilt; emitter-appended) ---
"""Pipeline reference for scband-node-type-node-embedding-4698694221999 (READ-ONLY COPY).

The authoritative reference and input builder live on the scoring server;
editing this copy changes nothing except your own understanding.
"""

import jax, jax.numpy as jnp
import numpy as np

NUM_NODES = 100000
NUM_NODE_TYPES = 512
EMBEDDING_DIM = 128


def setup_inputs(seed: int = 0) -> dict:
    key = jax.random.key(seed)
    k_idx, k_tab = jax.random.split(key)
    node_types = jax.random.randint(k_idx, (NUM_NODES,), 0, NUM_NODE_TYPES, dtype=jnp.int32)
    # variance_scaling(1.0, 'fan_out', 'truncated_normal') on shape (num_node_types, embedding_dim)
    # fan_out = embedding_dim -> stddev = sqrt(1.0 / fan_out), truncated normal correction
    stddev = np.sqrt(1.0 / EMBEDDING_DIM) / 0.87962566103423978
    node_type_embeddings = stddev * jax.random.truncated_normal(
        k_tab, -2.0, 2.0, (NUM_NODE_TYPES, EMBEDDING_DIM), dtype=jnp.float32)
    return {"node_types": node_types, "node_type_embeddings": node_type_embeddings}


def reference(node_types, node_type_embeddings):
    # Faithful translation: initial node embeddings via type-index gather.
    return jnp.take(node_type_embeddings, node_types, axis=0)

if __name__ == "__main__":
    import jax
    _d = setup_inputs()
    print(jax.jit(kernel)(*tuple(_d.values())))

</pallas_src>

<mosaic_0001>
#map = affine_map<(d0, d1) -> (0, 0)>
#map1 = affine_map<(d0, d1) -> (0)>
module attributes {stable_mosaic.version = 14 : i64} {
  func.func @emb(%arg0: i32, %arg1: i32, %arg2: memref<512x128xf32, #tpu.memory_space<hbm>>, %arg3: memref<100000xi32, #tpu.memory_space<hbm>>, %arg4: memref<100000x128xf32, #tpu.memory_space<hbm>>, %arg5: memref<3200xi32, #tpu.memory_space<vmem>>, %arg6: memref<512x128xf32, #tpu.memory_space<vmem_shared>>, %arg7: memref<512x128xf32, #tpu.memory_space<vmem>>, %arg8: memref<4x!tpu.dma_semaphore, #tpu.memory_space<semaphore_mem>>, %arg9: memref<4x!tpu.dma_semaphore, #tpu.memory_space<semaphore_mem>>, %arg10: memref<!tpu.dma_semaphore, #tpu.memory_space<semaphore_mem>>) attributes {dimension_semantics = [#tpu.dimension_semantics<core_parallel>, #tpu.dimension_semantics<subcore_parallel>], iteration_bounds = array<i64: 2, 16>, scalar_prefetch = 0 : i64, scratch_operands = 6 : i64, tpu.core_type = #tpu.core_type<sc_vector_subcore>, window_params = [{transform_indices = #map}, {transform_indices = #map1}, {transform_indices = #map}]} {
    %mul3A = arith.constant 2 : i32
    %mul3A_0 = arith.muli %arg1, %mul3A : i32
    %add3A = arith.addi %mul3A_0, %arg0 : i32
    %mul3A_1 = arith.constant 3128 : i32
    %mul3A_2 = arith.muli %add3A, %mul3A_1 : i32
    %mul3A_3 = arith.constant 32 : i32
    %mul3A_4 = arith.muli %arg1, %mul3A_3 : i32
    %mul3A_5 = arith.constant 32 : i32
    %mul3A_6 = arith.muli %arg1, %mul3A_5 : i32
    %dma_start3A = arith.constant 0 : i32
    %dma_start3A_7 = tpu.memref_slice %arg6[%mul3A_6, %dma_start3A] : memref<512x128xf32, #tpu.memory_space<vmem_shared>> -> memref<32x128xf32, #tpu.memory_space<vmem_shared>>
    %dma_start3A_8 = arith.constant 0 : i32
    %dma_start3A_9 = tpu.memref_slice %arg2[%mul3A_4, %dma_start3A_8] : memref<512x128xf32, #tpu.memory_space<hbm>> -> memref<32x128xf32, #tpu.memory_space<hbm>>
    tpu.enqueue_dma source(%dma_start3A_9 : memref<32x128xf32, #tpu.memory_space<hbm>>) target(%dma_start3A_7 : memref<32x128xf32, #tpu.memory_space<vmem_shared>>) target_semaphore(%arg10 : memref<!tpu.dma_semaphore, #tpu.memory_space<semaphore_mem>>)
    %min3A = arith.constant 96800 : i32
    %min3A_10 = arith.minsi %mul3A_2, %min3A : i32
    "tpu.region"() ({
      %run_scoped3A = tpu.sem_alloc : memref<!tpu.dma_semaphore, #tpu.memory_space<semaphore_mem>>
      %dma_start3A_1288 = tpu.memref_slice %arg3[%min3A_10] : memref<100000xi32, #tpu.memory_space<hbm>> -> memref<3200xi32, #tpu.memory_space<hbm>>
      %dma_start3A_1289 = tpu.memref_slice %arg3[%min3A_10] : memref<100000xi32, #tpu.memory_space<hbm>> -> memref<3200xi32, #tpu.memory_space<hbm>>
      tpu.enqueue_dma source(%dma_start3A_1289 : memref<3200xi32, #tpu.memory_space<hbm>>) target(%arg5 : memref<3200xi32, #tpu.memory_space<vmem>>) target_semaphore(%run_scoped3A : memref<!tpu.dma_semaphore, #tpu.memory_space<semaphore_mem>>)
      %dma_wait3A_1290 = tpu.memref_slice %arg3[%min3A_10] : memref<100000xi32, #tpu.memory_space<hbm>> -> memref<3200xi32, #tpu.memory_space<hbm>>
      %dma_wait3A_1291 = tpu.memref_slice %arg3[%min3A_10] : memref<100000xi32, #tpu.memory_space<hbm>> -> memref<3200xi32, #tpu.memory_space<hbm>>
      tpu.wait_dma2 semaphore(%run_scoped3A : memref<!tpu.dma_semaphore, #tpu.memory_space<semaphore_mem>>) src(%dma_wait3A_1291 : memref<3200xi32, #tpu.memory_space<hbm>>) dst(%arg5 : memref<3200xi32, #tpu.memory_space<vmem>>)
      tpu.yield
    }) : () -> ()
    %dma_wait3A = arith.constant 0 : i32
    %dma_wait3A_11 = tpu.memref_slice %arg6[%mul3A_6, %dma_wait3A] : memref<512x128xf32, #tpu.memory_space<vmem_shared>> -> memref<32x128xf32, #tpu.memory_space<vmem_shared>>
    %dma_wait3A_12 = arith.constant 0 : i32
    %dma_wait3A_13 = tpu.memref_slice %arg2[%mul3A_4, %dma_wait3A_12] : memref<512x128xf32, #tpu.memory_space<hbm>> -> memref<32x128xf32, #tpu.memory_space<hbm>>
    tpu.wait_dma2 semaphore(%arg10 : memref<!tpu.dma_semaphore, #tpu.memory_space<semaphore_mem>>) src(%dma_wait3A_13 : memref<32x128xf32, #tpu.memory_space<hbm>>) dst(%dma_wait3A_11 : memref<32x128xf32, #tpu.memory_space<vmem_shared>>)
    %barrier3A = arith.constant 0 : index
    tpu.barrier barrier_id(%barrier3A)
    %add3A_14 = arith.constant 0 : i32
    %add3A_15 = arith.addi %mul3A_2, %add3A_14 : i32
    %min3A_16 = arith.constant 99872 : i32
    %min3A_17 = arith.minsi %add3A_15, %min3A_16 : i32
    %add3A_18 = arith.constant 128 : i32
    %add3A_19 = arith.addi %mul3A_2, %add3A_18 : i32
    %min3A_20 = arith.constant 99872 : i32
    %min3A_21 = arith.minsi %add3A_19, %min3A_20 : i32
    %add3A_22 = arith.constant 256 : i32
    %add3A_23 = arith.addi %mul3A_2, %add3A_22 : i32
    %min3A_24 = arith.constant 99872 : i32
    %min3A_25 = arith.minsi %add3A_23, %min3A_24 : i32
    %add3A_26 = arith.constant 384 : i32
    %add3A_27 = arith.addi %mul3A_2, %add3A_26 : i32
    %min3A_28 = arith.constant 99872 : i32
    %min3A_29 = arith.minsi %add3A_27, %min3A_28 : i32
    %add3A_30 = arith.constant 512 : i32
    %add3A_31 = arith.addi %mul3A_2, %add3A_30 : i32
    %min3A_32 = arith.constant 99872 : i32
    %min3A_33 = arith.minsi %add3A_31, %min3A_32 : i32
    %add3A_34 = arith.constant 640 : i32
    %add3A_35 = arith.addi %mul3A_2, %add3A_34 : i32
    %min3A_36 = arith.constant 99872 : i32
    %min3A_37 = arith.minsi %add3A_35, %min3A_36 : i32
    %add3A_38 = arith.constant 768 : i32
    %add3A_39 = arith.addi %mul3A_2, %add3A_38 : i32
    %min3A_40 = arith.constant 99872 : i32
    %min3A_41 = arith.minsi %add3A_39, %min3A_40 : i32
    %add3A_42 = arith.constant 896 : i32
    %add3A_43 = arith.addi %mul3A_2, %add3A_42 : i32
    %min3A_44 = arith.constant 99872 : i32
    %min3A_45 = arith.minsi %add3A_43, %min3A_44 : i32
    %add3A_46 = arith.constant 1024 : i32
    %add3A_47 = arith.addi %mul3A_2, %add3A_46 : i32
    %min3A_48 = arith.constant 99872 : i32
    %min3A_49 = arith.minsi %add3A_47, %min3A_48 : i32
    %add3A_50 = arith.constant 1152 : i32
    %add3A_51 = arith.addi %mul3A_2, %add3A_50 : i32
    %min3A_52 = arith.constant 99872 : i32
    %min3A_53 = arith.minsi %add3A_51, %min3A_52 : i32
    %add3A_54 = arith.constant 1280 : i32
    %add3A_55 = arith.addi %mul3A_2, %add3A_54 : i32
    %min3A_56 = arith.constant 99872 : i32
    %min3A_57 = arith.minsi %add3A_55, %min3A_56 : i32
    %add3A_58 = arith.constant 1408 : i32
    %add3A_59 = arith.addi %mul3A_2, %add3A_58 : i32
    %min3A_60 = arith.constant 99872 : i32
    %min3A_61 = arith.minsi %add3A_59, %min3A_60 : i32
    %add3A_62 = arith.constant 1536 : i32
    %add3A_63 = arith.addi %mul3A_2, %add3A_62 : i32
    %min3A_64 = arith.constant 99872 : i32
    %min3A_65 = arith.minsi %add3A_63, %min3A_64 : i32
    %add3A_66 = arith.constant 1664 : i32
    %add3A_67 = arith.addi %mul3A_2, %add3A_66 : i32
    %min3A_68 = arith.constant 99872 : i32
    %min3A_69 = arith.minsi %add3A_67, %min3A_68 : i32
    %add3A_70 = arith.constant 1792 : i32
    %add3A_71 = arith.addi %mul3A_2, %add3A_70 : i32
    %min3A_72 = arith.constant 99872 : i32
    %min3A_73 = arith.minsi %add3A_71, %min3A_72 : i32
    %add3A_74 = arith.constant 1920 : i32
    %add3A_75 = arith.addi %mul3A_2, %add3A_74 : i32
    %min3A_76 = arith.constant 99872 : i32
    %min3A_77 = arith.minsi %add3A_75, %min3A_76 : i32
    %add3A_78 = arith.constant 2048 : i32
    %add3A_79 = arith.addi %mul3A_2, %add3A_78 : i32
    %min3A_80 = arith.constant 99872 : i32
    %min3A_81 = arith.minsi %add3A_79, %min3A_80 : i32
    %add3A_82 = arith.constant 2176 : i32
    %add3A_83 = arith.addi %mul3A_2, %add3A_82 : i32
    %min3A_84 = arith.constant 99872 : i32
    %min3A_85 = arith.minsi %add3A_83, %min3A_84 : i32
    %add3A_86 = arith.constant 2304 : i32
    %add3A_87 = arith.addi %mul3A_2, %add3A_86 : i32
    %min3A_88 = arith.constant 99872 : i32
    %min3A_89 = arith.minsi %add3A_87, %min3A_88 : i32
    %add3A_90 = arith.constant 2432 : i32
    %add3A_91 = arith.addi %mul3A_2, %add3A_90 : i32
    %min3A_92 = arith.constant 99872 : i32
    %min3A_93 = arith.minsi %add3A_91, %min3A_92 : i32
    %add3A_94 = arith.constant 2560 : i32
    %add3A_95 = arith.addi %mul3A_2, %add3A_94 : i32
    %min3A_96 = arith.constant 99872 : i32
    %min3A_97 = arith.minsi %add3A_95, %min3A_96 : i32
    %add3A_98 = arith.constant 2688 : i32
    %add3A_99 = arith.addi %mul3A_2, %add3A_98 : i32
    %min3A_100 = arith.constant 99872 : i32
    %min3A_101 = arith.minsi %add3A_99, %min3A_100 : i32
    %add3A_102 = arith.constant 2816 : i32
    %add3A_103 = arith.addi %mul3A_2, %add3A_102 : i32
    %min3A_104 = arith.constant 99872 : i32
    %min3A_105 = arith.minsi %add3A_103, %min3A_104 : i32
    %add3A_106 = arith.constant 2944 : i32
    %add3A_107 = arith.addi %mul3A_2, %add3A_106 : i32
    %min3A_108 = arith.constant 99872 : i32
    %min3A_109 = arith.minsi %add3A_107, %min3A_108 : i32
    %add3A_110 = arith.constant 3072 : i32
    %add3A_111 = arith.addi %mul3A_2, %add3A_110 : i32
    %min3A_112 = arith.constant 99872 : i32
    %min3A_113 = arith.minsi %add3A_111, %min3A_112 : i32
    %sub3A = arith.subi %min3A_17, %min3A_10 : i32
    %dma_start3A_114 = arith.constant 0 : i32
    %dma_start3A_115 = arith.constant 0 : i32
    %dma_start3A_116 = arith.constant 0 : i32
    %dma_start3A_117 = tpu.memref_slice %arg7[%dma_start3A_115, %dma_start3A_116] : memref<512x128xf32, #tpu.memory_space<vmem>> -> memref<128x128xf32, #tpu.memory_space<vmem>>
    %dma_start3A_118 = tpu.memref_slice %arg5[%sub3A] : memref<3200xi32, #tpu.memory_space<vmem>> -> memref<128xi32, #tpu.memory_space<vmem>>
    %dma_start3A_119 = arith.constant 0 : i32
    %dma_start3A_120 = arith.constant 0 : i32
    %dma_start3A_121 = tpu.memref_slice %arg6[%dma_start3A_119, %dma_start3A_120] : memref<512x128xf32, #tpu.memory_space<vmem_shared>> -> memref<512x128xf32, #tpu.memory_space<vmem_shared>>
    %dma_start3A_122 = tpu.memref_slice %arg8[%dma_start3A_114] : memref<4x!tpu.dma_semaphore, #tpu.memory_space<semaphore_mem>> -> memref<1x!tpu.dma_semaphore, #tpu.memory_space<semaphore_mem>>
    %dma_start3A_123 = tpu.memref_squeeze %dma_start3A_122 : memref<1x!tpu.dma_semaphore, #tpu.memory_space<semaphore_mem>> -> memref<!tpu.dma_semaphore, #tpu.memory_space<semaphore_mem>>
    tpu.enqueue_indirect_dma source(%dma_start3A_121 : memref<512x128xf32, #tpu.memory_space<vmem_shared>>) target(%dma_start3A_117 : memref<128x128xf32, #tpu.memory_space<vmem>>) offsets(%dma_start3A_118 : memref<128xi32, #tpu.memory_space<vmem>>) semaphore(%dma_start3A_123 : memref<!tpu.dma_semaphore, #tpu.memory_space<semaphore_mem>>)
    %sub3A_124 = arith.subi %min3A_21, %min3A_10 : i32
    %dma_start3A_125 = arith.constant 1 : i32
    %dma_start3A_126 = arith.constant 128 : i32
    %dma_start3A_127 = arith.constant 0 : i32
    %dma_start3A_128 = tpu.memref_slice %arg7[%dma_start3A_126, %dma_start3A_127] : memref<512x128xf32, #tpu.memory_space<vmem>> -> memref<128x128xf32, #tpu.memory_space<vmem>>
    %dma_start3A_129 = tpu.memref_slice %arg5[%sub3A_124] : memref<3200xi32, #tpu.memory_space<vmem>> -> memref<128xi32, #tpu.memory_space<vmem>>
    %dma_start3A_130 = arith.constant 0 : i32
    %dma_start3A_131 = arith.constant 0 : i32
    %dma_start3A_132 = tpu.memref_slice %arg6[%dma_start3A_130, %dma_start3A_131] : memref<512x128xf32, #tpu.memory_space<vmem_shared>> -> memref<512x128xf32, #tpu.memory_space<vmem_shared>>
    %dma_start3A_133 = tpu.memref_slice %arg8[%dma_start3A_125] : memref<4x!tpu.dma_semaphore, #tpu.memory_space<semaphore_mem>> -> memref<1x!tpu.dma_semaphore, #tpu.memory_space<semaphore_mem>>
    %dma_start3A_134 = tpu.memref_squeeze %dma_start3A_133 : memref<1x!tpu.dma_semaphore, #tpu.memory_space<semaphore_mem>> -> memref<!tpu.dma_semaphore, #tpu.memory_space<semaphore_mem>>
    tpu.enqueue_indirect_dma source(%dma_start3A_132 : memref<512x128xf32, #tpu.memory_space<vmem_shared>>) target(%dma_start3A_128 : memref<128x128xf32, #tpu.memory_space<vmem>>) offsets(%dma_start3A_129 : memref<128xi32, #tpu.memory_space<vmem>>) semaphore(%dma_start3A_134 : memref<!tpu.dma_semaphore, #tpu.memory_space<semaphore_mem>>)
    %sub3A_135 = arith.subi %min3A_25, %min3A_10 : i32
    %dma_start3A_136 = arith.constant 2 : i32
    %dma_start3A_137 = arith.constant 256 : i32
    %dma_start3A_138 = arith.constant 0 : i32
    %dma_start3A_139 = tpu.memref_slice %arg7[%dma_start3A_137, %dma_start3A_138] : memref<512x128xf32, #tpu.memory_space<vmem>> -> memref<128x128xf32, #tpu.memory_space<vmem>>
    %dma_start3A_140 = tpu.memref_slice %arg5[%sub3A_135] : memref<3200xi32, #tpu.memory_space<vmem>> -> memref<128xi32, #tpu.memory_space<vmem>>
    %dma_start3A_141 = arith.constant 0 : i32
    %dma_start3A_142 = arith.constant 0 : i32
    %dma_start3A_143 = tpu.memref_slice %arg6[%dma_start3A_141, %dma_start3A_142] : memref<512x128xf32, #tpu.memory_space<vmem_shared>> -> memref<512x128xf32, #tpu.memory_space<vmem_shared>>
    %dma_start3A_144 = tpu.memref_slice %arg8[%dma_start3A_136] : memref<4x!tpu.dma_semaphore, #tpu.memory_space<semaphore_mem>> -> memref<1x!tpu.dma_semaphore, #tpu.memory_space<semaphore_mem>>
    %dma_start3A_145 = tpu.memref_squeeze %dma_start3A_144 : memref<1x!tpu.dma_semaphore, #tpu.memory_space<semaphore_mem>> -> memref<!tpu.dma_semaphore, #tpu.memory_space<semaphore_mem>>
    tpu.enqueue_indirect_dma source(%dma_start3A_143 : memref<512x128xf32, #tpu.memory_space<vmem_shared>>) target(%dma_start3A_139 : memref<128x128xf32, #tpu.memory_space<vmem>>) offsets(%dma_start3A_140 : memref<128xi32, #tpu.memory_space<vmem>>) semaphore(%dma_start3A_145 : memref<!tpu.dma_semaphore, #tpu.memory_space<semaphore_mem>>)
    %sub3A_146 = arith.subi %min3A_29, %min3A_10 : i32
    %dma_start3A_147 = arith.constant 3 : i32
    %dma_start3A_148 = arith.constant 384 : i32
    %dma_start3A_149 = arith.constant 0 : i32
    %dma_start3A_150 = tpu.memref_slice %arg7[%dma_start3A_148, %dma_start3A_149] : memref<512x128xf32, #tpu.memory_space<vmem>> -> memref<128x128xf32, #tpu.memory_space<vmem>>
    %dma_start3A_151 = tpu.memref_slice %arg5[%sub3A_146] : memref<3200xi32, #tpu.memory_space<vmem>> -> memref<128xi32, #tpu.memory_space<vmem>>
    %dma_start3A_152 = arith.constant 0 : i32
    %dma_start3A_153 = arith.constant 0 : i32
    %dma_start3A_154 = tpu.memref_slice %arg6[%dma_start3A_152, %dma_start3A_153] : memref<512x128xf32, #tpu.memory_space<vmem_shared>> -> memref<512x128xf32, #tpu.memory_space<vmem_shared>>
    %dma_start3A_155 = tpu.memref_slice %arg8[%dma_start3A_147] : memref<4x!tpu.dma_semaphore, #tpu.memory_space<semaphore_mem>> -> memref<1x!tpu.dma_semaphore, #tpu.memory_space<semaphore_mem>>
    %dma_start3A_156 = tpu.memref_squeeze %dma_start3A_155 : memref<1x!tpu.dma_semaphore, #tpu.memory_space<semaphore_mem>> -> memref<!tpu.dma_semaphore, #tpu.memory_space<semaphore_mem>>
    tpu.enqueue_indirect_dma source(%dma_start3A_154 : memref<512x128xf32, #tpu.memory_space<vmem_shared>>) target(%dma_start3A_150 : memref<128x128xf32, #tpu.memory_space<vmem>>) offsets(%dma_start3A_151 : memref<128xi32, #tpu.memory_space<vmem>>) semaphore(%dma_start3A_156 : memref<!tpu.dma_semaphore, #tpu.memory_space<semaphore_mem>>)
    %dma_wait3A_157 = arith.constant 0 : i32
    %dma_wait3A_158 = arith.constant 0 : i32
    %dma_wait3A_159 = arith.constant 0 : i32
    %dma_wait3A_160 = tpu.memref_slice %arg7[%dma_wait3A_158, %dma_wait3A_159] : memref<512x128xf32, #tpu.memory_space<vmem>> -> memref<128x128xf32, #tpu.memory_space<vmem>>
    %dma_wait3A_161 = tpu.memref_slice %arg5[%sub3A] : memref<3200xi32, #tpu.memory_space<vmem>> -> memref<128xi32, #tpu.memory_space<vmem>>
    %dma_wait3A_162 = arith.constant 0 : i32
    %dma_wait3A_163 = arith.constant 0 : i32
    %dma_wait3A_164 = tpu.memref_slice %arg6[%dma_wait3A_162, %dma_wait3A_163] : memref<512x128xf32, #tpu.memory_space<vmem_shared>> -> memref<512x128xf32, #tpu.memory_space<vmem_shared>>
    %dma_wait3A_165 = tpu.memref_slice %arg8[%dma_wait3A_157] : memref<4x!tpu.dma_semaphore, #tpu.memory_space<semaphore_mem>> -> memref<1x!tpu.dma_semaphore, #tpu.memory_space<semaphore_mem>>
    %dma_wait3A_166 = tpu.memref_squeeze %dma_wait3A_165 : memref<1x!tpu.dma_semaphore, #tpu.memory_space<semaphore_mem>> -> memref<!tpu.dma_semaphore, #tpu.memory_space<semaphore_mem>>
    tpu.wait_indirect_dma semaphore(%dma_wait3A_166 : memref<!tpu.dma_semaphore, #tpu.memory_space<semaphore_mem>>) src(%dma_wait3A_164 : memref<512x128xf32, #tpu.memory_space<vmem_shared>>) dst(%dma_wait3A_160 : memref<128x128xf32, #tpu.memory_space<vmem>>)
    %dma_start3A_167 = arith.constant 0 : i32
    %dma_start3A_168 = arith.constant 0 : i32
    %dma_start3A_169 = arith.constant 0 : i32
    %dma_start3A_170 = tpu.memref_slice %arg7[%dma_start3A_168, %dma_start3A_169] : memref<512x128xf32, #tpu.memory_space<vmem>> -> memref<128x128xf32, #tpu.memory_space<vmem>>
    %dma_start3A_171 = arith.constant 0 : i32
    %dma_start3A_172 = tpu.memref_slice %arg4[%min3A_17, %dma_start3A_171] : memref<100000x128xf32, #tpu.memory_space<hbm>> -> memref<128x128xf32, #tpu.memory_space<hbm>>
    %dma_start3A_173 = tpu.memref_slice %arg9[%dma_start3A_167] : memref<4x!tpu.dma_semaphore, #tpu.memory_space<semaphore_mem>> -> memref<1x!tpu.dma_semaphore, #tpu.memory_space<semaphore_mem>>
    %dma_start3A_174 = tpu.memref_squeeze %dma_start3A_173 : memref<1x!tpu.dma_semaphore, #tpu.memory_space<semaphore_mem>> -> memref<!tpu.dma_semaphore, #tpu.memory_space<semaphore_mem>>
    %dma_start3A_175 = arith.constant 0 : i32
    %dma_start3A_176 = tpu.memref_slice %arg4[%min3A_17, %dma_start3A_175] : memref<100000x128xf32, #tpu.memory_space<hbm>> -> memref<128x128xf32, #tpu.memory_space<hbm>>
    %dma_start3A_177 = arith.constant 0 : i32
    %dma_start3A_178 = arith.constant 0 : i32
    %dma_start3A_179 = tpu.memref_slice %arg7[%dma_start3A_177, %dma_start3A_178] : memref<512x128xf32, #tpu.memory_space<vmem>> -> memref<128x128xf32, #tpu.memory_space<vmem>>
    tpu.enqueue_dma source(%dma_start3A_179 : memref<128x128xf32, #tpu.memory_space<vmem>>) target(%dma_start3A_176 : memref<128x128xf32, #tpu.memory_space<hbm>>) target_semaphore(%dma_start3A_174 : memref<!tpu.dma_semaphore, #tpu.memory_space<semaphore_mem>>)
    %dma_wait3A_180 = arith.constant 0 : i32
    %dma_wait3A_181 = arith.constant 0 : i32
    %dma_wait3A_182 = arith.constant 0 : i32
    %dma_wait3A_183 = tpu.memref_slice %arg7[%dma_wait3A_181, %dma_wait3A_182] : memref<512x128xf32, #tpu.memory_space<vmem>> -> memref<128x128xf32, #tpu.memory_space<vmem>>
    %dma_wait3A_184 = arith.constant 0 : i32
    %dma_wait3A_185 = tpu.memref_slice %arg4[%min3A_17, %dma_wait3A_184] : memref<100000x128xf32, #tpu.memory_space<hbm>> -> memref<128x128xf32, #tpu.memory_space<hbm>>
    %dma_wait3A_186 = tpu.memref_slice %arg9[%dma_wait3A_180] : memref<4x!tpu.dma_semaphore, #tpu.memory_space<semaphore_mem>> -> memref<1x!tpu.dma_semaphore, #tpu.memory_space<semaphore_mem>>
    %dma_wait3A_187 = tpu.memref_squeeze %dma_wait3A_186 : memref<1x!tpu.dma_semaphore, #tpu.memory_space<semaphore_mem>> -> memref<!tpu.dma_semaphore, #tpu.memory_space<semaphore_mem>>
    %dma_wait3A_188 = arith.constant 0 : i32
    %dma_wait3A_189 = tpu.memref_slice %arg4[%min3A_17, %dma_wait3A_188] : memref<100000x128xf32, #tpu.memory_space<hbm>> -> memref<128x128xf32, #tpu.memory_space<hbm>>
    %dma_wait3A_190 = arith.constant 0 : i32
    %dma_wait3A_191 = arith.constant 0 : i32
    %dma_wait3A_192 = tpu.memref_slice %arg7[%dma_wait3A_190, %dma_wait3A_191] : memref<512x128xf32, #tpu.memory_space<vmem>> -> memref<128x128xf32, #tpu.memory_space<vmem>>
    tpu.wait_dma2 semaphore(%dma_wait3A_187 : memref<!tpu.dma_semaphore, #tpu.memory_space<semaphore_mem>>) src(%dma_wait3A_192 : memref<128x128xf32, #tpu.memory_space<vmem>>) dst(%dma_wait3A_189 : memref<128x128xf32, #tpu.memory_space<hbm>>)
    %sub3A_193 = arith.subi %min3A_33, %min3A_10 : i32
    %dma_start3A_194 = arith.constant 0 : i32
    %dma_start3A_195 = arith.constant 0 : i32
    %dma_start3A_196 = arith.constant 0 : i32
    %dma_start3A_197 = tpu.memref_slice %arg7[%dma_start3A_195, %dma_start3A_196] : memref<512x128xf32, #tpu.memory_space<vmem>> -> memref<128x128xf32, #tpu.memory_space<vmem>>
    %dma_start3A_198 = tpu.memref_slice %arg5[%sub3A_193] : memref<3200xi32, #tpu.memory_space<vmem>> -> memref<128xi32, #tpu.memory_space<vmem>>
    %dma_start3A_199 = arith.constant 0 : i32
    %dma_start3A_200 = arith.constant 0 : i32
    %dma_start3A_201 = tpu.memref_slice %arg6[%dma_start3A_199, %dma_start3A_200] : memref<512x128xf32, #tpu.memory_space<vmem_shared>> -> memref<512x128xf32, #tpu.memory_space<vmem_shared>>
    %dma_start3A_202 = tpu.memref_slice %arg8[%dma_start3A_194] : memref<4x!tpu.dma_semaphore, #tpu.memory_space<semaphore_mem>> -> memref<1x!tpu.dma_semaphore, #tpu.memory_space<semaphore_mem>>
    %dma_start3A_203 = tpu.memref_squeeze %dma_start3A_202 : memref<1x!tpu.dma_semaphore, #tpu.memory_space<semaphore_mem>> -> memref<!tpu.dma_semaphore, #tpu.memory_space<semaphore_mem>>
    tpu.enqueue_indirect_dma source(%dma_start3A_201 : memref<512x128xf32, #tpu.memory_space<vmem_shared>>) target(%dma_start3A_197 : memref<128x128xf32, #tpu.memory_space<vmem>>) offsets(%dma_start3A_198 : memref<128xi32, #tpu.memory_space<vmem>>) semaphore(%dma_start3A_203 : memref<!tpu.dma_semaphore, #tpu.memory_space<semaphore_mem>>)
    %dma_wait3A_204 = arith.constant 1 : i32
    %dma_wait3A_205 = arith.constant 128 : i32
    %dma_wait3A_206 = arith.constant 0 : i32
    %dma_wait3A_207 = tpu.memref_slice %arg7[%dma_wait3A_205, %dma_wait3A_206] : memref<512x128xf32, #tpu.memory_space<vmem>> -> memref<128x128xf32, #tpu.memory_space<vmem>>
    %dma_wait3A_208 = tpu.memref_slice %arg5[%sub3A_124] : memref<3200xi32, #tpu.memory_space<vmem>> -> memref<128xi32, #tpu.memory_space<vmem>>
    %dma_wait3A_209 = arith.constant 0 : i32
    %dma_wait3A_210 = arith.constant 0 : i32
    %dma_wait3A_211 = tpu.memref_slice %arg6[%dma_wait3A_209, %dma_wait3A_210] : memref<512x128xf32, #tpu.memory_space<vmem_shared>> -> memref<512x128xf32, #tpu.memory_space<vmem_shared>>
    %dma_wait3A_212 = tpu.memref_slice %arg8[%dma_wait3A_204] : memref<4x!tpu.dma_semaphore, #tpu.memory_space<semaphore_mem>> -> memref<1x!tpu.dma_semaphore, #tpu.memory_space<semaphore_mem>>
    %dma_wait3A_213 = tpu.memref_squeeze %dma_wait3A_212 : memref<1x!tpu.dma_semaphore, #tpu.memory_space<semaphore_mem>> -> memref<!tpu.dma_semaphore, #tpu.memory_space<semaphore_mem>>
    tpu.wait_indirect_dma semaphore(%dma_wait3A_213 : memref<!tpu.dma_semaphore, #tpu.memory_space<semaphore_mem>>) src(%dma_wait3A_211 : memref<512x128xf32, #tpu.memory_space<vmem_shared>>) dst(%dma_wait3A_207 : memref<128x128xf32, #tpu.memory_space<vmem>>)
    %dma_start3A_214 = arith.constant 1 : i32
    %dma_start3A_215 = arith.constant 128 : i32
    %dma_start3A_216 = arith.constant 0 : i32
    %dma_start3A_217 = tpu.memref_slice %arg7[%dma_start3A_215, %dma_start3A_216] : memref<512x128xf32, #tpu.memory_space<vmem>> -> memref<128x128xf32, #tpu.memory_space<vmem>>
    %dma_start3A_218 = arith.constant 0 : i32
    %dma_start3A_219 = tpu.memref_slice %arg4[%min3A_21, %dma_start3A_218] : memref<100000x128xf32, #tpu.memory_space<hbm>> -> memref<128x128xf32, #tpu.memory_space<hbm>>
    %dma_start3A_220 = tpu.memref_slice %arg9[%dma_start3A_214] : memref<4x!tpu.dma_semaphore, #tpu.memory_space<semaphore_mem>> -> memref<1x!tpu.dma_semaphore, #tpu.memory_space<semaphore_mem>>
    %dma_start3A_221 = tpu.memref_squeeze %dma_start3A_220 : memref<1x!tpu.dma_semaphore, #tpu.memory_space<semaphore_mem>> -> memref<!tpu.dma_semaphore, #tpu.memory_space<semaphore_mem>>
    %dma_start3A_222 = arith.constant 0 : i32
    %dma_start3A_223 = tpu.memref_slice %arg4[%min3A_21, %dma_start3A_222] : memref<100000x128xf32, #tpu.memory_space<hbm>> -> memref<128x128xf32, #tpu.memory_space<hbm>>
    %dma_start3A_224 = arith.constant 128 : i32
    %dma_start3A_225 = arith.constant 0 : i32
    %dma_start3A_226 = tpu.memref_slice %arg7[%dma_start3A_224, %dma_start3A_225] : memref<512x128xf32, #tpu.memory_space<vmem>> -> memref<128x128xf32, #tpu.memory_space<vmem>>
    tpu.enqueue_dma source(%dma_start3A_226 : memref<128x128xf32, #tpu.memory_space<vmem>>) target(%dma_start3A_223 : memref<128x128xf32, #tpu.memory_space<hbm>>) target_semaphore(%dma_start3A_221 : memref<!tpu.dma_semaphore, #tpu.memory_space<semaphore_mem>>)
    %dma_wait3A_227 = arith.constant 1 : i32
    %dma_wait3A_228 = arith.constant 128 : i32
    %dma_wait3A_229 = arith.constant 0 : i32
    %dma_wait3A_230 = tpu.memref_slice %arg7[%dma_wait3A_228, %dma_wait3A_229] : memref<512x128xf32, #tpu.memory_space<vmem>> -> memref<128x128xf32, #tpu.memory_space<vmem>>
    %dma_wait3A_231 = arith.constant 0 : i32
    %dma_wait3A_232 = tpu.memref_slice %arg4[%min3A_21, %dma_wait3A_231] : memref<100000x128xf32, #tpu.memory_space<hbm>> -> memref<128x128xf32, #tpu.memory_space<hbm>>
    %dma_wait3A_233 = tpu.memref_slice %arg9[%dma_wait3A_227] : memref<4x!tpu.dma_semaphore, #tpu.memory_space<semaphore_mem>> -> memref<1x!tpu.dma_semaphore, #tpu.memory_space<semaphore_mem>>
    %dma_wait3A_234 = tpu.memref_squeeze %dma_wait3A_233 : memref<1x!tpu.dma_semaphore, #tpu.memory_space<semaphore_mem>> -> memref<!tpu.dma_semaphore, #tpu.memory_space<semaphore_mem>>
    %dma_wait3A_235 = arith.constant 0 : i32
    %dma_wait3A_236 = tpu.memref_slice %arg4[%min3A_21, %dma_wait3A_235] : memref<100000x128xf32, #tpu.memory_space<hbm>> -> memref<128x128xf32, #tpu.memory_space<hbm>>
    %dma_wait3A_237 = arith.constant 128 : i32
    %dma_wait3A_238 = arith.constant 0 : i32
    %dma_wait3A_239 = tpu.memref_slice %arg7[%dma_wait3A_237, %dma_wait3A_238] : memref<512x128xf32, #tpu.memory_space<vmem>> -> memref<128x128xf32, #tpu.memory_space<vmem>>
    tpu.wait_dma2 semaphore(%dma_wait3A_234 : memref<!tpu.dma_semaphore, #tpu.memory_space<semaphore_mem>>) src(%dma_wait3A_239 : memref<128x128xf32, #tpu.memory_space<vmem>>) dst(%dma_wait3A_236 : memref<128x128xf32, #tpu.memory_space<hbm>>)
    %sub3A_240 = arith.subi %min3A_37, %min3A_10 : i32
    %dma_start3A_241 = arith.constant 1 : i32
    %dma_start3A_242 = arith.constant 128 : i32
    %dma_start3A_243 = arith.constant 0 : i32
    %dma_start3A_244 = tpu.memref_slice %arg7[%dma_start3A_242, %dma_start3A_243] : memref<512x128xf32, #tpu.memory_space<vmem>> -> memref<128x128xf32, #tpu.memory_space<vmem>>
    %dma_start3A_245 = tpu.memref_slice %arg5[%sub3A_240] : memref<3200xi32, #tpu.memory_space<vmem>> -> memref<128xi32, #tpu.memory_space<vmem>>
    %dma_start3A_246 = arith.constant 0 : i32
    %dma_start3A_247 = arith.constant 0 : i32
    %dma_start3A_248 = tpu.memref_slice %arg6[%dma_start3A_246, %dma_start3A_247] : memref<512x128xf32, #tpu.memory_space<vmem_shared>> -> memref<512x128xf32, #tpu.memory_space<vmem_shared>>
    %dma_start3A_249 = tpu.memref_slice %arg8[%dma_start3A_241] : memref<4x!tpu.dma_semaphore, #tpu.memory_space<semaphore_mem>> -> memref<1x!tpu.dma_semaphore, #tpu.memory_space<semaphore_mem>>
    %dma_start3A_250 = tpu.memref_squeeze %dma_start3A_249 : memref<1x!tpu.dma_semaphore, #tpu.memory_space<semaphore_mem>> -> memref<!tpu.dma_semaphore, #tpu.memory_space<semaphore_mem>>
    tpu.enqueue_indirect_dma source(%dma_start3A_248 : memref<512x128xf32, #tpu.memory_space<vmem_shared>>) target(%dma_start3A_244 : memref<128x128xf32, #tpu.memory_space<vmem>>) offsets(%dma_start3A_245 : memref<128xi32, #tpu.memory_space<vmem>>) semaphore(%dma_start3A_250 : memref<!tpu.dma_semaphore, #tpu.memory_space<semaphore_mem>>)
    %dma_wait3A_251 = arith.constant 2 : i32
    %dma_wait3A_252 = arith.constant 256 : i32
    %dma_wait3A_253 = arith.constant 0 : i32
    %dma_wait3A_254 = tpu.memref_slice %arg7[%dma_wait3A_252, %dma_wait3A_253] : memref<512x128xf32, #tpu.memory_space<vmem>> -> memref<128x128xf32, #tpu.memory_space<vmem>>
    %dma_wait3A_255 = tpu.memref_slice %arg5[%sub3A_135] : memref<3200xi32, #tpu.memory_space<vmem>> -> memref<128xi32, #tpu.memory_space<vmem>>
    %dma_wait3A_256 = arith.constant 0 : i32
    %dma_wait3A_257 = arith.constant 0 : i32
    %dma_wait3A_258 = tpu.memref_slice %arg6[%dma_wait3A_256, %dma_wait3A_257] : memref<512x128xf32, #tpu.memory_space<vmem_shared>> -> memref<512x128xf32, #tpu.memory_space<vmem_shared>>
    %dma_wait3A_259 = tpu.memref_slice %arg8[%dma_wait3A_251] : memref<4x!tpu.dma_semaphore, #tpu.memory_space<semaphore_mem>> -> memref<1x!tpu.dma_semaphore, #tpu.memory_space<semaphore_mem>>
    %dma_wait3A_260 = tpu.memref_squeeze %dma_wait3A_259 : memref<1x!tpu.dma_semaphore, #tpu.memory_space<semaphore_mem>> -> memref<!tpu.dma_semaphore, #tpu.memory_space<semaphore_mem>>
    tpu.wait_indirect_dma semaphore(%dma_wait3A_260 : memref<!tpu.dma_semaphore, #tpu.memory_space<semaphore_mem>>) src(%dma_wait3A_258 : memref<512x128xf32, #tpu.memory_space<vmem_shared>>) dst(%dma_wait3A_254 : memref<128x128xf32, #tpu.memory_space<vmem>>)
    %dma_start3A_261 = arith.constant 2 : i32
    %dma_start3A_262 = arith.constant 256 : i32
    %dma_start3A_263 = arith.constant 0 : i32
    %dma_start3A_264 = tpu.memref_slice %arg7[%dma_start3A_262, %dma_start3A_263] : memref<512x128xf32, #tpu.memory_space<vmem>> -> memref<128x128xf32, #tpu.memory_space<vmem>>
    %dma_start3A_265 = arith.constant 0 : i32
    %dma_start3A_266 = tpu.memref_slice %arg4[%min3A_25, %dma_start3A_265] : memref<100000x128xf32, #tpu.memory_space<hbm>> -> memref<128x128xf32, #tpu.memory_space<hbm>>
    %dma_start3A_267 = tpu.memref_slice %arg9[%dma_start3A_261] : memref<4x!tpu.dma_semaphore, #tpu.memory_space<semaphore_mem>> -> memref<1x!tpu.dma_semaphore, #tpu.memory_space<semaphore_mem>>
    %dma_start3A_268 = tpu.memref_squeeze %dma_start3A_267 : memref<1x!tpu.dma_semaphore, #tpu.memory_space<semaphore_mem>> -> memref<!tpu.dma_semaphore, #tpu.memory_space<semaphore_mem>>
    %dma_start3A_269 = arith.constant 0 : i32
    %dma_start3A_270 = tpu.memref_slice %arg4[%min3A_25, %dma_start3A_269] : memref<100000x128xf32, #tpu.memory_space<hbm>> -> memref<128x128xf32, #tpu.memory_space<hbm>>
    %dma_start3A_271 = arith.constant 256 : i32
    %dma_start3A_272 = arith.constant 0 : i32
    %dma_start3A_273 = tpu.memref_slice %arg7[%dma_start3A_271, %dma_start3A_272] : memref<512x128xf32, #tpu.memory_space<vmem>> -> memref<128x128xf32, #tpu.memory_space<vmem>>
    tpu.enqueue_dma source(%dma_start3A_273 : memref<128x128xf32, #tpu.memory_space<vmem>>) target(%dma_start3A_270 : memref<128x128xf32, #tpu.memory_space<hbm>>) target_semaphore(%dma_start3A_268 : memref<!tpu.dma_semaphore, #tpu.memory_space<semaphore_mem>>)
    %dma_wait3A_274 = arith.constant 2 : i32
    %dma_wait3A_275 = arith.constant 256 : i32
    %dma_wait3A_276 = arith.constant 0 : i32
    %dma_wait3A_277 = tpu.memref_slice %arg7[%dma_wait3A_275, %dma_wait3A_276] : memref<512x128xf32, #tpu.memory_space<vmem>> -> memref<128x128xf32, #tpu.memory_space<vmem>>
    %dma_wait3A_278 = arith.constant 0 : i32
    %dma_wait3A_279 = tpu.memref_slice %arg4[%min3A_25, %dma_wait3A_278] : memref<100000x128xf32, #tpu.memory_space<hbm>> -> memref<128x128xf32, #tpu.memory_space<hbm>>
    %dma_wait3A_280 = tpu.memref_slice %arg9[%dma_wait3A_274] : memref<4x!tpu.dma_semaphore, #tpu.memory_space<semaphore_mem>> -> memref<1x!tpu.dma_semaphore, #tpu.memory_space<semaphore_mem>>
    %dma_wait3A_281 = tpu.memref_squeeze %dma_wait3A_280 : memref<1x!tpu.dma_semaphore, #tpu.memory_space<semaphore_mem>> -> memref<!tpu.dma_semaphore, #tpu.memory_space<semaphore_mem>>
    %dma_wait3A_282 = arith.constant 0 : i32
    %dma_wait3A_283 = tpu.memref_slice %arg4[%min3A_25, %dma_wait3A_282] : memref<100000x128xf32, #tpu.memory_space<hbm>> -> memref<128x128xf32, #tpu.memory_space<hbm>>
    %dma_wait3A_284 = arith.constant 256 : i32
    %dma_wait3A_285 = arith.constant 0 : i32
    %dma_wait3A_286 = tpu.memref_slice %arg7[%dma_wait3A_284, %dma_wait3A_285] : memref<512x128xf32, #tpu.memory_space<vmem>> -> memref<128x128xf32, #tpu.memory_space<vmem>>
    tpu.wait_dma2 semaphore(%dma_wait3A_281 : memref<!tpu.dma_semaphore, #tpu.memory_space<semaphore_mem>>) src(%dma_wait3A_286 : memref<128x128xf32, #tpu.memory_space<vmem>>) dst(%dma_wait3A_283 : memref<128x128xf32, #tpu.memory_space<hbm>>)
    %sub3A_287 = arith.subi %min3A_41, %min3A_10 : i32
    %dma_start3A_288 = arith.constant 2 : i32
    %dma_start3A_289 = arith.constant 256 : i32
    %dma_start3A_290 = arith.constant 0 : i32
    %dma_start3A_291 = tpu.memref_slice %arg7[%dma_start3A_289, %dma_start3A_290] : memref<512x128xf32, #tpu.memory_space<vmem>> -> memref<128x128xf32, #tpu.memory_space<vmem>>
    %dma_start3A_292 = tpu.memref_slice %arg5[%sub3A_287] : memref<3200xi32, #tpu.memory_space<vmem>> -> memref<128xi32, #tpu.memory_space<vmem>>
    %dma_start3A_293 = arith.constant 0 : i32
    %dma_start3A_294 = arith.constant 0 : i32
    %dma_start3A_295 = tpu.memref_slice %arg6[%dma_start3A_293, %dma_start3A_294] : memref<512x128xf32, #tpu.memory_space<vmem_shared>> -> memref<512x128xf32, #tpu.memory_space<vmem_shared>>
    %dma_start3A_296 = tpu.memref_slice %arg8[%dma_start3A_288] : memref<4x!tpu.dma_semaphore, #tpu.memory_space<semaphore_mem>> -> memref<1x!tpu.dma_semaphore, #tpu.memory_space<semaphore_mem>>
    %dma_start3A_297 = tpu.memref_squeeze %dma_start3A_296 : memref<1x!tpu.dma_semaphore, #tpu.memory_space<semaphore_mem>> -> memref<!tpu.dma_semaphore, #tpu.memory_space<semaphore_mem>>
    tpu.enqueue_indirect_dma source(%dma_start3A_295 : memref<512x128xf32, #tpu.memory_space<vmem_shared>>) target(%dma_start3A_291 : memref<128x128xf32, #tpu.memory_space<vmem>>) offsets(%dma_start3A_292 : memref<128xi32, #tpu.memory_space<vmem>>) semaphore(%dma_start3A_297 : memref<!tpu.dma_semaphore, #tpu.memory_space<semaphore_mem>>)
    %dma_wait3A_298 = arith.constant 3 : i32
    %dma_wait3A_299 = arith.constant 384 : i32
    %dma_wait3A_300 = arith.constant 0 : i32
    %dma_wait3A_301 = tpu.memref_slice %arg7[%dma_wait3A_299, %dma_wait3A_300] : memref<512x128xf32, #tpu.memory_space<vmem>> -> memref<128x128xf32, #tpu.memory_space<vmem>>
    %dma_wait3A_302 = tpu.memref_slice %arg5[%sub3A_146] : memref<3200xi32, #tpu.memory_space<vmem>> -> memref<128xi32, #tpu.memory_space<vmem>>
    %dma_wait3A_303 = arith.constant 0 : i32
    %dma_wait3A_304 = arith.constant 0 : i32
    %dma_wait3A_305 = tpu.memref_slice %arg6[%dma_wait3A_303, %dma_wait3A_304] : memref<512x128xf32, #tpu.memory_space<vmem_shared>> -> memref<512x128xf32, #tpu.memory_space<vmem_shared>>
    %dma_wait3A_306 = tpu.memref_slice %arg8[%dma_wait3A_298] : memref<4x!tpu.dma_semaphore, #tpu.memory_space<semaphore_mem>> -> memref<1x!tpu.dma_semaphore, #tpu.memory_space<semaphore_mem>>
    %dma_wait3A_307 = tpu.memref_squeeze %dma_wait3A_306 : memref<1x!tpu.dma_semaphore, #tpu.memory_space<semaphore_mem>> -> memref<!tpu.dma_semaphore, #tpu.memory_space<semaphore_mem>>
    tpu.wait_indirect_dma semaphore(%dma_wait3A_307 : memref<!tpu.dma_semaphore, #tpu.memory_space<semaphore_mem>>) src(%dma_wait3A_305 : memref<512x128xf32, #tpu.memory_space<vmem_shared>>) dst(%dma_wait3A_301 : memref<128x128xf32, #tpu.memory_space<vmem>>)
    %dma_start3A_308 = arith.constant 3 : i32
    %dma_start3A_309 = arith.constant 384 : i32
    %dma_start3A_310 = arith.constant 0 : i32
    %dma_start3A_311 = tpu.memref_slice %arg7[%dma_start3A_309, %dma_start3A_310] : memref<512x128xf32, #tpu.memory_space<vmem>> -> memref<128x128xf32, #tpu.memory_space<vmem>>
    %dma_start3A_312 = arith.constant 0 : i32
    %dma_start3A_313 = tpu.memref_slice %arg4[%min3A_29, %dma_start3A_312] : memref<100000x128xf32, #tpu.memory_space<hbm>> -> memref<128x128xf32, #tpu.memory_space<hbm>>
    %dma_start3A_314 = tpu.memref_slice %arg9[%dma_start3A_308] : memref<4x!tpu.dma_semaphore, #tpu.memory_space<semaphore_mem>> -> memref<1x!tpu.dma_semaphore, #tpu.memory_space<semaphore_mem>>
    %dma_start3A_315 = tpu.memref_squeeze %dma_start3A_314 : memref<1x!tpu.dma_semaphore, #tpu.memory_space<semaphore_mem>> -> memref<!tpu.dma_semaphore, #tpu.memory_space<semaphore_mem>>
    %dma_start3A_316 = arith.constant 0 : i32
    %dma_start3A_317 = tpu.memref_slice %arg4[%min3A_29, %dma_start3A_316] : memref<100000x128xf32, #tpu.memory_space<hbm>> -> memref<128x128xf32, #tpu.memory_space<hbm>>
    %dma_start3A_318 = arith.constant 384 : i32
    %dma_start3A_319 = arith.constant 0 : i32
    %dma_start3A_320 = tpu.memref_slice %arg7[%dma_start3A_318, %dma_start3A_319] : memref<512x128xf32, #tpu.memory_space<vmem>> -> memref<128x128xf32, #tpu.memory_space<vmem>>
    tpu.enqueue_dma source(%dma_start3A_320 : memref<128x128xf32, #tpu.memory_space<vmem>>) target(%dma_start3A_317 : memref<128x128xf32, #tpu.memory_space<hbm>>) target_semaphore(%dma_start3A_315 : memref<!tpu.dma_semaphore, #tpu.memory_space<semaphore_mem>>)
    %dma_wait3A_321 = arith.constant 3 : i32
    %dma_wait3A_322 = arith.constant 384 : i32
    %dma_wait3A_323 = arith.constant 0 : i32
    %dma_wait3A_324 = tpu.memref_slice %arg7[%dma_wait3A_322, %dma_wait3A_323] : memref<512x128xf32, #tpu.memory_space<vmem>> -> memref<128x128xf32, #tpu.memory_space<vmem>>
    %dma_wait3A_325 = arith.constant 0 : i32
    %dma_wait3A_326 = tpu.memref_slice %arg4[%min3A_29, %dma_wait3A_325] : memref<100000x128xf32, #tpu.memory_space<hbm>> -> memref<128x128xf32, #tpu.memory_space<hbm>>
    %dma_wait3A_327 = tpu.memref_slice %arg9[%dma_wait3A_321] : memref<4x!tpu.dma_semaphore, #tpu.memory_space<semaphore_mem>> -> memref<1x!tpu.dma_semaphore, #tpu.memory_space<semaphore_mem>>
    %dma_wait3A_328 = tpu.memref_squeeze %dma_wait3A_327 : memref<1x!tpu.dma_semaphore, #tpu.memory_space<semaphore_mem>> -> memref<!tpu.dma_semaphore, #tpu.memory_space<semaphore_mem>>
    %dma_wait3A_329 = arith.constant 0 : i32
    %dma_wait3A_330 = tpu.memref_slice %arg4[%min3A_29, %dma_wait3A_329] : memref<100000x128xf32, #tpu.memory_space<hbm>> -> memref<128x128xf32, #tpu.memory_space<hbm>>
    %dma_wait3A_331 = arith.constant 384 : i32
    %dma_wait3A_332 = arith.constant 0 : i32
    %dma_wait3A_333 = tpu.memref_slice %arg7[%dma_wait3A_331, %dma_wait3A_332] : memref<512x128xf32, #tpu.memory_space<vmem>> -> memref<128x128xf32, #tpu.memory_space<vmem>>
    tpu.wait_dma2 semaphore(%dma_wait3A_328 : memref<!tpu.dma_semaphore, #tpu.memory_space<semaphore_mem>>) src(%dma_wait3A_333 : memref<128x128xf32, #tpu.memory_space<vmem>>) dst(%dma_wait3A_330 : memref<128x128xf32, #tpu.memory_space<hbm>>)
    %sub3A_334 = arith.subi %min3A_45, %min3A_10 : i32
    %dma_start3A_335 = arith.constant 3 : i32
    %dma_start3A_336 = arith.constant 384 : i32
    %dma_start3A_337 = arith.constant 0 : i32
    %dma_start3A_338 = tpu.memref_slice %arg7[%dma_start3A_336, %dma_start3A_337] : memref<512x128xf32, #tpu.memory_space<vmem>> -> memref<128x128xf32, #tpu.memory_space<vmem>>
    %dma_start3A_339 = tpu.memref_slice %arg5[%sub3A_334] : memref<3200xi32, #tpu.memory_space<vmem>> -> memref<128xi32, #tpu.memory_space<vmem>>
    %dma_start3A_340 = arith.constant 0 : i32
    %dma_start3A_341 = arith.constant 0 : i32
    %dma_start3A_342 = tpu.memref_slice %arg6[%dma_start3A_340, %dma_start3A_341] : memref<512x128xf32, #tpu.memory_space<vmem_shared>> -> memref<512x128xf32, #tpu.memory_space<vmem_shared>>
    %dma_start3A_343 = tpu.memref_slice %arg8[%dma_start3A_335] : memref<4x!tpu.dma_semaphore, #tpu.memory_space<semaphore_mem>> -> memref<1x!tpu.dma_semaphore, #tpu.memory_space<semaphore_mem>>
    %dma_start3A_344 = tpu.memref_squeeze %dma_start3A_343 : memref<1x!tpu.dma_semaphore, #tpu.memory_space<semaphore_mem>> -> memref<!tpu.dma_semaphore, #tpu.memory_space<semaphore_mem>>
    tpu.enqueue_indirect_dma source(%dma_start3A_342 : memref<512x128xf32, #tpu.memory_space<vmem_shared>>) target(%dma_start3A_338 : memref<128x128xf32, #tpu.memory_space<vmem>>) offsets(%dma_start3A_339 : memref<128xi32, #tpu.memory_space<vmem>>) semaphore(%dma_start3A_344 : memref<!tpu.dma_semaphore, #tpu.memory_space<semaphore_mem>>)
    %dma_wait3A_345 = arith.constant 0 : i32
    %dma_wait3A_346 = arith.constant 0 : i32
    %dma_wait3A_347 = arith.constant 0 : i32
    %dma_wait3A_348 = tpu.memref_slice %arg7[%dma_wait3A_346, %dma_wait3A_347] : memref<512x128xf32, #tpu.memory_space<vmem>> -> memref<128x128xf32, #tpu.memory_space<vmem>>
    %dma_wait3A_349 = tpu.memref_slice %arg5[%sub3A_193] : memref<3200xi32, #tpu.memory_space<vmem>> -> memref<128xi32, #tpu.memory_space<vmem>>
    %dma_wait3A_350 = arith.constant 0 : i32
    %dma_wait3A_351 = arith.constant 0 : i32
    %dma_wait3A_352 = tpu.memref_slice %arg6[%dma_wait3A_350, %dma_wait3A_351] : memref<512x128xf32, #tpu.memory_space<vmem_shared>> -> memref<512x128xf32, #tpu.memory_space<vmem_shared>>
    %dma_wait3A_353 = tpu.memref_slice %arg8[%dma_wait3A_345] : memref<4x!tpu.dma_semaphore, #tpu.memory_space<semaphore_mem>> -> memref<1x!tpu.dma_semaphore, #tpu.memory_space<semaphore_mem>>
    %dma_wait3A_354 = tpu.memref_squeeze %dma_wait3A_353 : memref<1x!tpu.dma_semaphore, #tpu.memory_space<semaphore_mem>> -> memref<!tpu.dma_semaphore, #tpu.memory_space<semaphore_mem>>
    tpu.wait_indirect_dma semaphore(%dma_wait3A_354 : memref<!tpu.dma_semaphore, #tpu.memory_space<semaphore_mem>>) src(%dma_wait3A_352 : memref<512x128xf32, #tpu.memory_space<vmem_shared>>) dst(%dma_wait3A_348 : memref<128x128xf32, #tpu.memory_space<vmem>>)
    %dma_start3A_355 = arith.constant 0 : i32
    %dma_start3A_356 = arith.constant 0 : i32
    %dma_start3A_357 = arith.constant 0 : i32
    %dma_start3A_358 = tpu.memref_slice %arg7[%dma_start3A_356, %dma_start3A_357] : memref<512x128xf32, #tpu.memory_space<vmem>> -> memref<128x128xf32, #tpu.memory_space<vmem>>
    %dma_start3A_359 = arith.constant 0 : i32
    %dma_start3A_360 = tpu.memref_slice %arg4[%min3A_33, %dma_start3A_359] : memref<100000x128xf32, #tpu.memory_space<hbm>> -> memref<128x128xf32, #tpu.memory_space<hbm>>
    %dma_start3A_361 = tpu.memref_slice %arg9[%dma_start3A_355] : memref<4x!tpu.dma_semaphore, #tpu.memory_space<semaphore_mem>> -> memref<1x!tpu.dma_semaphore, #tpu.memory_space<semaphore_mem>>
    %dma_start3A_362 = tpu.memref_squeeze %dma_start3A_361 : memref<1x!tpu.dma_semaphore, #tpu.memory_space<semaphore_mem>> -> memref<!tpu.dma_semaphore, #tpu.memory_space<semaphore_mem>>
    %dma_start3A_363 = arith.constant 0 : i32
    %dma_start3A_364 = tpu.memref_slice %arg4[%min3A_33, %dma_start3A_363] : memref<100000x128xf32, #tpu.memory_space<hbm>> -> memref<128x128xf32, #tpu.memory_space<hbm>>
    %dma_start3A_365 = arith.constant 0 : i32
    %dma_start3A_366 = arith.constant 0 : i32
    %dma_start3A_367 = tpu.memref_slice %arg7[%dma_start3A_365, %dma_start3A_366] : memref<512x128xf32, #tpu.memory_space<vmem>> -> memref<128x128xf32, #tpu.memory_space<vmem>>
    tpu.enqueue_dma source(%dma_start3A_367 : memref<128x128xf32, #tpu.memory_space<vmem>>) target(%dma_start3A_364 : memref<128x128xf32, #tpu.memory_space<hbm>>) target_semaphore(%dma_start3A_362 : memref<!tpu.dma_semaphore, #tpu.memory_space<semaphore_mem>>)
    %dma_wait3A_368 = arith.constant 0 : i32
    %dma_wait3A_369 = arith.constant 0 : i32
    %dma_wait3A_370 = arith.constant 0 : i32
    %dma_wait3A_371 = tpu.memref_slice %arg7[%dma_wait3A_369, %dma_wait3A_370] : memref<512x128xf32, #tpu.memory_space<vmem>> -> memref<128x128xf32, #tpu.memory_space<vmem>>
    %dma_wait3A_372 = arith.constant 0 : i32
    %dma_wait3A_373 = tpu.memref_slice %arg4[%min3A_33, %dma_wait3A_372] : memref<100000x128xf32, #tpu.memory_space<hbm>> -> memref<128x128xf32, #tpu.memory_space<hbm>>
    %dma_wait3A_374 = tpu.memref_slice %arg9[%dma_wait3A_368] : memref<4x!tpu.dma_semaphore, #tpu.memory_space<semaphore_mem>> -> memref<1x!tpu.dma_semaphore, #tpu.memory_space<semaphore_mem>>
    %dma_wait3A_375 = tpu.memref_squeeze %dma_wait3A_374 : memref<1x!tpu.dma_semaphore, #tpu.memory_space<semaphore_mem>> -> memref<!tpu.dma_semaphore, #tpu.memory_space<semaphore_mem>>
    %dma_wait3A_376 = arith.constant 0 : i32
    %dma_wait3A_377 = tpu.memref_slice %arg4[%min3A_33, %dma_wait3A_376] : memref<100000x128xf32, #tpu.memory_space<hbm>> -> memref<128x128xf32, #tpu.memory_space<hbm>>
    %dma_wait3A_378 = arith.constant 0 : i32
    %dma_wait3A_379 = arith.constant 0 : i32
    %dma_wait3A_380 = tpu.memref_slice %arg7[%dma_wait3A_378, %dma_wait3A_379] : memref<512x128xf32, #tpu.memory_space<vmem>> -> memref<128x128xf32, #tpu.memory_space<vmem>>
    tpu.wait_dma2 semaphore(%dma_wait3A_375 : memref<!tpu.dma_semaphore, #tpu.memory_space<semaphore_mem>>) src(%dma_wait3A_380 : memref<128x128xf32, #tpu.memory_space<vmem>>) dst(%dma_wait3A_377 : memref<128x128xf32, #tpu.memory_space<hbm>>)
    %sub3A_381 = arith.subi %min3A_49, %min3A_10 : i32
    %dma_start3A_382 = arith.constant 0 : i32
    %dma_start3A_383 = arith.constant 0 : i32
    %dma_start3A_384 = arith.constant 0 : i32
    %dma_start3A_385 = tpu.memref_slice %arg7[%dma_start3A_383, %dma_start3A_384] : memref<512x128xf32, #tpu.memory_space<vmem>> -> memref<128x128xf32, #tpu.memory_space<vmem>>
    %dma_start3A_386 = tpu.memref_slice %arg5[%sub3A_381] : memref<3200xi32, #tpu.memory_space<vmem>> -> memref<128xi32, #tpu.memory_space<vmem>>
    %dma_start3A_387 = arith.constant 0 : i32
    %dma_start3A_388 = arith.constant 0 : i32
    %dma_start3A_389 = tpu.memref_slice %arg6[%dma_start3A_387, %dma_start3A_388] : memref<512x128xf32, #tpu.memory_space<vmem_shared>> -> memref<512x128xf32, #tpu.memory_space<vmem_shared>>
    %dma_start3A_390 = tpu.memref_slice %arg8[%dma_start3A_382] : memref<4x!tpu.dma_semaphore, #tpu.memory_space<semaphore_mem>> -> memref<1x!tpu.dma_semaphore, #tpu.memory_space<semaphore_mem>>
    %dma_start3A_391 = tpu.memref_squeeze %dma_start3A_390 : memref<1x!tpu.dma_semaphore, #tpu.memory_space<semaphore_mem>> -> memref<!tpu.dma_semaphore, #tpu.memory_space<semaphore_mem>>
    tpu.enqueue_indirect_dma source(%dma_start3A_389 : memref<512x128xf32, #tpu.memory_space<vmem_shared>>) target(%dma_start3A_385 : memref<128x128xf32, #tpu.memory_space<vmem>>) offsets(%dma_start3A_386 : memref<128xi32, #tpu.memory_space<vmem>>) semaphore(%dma_start3A_391 : memref<!tpu.dma_semaphore, #tpu.memory_space<semaphore_mem>>)
    %dma_wait3A_392 = arith.constant 1 : i32
    %dma_wait3A_393 = arith.constant 128 : i32
    %dma_wait3A_394 = arith.constant 0 : i32
    %dma_wait3A_395 = tpu.memref_slice %arg7[%dma_wait3A_393, %dma_wait3A_394] : memref<512x128xf32, #tpu.memory_space<vmem>> -> memref<128x128xf32, #tpu.memory_space<vmem>>
    %dma_wait3A_396 = tpu.memref_slice %arg5[%sub3A_240] : memref<3200xi32, #tpu.memory_space<vmem>> -> memref<128xi32, #tpu.memory_space<vmem>>
    %dma_wait3A_397 = arith.constant 0 : i32
    %dma_wait3A_398 = arith.constant 0 : i32
    %dma_wait3A_399 = tpu.memref_slice %arg6[%dma_wait3A_397, %dma_wait3A_398] : memref<512x128xf32, #tpu.memory_space<vmem_shared>> -> memref<512x128xf32, #tpu.memory_space<vmem_shared>>
    %dma_wait3A_400 = tpu.memref_slice %arg8[%dma_wait3A_392] : memref<4x!tpu.dma_semaphore, #tpu.memory_space<semaphore_mem>> -> memref<1x!tpu.dma_semaphore, #tpu.memory_space<semaphore_mem>>
    %dma_wait3A_401 = tpu.memref_squeeze %dma_wait3A_400 : memref<1x!tpu.dma_semaphore, #tpu.memory_space<semaphore_mem>> -> memref<!tpu.dma_semaphore, #tpu.memory_space<semaphore_mem>>
    tpu.wait_indirect_dma semaphore(%dma_wait3A_401 : memref<!tpu.dma_semaphore, #tpu.memory_space<semaphore_mem>>) src(%dma_wait3A_399 : memref<512x128xf32, #tpu.memory_space<vmem_shared>>) dst(%dma_wait3A_395 : memref<128x128xf32, #tpu.memory_space<vmem>>)
    %dma_start3A_402 = arith.constant 1 : i32
    %dma_start3A_403 = arith.constant 128 : i32
    %dma_start3A_404 = arith.constant 0 : i32
    %dma_start3A_405 = tpu.memref_slice %arg7[%dma_start3A_403, %dma_start3A_404] : memref<512x128xf32, #tpu.memory_space<vmem>> -> memref<128x128xf32, #tpu.memory_space<vmem>>
    %dma_start3A_406 = arith.constant 0 : i32
    %dma_start3A_407 = tpu.memref_slice %arg4[%min3A_37, %dma_start3A_406] : memref<100000x128xf32, #tpu.memory_space<hbm>> -> memref<128x128xf32, #tpu.memory_space<hbm>>
    %dma_start3A_408 = tpu.memref_slice %arg9[%dma_start3A_402] : memref<4x!tpu.dma_semaphore, #tpu.memory_space<semaphore_mem>> -> memref<1x!tpu.dma_semaphore, #tpu.memory_space<semaphore_mem>>
    %dma_start3A_409 = tpu.memref_squeeze %dma_start3A_408 : memref<1x!tpu.dma_semaphore, #tpu.memory_space<semaphore_mem>> -> memref<!tpu.dma_semaphore, #tpu.memory_space<semaphore_mem>>
    %dma_start3A_410 = arith.constant 0 : i32
    %dma_start3A_411 = tpu.memref_slice %arg4[%min3A_37, %dma_start3A_410] : memref<100000x128xf32, #tpu.memory_space<hbm>> -> memref<128x128xf32, #tpu.memory_space<hbm>>
    %dma_start3A_412 = arith.constant 128 : i32
    %dma_start3A_413 = arith.constant 0 : i32
    %dma_start3A_414 = tpu.memref_slice %arg7[%dma_start3A_412, %dma_start3A_413] : memref<512x128xf32, #tpu.memory_space<vmem>> -> memref<128x128xf32, #tpu.memory_space<vmem>>
    tpu.enqueue_dma source(%dma_start3A_414 : memref<128x128xf32, #tpu.memory_space<vmem>>) target(%dma_start3A_411 : memref<128x128xf32, #tpu.memory_space<hbm>>) target_semaphore(%dma_start3A_409 : memref<!tpu.dma_semaphore, #tpu.memory_space<semaphore_mem>>)
    %dma_wait3A_415 = arith.constant 1 : i32
    %dma_wait3A_416 = arith.constant 128 : i32
    %dma_wait3A_417 = arith.constant 0 : i32
    %dma_wait3A_418 = tpu.memref_slice %arg7[%dma_wait3A_416, %dma_wait3A_417] : memref<512x128xf32, #tpu.memory_space<vmem>> -> memref<128x128xf32, #tpu.memory_space<vmem>>
    %dma_wait3A_419 = arith.constant 0 : i32
    %dma_wait3A_420 = tpu.memref_slice %arg4[%min3A_37, %dma_wait3A_419] : memref<100000x128xf32, #tpu.memory_space<hbm>> -> memref<128x128xf32, #tpu.memory_space<hbm>>
    %dma_wait3A_421 = tpu.memref_slice %arg9[%dma_wait3A_415] : memref<4x!tpu.dma_semaphore, #tpu.memory_space<semaphore_mem>> -> memref<1x!tpu.dma_semaphore, #tpu.memory_space<semaphore_mem>>
    %dma_wait3A_422 = tpu.memref_squeeze %dma_wait3A_421 : memref<1x!tpu.dma_semaphore, #tpu.memory_space<semaphore_mem>> -> memref<!tpu.dma_semaphore, #tpu.memory_space<semaphore_mem>>
    %dma_wait3A_423 = arith.constant 0 : i32
    %dma_wait3A_424 = tpu.memref_slice %arg4[%min3A_37, %dma_wait3A_423] : memref<100000x128xf32, #tpu.memory_space<hbm>> -> memref<128x128xf32, #tpu.memory_space<hbm>>
    %dma_wait3A_425 = arith.constant 128 : i32
    %dma_wait3A_426 = arith.constant 0 : i32
    %dma_wait3A_427 = tpu.memref_slice %arg7[%dma_wait3A_425, %dma_wait3A_426] : memref<512x128xf32, #tpu.memory_space<vmem>> -> memref<128x128xf32, #tpu.memory_space<vmem>>
    tpu.wait_dma2 semaphore(%dma_wait3A_422 : memref<!tpu.dma_semaphore, #tpu.memory_space<semaphore_mem>>) src(%dma_wait3A_427 : memref<128x128xf32, #tpu.memory_space<vmem>>) dst(%dma_wait3A_424 : memref<128x128xf32, #tpu.memory_space<hbm>>)
    %sub3A_428 = arith.subi %min3A_53, %min3A_10 : i32
    %dma_start3A_429 = arith.constant 1 : i32
    %dma_start3A_430 = arith.constant 128 : i32
    %dma_start3A_431 = arith.constant 0 : i32
    %dma_start3A_432 = tpu.memref_slice %arg7[%dma_start3A_430, %dma_start3A_431] : memref<512x128xf32, #tpu.memory_space<vmem>> -> memref<128x128xf32, #tpu.memory_space<vmem>>
    %dma_start3A_433 = tpu.memref_slice %arg5[%sub3A_428] : memref<3200xi32, #tpu.memory_space<vmem>> -> memref<128xi32, #tpu.memory_space<vmem>>
    %dma_start3A_434 = arith.constant 0 : i32
    %dma_start3A_435 = arith.constant 0 : i32
    %dma_start3A_436 = tpu.memref_slice %arg6[%dma_start3A_434, %dma_start3A_435] : memref<512x128xf32, #tpu.memory_space<vmem_shared>> -> memref<512x128xf32, #tpu.memory_space<vmem_shared>>
    %dma_start3A_437 = tpu.memref_slice %arg8[%dma_start3A_429] : memref<4x!tpu.dma_semaphore, #tpu.memory_space<semaphore_mem>> -> memref<1x!tpu.dma_semaphore, #tpu.memory_space<semaphore_mem>>
    %dma_start3A_438 = tpu.memref_squeeze %dma_start3A_437 : memref<1x!tpu.dma_semaphore, #tpu.memory_space<semaphore_mem>> -> memref<!tpu.dma_semaphore, #tpu.memory_space<semaphore_mem>>
    tpu.enqueue_indirect_dma source(%dma_start3A_436 : memref<512x128xf32, #tpu.memory_space<vmem_shared>>) target(%dma_start3A_432 : memref<128x128xf32, #tpu.memory_space<vmem>>) offsets(%dma_start3A_433 : memref<128xi32, #tpu.memory_space<vmem>>) semaphore(%dma_start3A_438 : memref<!tpu.dma_semaphore, #tpu.memory_space<semaphore_mem>>)
    %dma_wait3A_439 = arith.constant 2 : i32
    %dma_wait3A_440 = arith.constant 256 : i32
    %dma_wait3A_441 = arith.constant 0 : i32
    %dma_wait3A_442 = tpu.memref_slice %arg7[%dma_wait3A_440, %dma_wait3A_441] : memref<512x128xf32, #tpu.memory_space<vmem>> -> memref<128x128xf32, #tpu.memory_space<vmem>>
    %dma_wait3A_443 = tpu.memref_slice %arg5[%sub3A_287] : memref<3200xi32, #tpu.memory_space<vmem>> -> memref<128xi32, #tpu.memory_space<vmem>>
    %dma_wait3A_444 = arith.constant 0 : i32
    %dma_wait3A_445 = arith.constant 0 : i32
    %dma_wait3A_446 = tpu.memref_slice %arg6[%dma_wait3A_444, %dma_wait3A_445] : memref<512x128xf32, #tpu.memory_space<vmem_shared>> -> memref<512x128xf32, #tpu.memory_space<vmem_shared>>
    %dma_wait3A_447 = tpu.memref_slice %arg8[%dma_wait3A_439] : memref<4x!tpu.dma_semaphore, #tpu.memory_space<semaphore_mem>> -> memref<1x!tpu.dma_semaphore, #tpu.memory_space<semaphore_mem>>
    %dma_wait3A_448 = tpu.memref_squeeze %dma_wait3A_447 : memref<1x!tpu.dma_semaphore, #tpu.memory_space<semaphore_mem>> -> memref<!tpu.dma_semaphore, #tpu.memory_space<semaphore_mem>>
    tpu.wait_indirect_dma semaphore(%dma_wait3A_448 : memref<!tpu.dma_semaphore, #tpu.memory_space<semaphore_mem>>) src(%dma_wait3A_446 : memref<512x128xf32, #tpu.memory_space<vmem_shared>>) dst(%dma_wait3A_442 : memref<128x128xf32, #tpu.memory_space<vmem>>)
    %dma_start3A_449 = arith.constant 2 : i32
    %dma_start3A_450 = arith.constant 256 : i32
    %dma_start3A_451 = arith.constant 0 : i32
    %dma_start3A_452 = tpu.memref_slice %arg7[%dma_start3A_450, %dma_start3A_451] : memref<512x128xf32, #tpu.memory_space<vmem>> -> memref<128x128xf32, #tpu.memory_space<vmem>>
    %dma_start3A_453 = arith.constant 0 : i32
    %dma_start3A_454 = tpu.memref_slice %arg4[%min3A_41, %dma_start3A_453] : memref<100000x128xf32, #tpu.memory_space<hbm>> -> memref<128x128xf32, #tpu.memory_space<hbm>>
    %dma_start3A_455 = tpu.memref_slice %arg9[%dma_start3A_449] : memref<4x!tpu.dma_semaphore, #tpu.memory_space<semaphore_mem>> -> memref<1x!tpu.dma_semaphore, #tpu.memory_space<semaphore_mem>>
    %dma_start3A_456 = tpu.memref_squeeze %dma_start3A_455 : memref<1x!tpu.dma_semaphore, #tpu.memory_space<semaphore_mem>> -> memref<!tpu.dma_semaphore, #tpu.memory_space<semaphore_mem>>
    %dma_start3A_457 = arith.constant 0 : i32
    %dma_start3A_458 = tpu.memref_slice %arg4[%min3A_41, %dma_start3A_457] : memref<100000x128xf32, #tpu.memory_space<hbm>> -> memref<128x128xf32, #tpu.memory_space<hbm>>
    %dma_start3A_459 = arith.constant 256 : i32
    %dma_start3A_460 = arith.constant 0 : i32
    %dma_start3A_461 = tpu.memref_slice %arg7[%dma_start3A_459, %dma_start3A_460] : memref<512x128xf32, #tpu.memory_space<vmem>> -> memref<128x128xf32, #tpu.memory_space<vmem>>
    tpu.enqueue_dma source(%dma_start3A_461 : memref<128x128xf32, #tpu.memory_space<vmem>>) target(%dma_start3A_458 : memref<128x128xf32, #tpu.memory_space<hbm>>) target_semaphore(%dma_start3A_456 : memref<!tpu.dma_semaphore, #tpu.memory_space<semaphore_mem>>)
    %dma_wait3A_462 = arith.constant 2 : i32
    %dma_wait3A_463 = arith.constant 256 : i32
    %dma_wait3A_464 = arith.constant 0 : i32
    %dma_wait3A_465 = tpu.memref_slice %arg7[%dma_wait3A_463, %dma_wait3A_464] : memref<512x128xf32, #tpu.memory_space<vmem>> -> memref<128x128xf32, #tpu.memory_space<vmem>>
    %dma_wait3A_466 = arith.constant 0 : i32
    %dma_wait3A_467 = tpu.memref_slice %arg4[%min3A_41, %dma_wait3A_466] : memref<100000x128xf32, #tpu.memory_space<hbm>> -> memref<128x128xf32, #tpu.memory_space<hbm>>
    %dma_wait3A_468 = tpu.memref_slice %arg9[%dma_wait3A_462] : memref<4x!tpu.dma_semaphore, #tpu.memory_space<semaphore_mem>> -> memref<1x!tpu.dma_semaphore, #tpu.memory_space<semaphore_mem>>
    %dma_wait3A_469 = tpu.memref_squeeze %dma_wait3A_468 : memref<1x!tpu.dma_semaphore, #tpu.memory_space<semaphore_mem>> -> memref<!tpu.dma_semaphore, #tpu.memory_space<semaphore_mem>>
    %dma_wait3A_470 = arith.constant 0 : i32
    %dma_wait3A_471 = tpu.memref_slice %arg4[%min3A_41, %dma_wait3A_470] : memref<100000x128xf32, #tpu.memory_space<hbm>> -> memref<128x128xf32, #tpu.memory_space<hbm>>
    %dma_wait3A_472 = arith.constant 256 : i32
    %dma_wait3A_473 = arith.constant 0 : i32
    %dma_wait3A_474 = tpu.memref_slice %arg7[%dma_wait3A_472, %dma_wait3A_473] : memref<512x128xf32, #tpu.memory_space<vmem>> -> memref<128x128xf32, #tpu.memory_space<vmem>>
    tpu.wait_dma2 semaphore(%dma_wait3A_469 : memref<!tpu.dma_semaphore, #tpu.memory_space<semaphore_mem>>) src(%dma_wait3A_474 : memref<128x128xf32, #tpu.memory_space<vmem>>) dst(%dma_wait3A_471 : memref<128x128xf32, #tpu.memory_space<hbm>>)
    %sub3A_475 = arith.subi %min3A_57, %min3A_10 : i32
    %dma_start3A_476 = arith.constant 2 : i32
    %dma_start3A_477 = arith.constant 256 : i32
    %dma_start3A_478 = arith.constant 0 : i32
    %dma_start3A_479 = tpu.memref_slice %arg7[%dma_start3A_477, %dma_start3A_478] : memref<512x128xf32, #tpu.memory_space<vmem>> -> memref<128x128xf32, #tpu.memory_space<vmem>>
    %dma_start3A_480 = tpu.memref_slice %arg5[%sub3A_475] : memref<3200xi32, #tpu.memory_space<vmem>> -> memref<128xi32, #tpu.memory_space<vmem>>
    %dma_start3A_481 = arith.constant 0 : i32
    %dma_start3A_482 = arith.constant 0 : i32
    %dma_start3A_483 = tpu.memref_slice %arg6[%dma_start3A_481, %dma_start3A_482] : memref<512x128xf32, #tpu.memory_space<vmem_shared>> -> memref<512x128xf32, #tpu.memory_space<vmem_shared>>
    %dma_start3A_484 = tpu.memref_slice %arg8[%dma_start3A_476] : memref<4x!tpu.dma_semaphore, #tpu.memory_space<semaphore_mem>> -> memref<1x!tpu.dma_semaphore, #tpu.memory_space<semaphore_mem>>
    %dma_start3A_485 = tpu.memref_squeeze %dma_start3A_484 : memref<1x!tpu.dma_semaphore, #tpu.memory_space<semaphore_mem>> -> memref<!tpu.dma_semaphore, #tpu.memory_space<semaphore_mem>>
    tpu.enqueue_indirect_dma source(%dma_start3A_483 : memref<512x128xf32, #tpu.memory_space<vmem_shared>>) target(%dma_start3A_479 : memref<128x128xf32, #tpu.memory_space<vmem>>) offsets(%dma_start3A_480 : memref<128xi32, #tpu.memory_space<vmem>>) semaphore(%dma_start3A_485 : memref<!tpu.dma_semaphore, #tpu.memory_space<semaphore_mem>>)
    %dma_wait3A_486 = arith.constant 3 : i32
    %dma_wait3A_487 = arith.constant 384 : i32
    %dma_wait3A_488 = arith.constant 0 : i32
    %dma_wait3A_489 = tpu.memref_slice %arg7[%dma_wait3A_487, %dma_wait3A_488] : memref<512x128xf32, #tpu.memory_space<vmem>> -> memref<128x128xf32, #tpu.memory_space<vmem>>
    %dma_wait3A_490 = tpu.memref_slice %arg5[%sub3A_334] : memref<3200xi32, #tpu.memory_space<vmem>> -> memref<128xi32, #tpu.memory_space<vmem>>
    %dma_wait3A_491 = arith.constant 0 : i32
    %dma_wait3A_492 = arith.constant 0 : i32
    %dma_wait3A_493 = tpu.memref_slice %arg6[%dma_wait3A_491, %dma_wait3A_492] : memref<512x128xf32, #tpu.memory_space<vmem_shared>> -> memref<512x128xf32, #tpu.memory_space<vmem_shared>>
    %dma_wait3A_494 = tpu.memref_slice %arg8[%dma_wait3A_486] : memref<4x!tpu.dma_semaphore, #tpu.memory_space<semaphore_mem>> -> memref<1x!tpu.dma_semaphore, #tpu.memory_space<semaphore_mem>>
    %dma_wait3A_495 = tpu.memref_squeeze %dma_wait3A_494 : memref<1x!tpu.dma_semaphore, #tpu.memory_space<semaphore_mem>> -> memref<!tpu.dma_semaphore, #tpu.memory_space<semaphore_mem>>
    tpu.wait_indirect_dma semaphore(%dma_wait3A_495 : memref<!tpu.dma_semaphore, #tpu.memory_space<semaphore_mem>>) src(%dma_wait3A_493 : memref<512x128xf32, #tpu.memory_space<vmem_shared>>) dst(%dma_wait3A_489 : memref<128x128xf32, #tpu.memory_space<vmem>>)
    %dma_start3A_496 = arith.constant 3 : i32
    %dma_start3A_497 = arith.constant 384 : i32
    %dma_start3A_498 = arith.constant 0 : i32
    %dma_start3A_499 = tpu.memref_slice %arg7[%dma_start3A_497, %dma_start3A_498] : memref<512x128xf32, #tpu.memory_space<vmem>> -> memref<128x128xf32, #tpu.memory_space<vmem>>
    %dma_start3A_500 = arith.constant 0 : i32
    %dma_start3A_501 = tpu.memref_slice %arg4[%min3A_45, %dma_start3A_500] : memref<100000x128xf32, #tpu.memory_space<hbm>> -> memref<128x128xf32, #tpu.memory_space<hbm>>
    %dma_start3A_502 = tpu.memref_slice %arg9[%dma_start3A_496] : memref<4x!tpu.dma_semaphore, #tpu.memory_space<semaphore_mem>> -> memref<1x!tpu.dma_semaphore, #tpu.memory_space<semaphore_mem>>
    %dma_start3A_503 = tpu.memref_squeeze %dma_start3A_502 : memref<1x!tpu.dma_semaphore, #tpu.memory_space<semaphore_mem>> -> memref<!tpu.dma_semaphore, #tpu.memory_space<semaphore_mem>>
    %dma_start3A_504 = arith.constant 0 : i32
    %dma_start3A_505 = tpu.memref_slice %arg4[%min3A_45, %dma_start3A_504] : memref<100000x128xf32, #tpu.memory_space<hbm>> -> memref<128x128xf32, #tpu.memory_space<hbm>>
    %dma_start3A_506 = arith.constant 384 : i32
    %dma_start3A_507 = arith.constant 0 : i32
    %dma_start3A_508 = tpu.memref_slice %arg7[%dma_start3A_506, %dma_start3A_507] : memref<512x128xf32, #tpu.memory_space<vmem>> -> memref<128x128xf32, #tpu.memory_space<vmem>>
    tpu.enqueue_dma source(%dma_start3A_508 : memref<128x128xf32, #tpu.memory_space<vmem>>) target(%dma_start3A_505 : memref<128x128xf32, #tpu.memory_space<hbm>>) target_semaphore(%dma_start3A_503 : memref<!tpu.dma_semaphore, #tpu.memory_space<semaphore_mem>>)
    %dma_wait3A_509 = arith.constant 3 : i32
    %dma_wait3A_510 = arith.constant 384 : i32
    %dma_wait3A_511 = arith.constant 0 : i32
    %dma_wait3A_512 = tpu.memref_slice %arg7[%dma_wait3A_510, %dma_wait3A_511] : memref<512x128xf32, #tpu.memory_space<vmem>> -> memref<128x128xf32, #tpu.memory_space<vmem>>
    %dma_wait3A_513 = arith.constant 0 : i32
    %dma_wait3A_514 = tpu.memref_slice %arg4[%min3A_45, %dma_wait3A_513] : memref<100000x128xf32, #tpu.memory_space<hbm>> -> memref<128x128xf32, #tpu.memory_space<hbm>>
    %dma_wait3A_515 = tpu.memref_slice %arg9[%dma_wait3A_509] : memref<4x!tpu.dma_semaphore, #tpu.memory_space<semaphore_mem>> -> memref<1x!tpu.dma_semaphore, #tpu.memory_space<semaphore_mem>>
    %dma_wait3A_516 = tpu.memref_squeeze %dma_wait3A_515 : memref<1x!tpu.dma_semaphore, #tpu.memory_space<semaphore_mem>> -> memref<!tpu.dma_semaphore, #tpu.memory_space<semaphore_mem>>
    %dma_wait3A_517 = arith.constant 0 : i32
    %dma_wait3A_518 = tpu.memref_slice %arg4[%min3A_45, %dma_wait3A_517] : memref<100000x128xf32, #tpu.memory_space<hbm>> -> memref<128x128xf32, #tpu.memory_space<hbm>>
    %dma_wait3A_519 = arith.constant 384 : i32
    %dma_wait3A_520 = arith.constant 0 : i32
    %dma_wait3A_521 = tpu.memref_slice %arg7[%dma_wait3A_519, %dma_wait3A_520] : memref<512x128xf32, #tpu.memory_space<vmem>> -> memref<128x128xf32, #tpu.memory_space<vmem>>
    tpu.wait_dma2 semaphore(%dma_wait3A_516 : memref<!tpu.dma_semaphore, #tpu.memory_space<semaphore_mem>>) src(%dma_wait3A_521 : memref<128x128xf32, #tpu.memory_space<vmem>>) dst(%dma_wait3A_518 : memref<128x128xf32, #tpu.memory_space<hbm>>)
    %sub3A_522 = arith.subi %min3A_61, %min3A_10 : i32
    %dma_start3A_523 = arith.constant 3 : i32
    %dma_start3A_524 = arith.constant 384 : i32
    %dma_start3A_525 = arith.constant 0 : i32
    %dma_start3A_526 = tpu.memref_slice %arg7[%dma_start3A_524, %dma_start3A_525] : memref<512x128xf32, #tpu.memory_space<vmem>> -> memref<128x128xf32, #tpu.memory_space<vmem>>
    %dma_start3A_527 = tpu.memref_slice %arg5[%sub3A_522] : memref<3200xi32, #tpu.memory_space<vmem>> -> memref<128xi32, #tpu.memory_space<vmem>>
    %dma_start3A_528 = arith.constant 0 : i32
    %dma_start3A_529 = arith.constant 0 : i32
    %dma_start3A_530 = tpu.memref_slice %arg6[%dma_start3A_528, %dma_start3A_529] : memref<512x128xf32, #tpu.memory_space<vmem_shared>> -> memref<512x128xf32, #tpu.memory_space<vmem_shared>>
    %dma_start3A_531 = tpu.memref_slice %arg8[%dma_start3A_523] : memref<4x!tpu.dma_semaphore, #tpu.memory_space<semaphore_mem>> -> memref<1x!tpu.dma_semaphore, #tpu.memory_space<semaphore_mem>>
    %dma_start3A_532 = tpu.memref_squeeze %dma_start3A_531 : memref<1x!tpu.dma_semaphore, #tpu.memory_space<semaphore_mem>> -> memref<!tpu.dma_semaphore, #tpu.memory_space<semaphore_mem>>
    tpu.enqueue_indirect_dma source(%dma_start3A_530 : memref<512x128xf32, #tpu.memory_space<vmem_shared>>) target(%dma_start3A_526 : memref<128x128xf32, #tpu.memory_space<vmem>>) offsets(%dma_start3A_527 : memref<128xi32, #tpu.memory_space<vmem>>) semaphore(%dma_start3A_532 : memref<!tpu.dma_semaphore, #tpu.memory_space<semaphore_mem>>)
    %dma_wait3A_533 = arith.constant 0 : i32
    %dma_wait3A_534 = arith.constant 0 : i32
    %dma_wait3A_535 = arith.constant 0 : i32
    %dma_wait3A_536 = tpu.memref_slice %arg7[%dma_wait3A_534, %dma_wait3A_535] : memref<512x128xf32, #tpu.memory_space<vmem>> -> memref<128x128xf32, #tpu.memory_space<vmem>>
    %dma_wait3A_537 = tpu.memref_slice %arg5[%sub3A_381] : memref<3200xi32, #tpu.memory_space<vmem>> -> memref<128xi32, #tpu.memory_space<vmem>>
    %dma_wait3A_538 = arith.constant 0 : i32
    %dma_wait3A_539 = arith.constant 0 : i32
    %dma_wait3A_540 = tpu.memref_slice %arg6[%dma_wait3A_538, %dma_wait3A_539] : memref<512x128xf32, #tpu.memory_space<vmem_shared>> -> memref<512x128xf32, #tpu.memory_space<vmem_shared>>
    %dma_wait3A_541 = tpu.memref_slice %arg8[%dma_wait3A_533] : memref<4x!tpu.dma_semaphore, #tpu.memory_space<semaphore_mem>> -> memref<1x!tpu.dma_semaphore, #tpu.memory_space<semaphore_mem>>
    %dma_wait3A_542 = tpu.memref_squeeze %dma_wait3A_541 : memref<1x!tpu.dma_semaphore, #tpu.memory_space<semaphore_mem>> -> memref<!tpu.dma_semaphore, #tpu.memory_space<semaphore_mem>>
    tpu.wait_indirect_dma semaphore(%dma_wait3A_542 : memref<!tpu.dma_semaphore, #tpu.memory_space<semaphore_mem>>) src(%dma_wait3A_540 : memref<512x128xf32, #tpu.memory_space<vmem_shared>>) dst(%dma_wait3A_536 : memref<128x128xf32, #tpu.memory_space<vmem>>)
    %dma_start3A_543 = arith.constant 0 : i32
    %dma_start3A_544 = arith.constant 0 : i32
    %dma_start3A_545 = arith.constant 0 : i32
    %dma_start3A_546 = tpu.memref_slice %arg7[%dma_start3A_544, %dma_start3A_545] : memref<512x128xf32, #tpu.memory_space<vmem>> -> memref<128x128xf32, #tpu.memory_space<vmem>>
    %dma_start3A_547 = arith.constant 0 : i32
    %dma_start3A_548 = tpu.memref_slice %arg4[%min3A_49, %dma_start3A_547] : memref<100000x128xf32, #tpu.memory_space<hbm>> -> memref<128x128xf32, #tpu.memory_space<hbm>>
    %dma_start3A_549 = tpu.memref_slice %arg9[%dma_start3A_543] : memref<4x!tpu.dma_semaphore, #tpu.memory_space<semaphore_mem>> -> memref<1x!tpu.dma_semaphore, #tpu.memory_space<semaphore_mem>>
    %dma_start3A_550 = tpu.memref_squeeze %dma_start3A_549 : memref<1x!tpu.dma_semaphore, #tpu.memory_space<semaphore_mem>> -> memref<!tpu.dma_semaphore, #tpu.memory_space<semaphore_mem>>
    %dma_start3A_551 = arith.constant 0 : i32
    %dma_start3A_552 = tpu.memref_slice %arg4[%min3A_49, %dma_start3A_551] : memref<100000x128xf32, #tpu.memory_space<hbm>> -> memref<128x128xf32, #tpu.memory_space<hbm>>
    %dma_start3A_553 = arith.constant 0 : i32
    %dma_start3A_554 = arith.constant 0 : i32
    %dma_start3A_555 = tpu.memref_slice %arg7[%dma_start3A_553, %dma_start3A_554] : memref<512x128xf32, #tpu.memory_space<vmem>> -> memref<128x128xf32, #tpu.memory_space<vmem>>
    tpu.enqueue_dma source(%dma_start3A_555 : memref<128x128xf32, #tpu.memory_space<vmem>>) target(%dma_start3A_552 : memref<128x128xf32, #tpu.memory_space<hbm>>) target_semaphore(%dma_start3A_550 : memref<!tpu.dma_semaphore, #tpu.memory_space<semaphore_mem>>)
    %dma_wait3A_556 = arith.constant 0 : i32
    %dma_wait3A_557 = arith.constant 0 : i32
    %dma_wait3A_558 = arith.constant 0 : i32
    %dma_wait3A_559 = tpu.memref_slice %arg7[%dma_wait3A_557, %dma_wait3A_558] : memref<512x128xf32, #tpu.memory_space<vmem>> -> memref<128x128xf32, #tpu.memory_space<vmem>>
    %dma_wait3A_560 = arith.constant 0 : i32
    %dma_wait3A_561 = tpu.memref_slice %arg4[%min3A_49, %dma_wait3A_560] : memref<100000x128xf32, #tpu.memory_space<hbm>> -> memref<128x128xf32, #tpu.memory_space<hbm>>
    %dma_wait3A_562 = tpu.memref_slice %arg9[%dma_wait3A_556] : memref<4x!tpu.dma_semaphore, #tpu.memory_space<semaphore_mem>> -> memref<1x!tpu.dma_semaphore, #tpu.memory_space<semaphore_mem>>
    %dma_wait3A_563 = tpu.memref_squeeze %dma_wait3A_562 : memref<1x!tpu.dma_semaphore, #tpu.memory_space<semaphore_mem>> -> memref<!tpu.dma_semaphore, #tpu.memory_space<semaphore_mem>>
    %dma_wait3A_564 = arith.constant 0 : i32
    %dma_wait3A_565 = tpu.memref_slice %arg4[%min3A_49, %dma_wait3A_564] : memref<100000x128xf32, #tpu.memory_space<hbm>> -> memref<128x128xf32, #tpu.memory_space<hbm>>
    %dma_wait3A_566 = arith.constant 0 : i32
    %dma_wait3A_567 = arith.constant 0 : i32
    %dma_wait3A_568 = tpu.memref_slice %arg7[%dma_wait3A_566, %dma_wait3A_567] : memref<512x128xf32, #tpu.memory_space<vmem>> -> memref<128x128xf32, #tpu.memory_space<vmem>>
    tpu.wait_dma2 semaphore(%dma_wait3A_563 : memref<!tpu.dma_semaphore, #tpu.memory_space<semaphore_mem>>) src(%dma_wait3A_568 : memref<128x128xf32, #tpu.memory_space<vmem>>) dst(%dma_wait3A_565 : memref<128x128xf32, #tpu.memory_space<hbm>>)
    %sub3A_569 = arith.subi %min3A_65, %min3A_10 : i32
    %dma_start3A_570 = arith.constant 0 : i32
    %dma_start3A_571 = arith.constant 0 : i32
    %dma_start3A_572 = arith.constant 0 : i32
    %dma_start3A_573 = tpu.memref_slice %arg7[%dma_start3A_571, %dma_start3A_572] : memref<512x128xf32, #tpu.memory_space<vmem>> -> memref<128x128xf32, #tpu.memory_space<vmem>>
    %dma_start3A_574 = tpu.memref_slice %arg5[%sub3A_569] : memref<3200xi32, #tpu.memory_space<vmem>> -> memref<128xi32, #tpu.memory_space<vmem>>
    %dma_start3A_575 = arith.constant 0 : i32
    %dma_start3A_576 = arith.constant 0 : i32
    %dma_start3A_577 = tpu.memref_slice %arg6[%dma_start3A_575, %dma_start3A_576] : memref<512x128xf32, #tpu.memory_space<vmem_shared>> -> memref<512x128xf32, #tpu.memory_space<vmem_shared>>
    %dma_start3A_578 = tpu.memref_slice %arg8[%dma_start3A_570] : memref<4x!tpu.dma_semaphore, #tpu.memory_space<semaphore_mem>> -> memref<1x!tpu.dma_semaphore, #tpu.memory_space<semaphore_mem>>
    %dma_start3A_579 = tpu.memref_squeeze %dma_start3A_578 : memref<1x!tpu.dma_semaphore, #tpu.memory_space<semaphore_mem>> -> memref<!tpu.dma_semaphore, #tpu.memory_space<semaphore_mem>>
    tpu.enqueue_indirect_dma source(%dma_start3A_577 : memref<512x128xf32, #tpu.memory_space<vmem_shared>>) target(%dma_start3A_573 : memref<128x128xf32, #tpu.memory_space<vmem>>) offsets(%dma_start3A_574 : memref<128xi32, #tpu.memory_space<vmem>>) semaphore(%dma_start3A_579 : memref<!tpu.dma_semaphore, #tpu.memory_space<semaphore_mem>>)
    %dma_wait3A_580 = arith.constant 1 : i32
    %dma_wait3A_581 = arith.constant 128 : i32
    %dma_wait3A_582 = arith.constant 0 : i32
    %dma_wait3A_583 = tpu.memref_slice %arg7[%dma_wait3A_581, %dma_wait3A_582] : memref<512x128xf32, #tpu.memory_space<vmem>> -> memref<128x128xf32, #tpu.memory_space<vmem>>
    %dma_wait3A_584 = tpu.memref_slice %arg5[%sub3A_428] : memref<3200xi32, #tpu.memory_space<vmem>> -> memref<128xi32, #tpu.memory_space<vmem>>
    %dma_wait3A_585 = arith.constant 0 : i32
    %dma_wait3A_586 = arith.constant 0 : i32
    %dma_wait3A_587 = tpu.memref_slice %arg6[%dma_wait3A_585, %dma_wait3A_586] : memref<512x128xf32, #tpu.memory_space<vmem_shared>> -> memref<512x128xf32, #tpu.memory_space<vmem_shared>>
    %dma_wait3A_588 = tpu.memref_slice %arg8[%dma_wait3A_580] : memref<4x!tpu.dma_semaphore, #tpu.memory_space<semaphore_mem>> -> memref<1x!tpu.dma_semaphore, #tpu.memory_space<semaphore_mem>>
    %dma_wait3A_589 = tpu.memref_squeeze %dma_wait3A_588 : memref<1x!tpu.dma_semaphore, #tpu.memory_space<semaphore_mem>> -> memref<!tpu.dma_semaphore, #tpu.memory_space<semaphore_mem>>
    tpu.wait_indirect_dma semaphore(%dma_wait3A_589 : memref<!tpu.dma_semaphore, #tpu.memory_space<semaphore_mem>>) src(%dma_wait3A_587 : memref<512x128xf32, #tpu.memory_space<vmem_shared>>) dst(%dma_wait3A_583 : memref<128x128xf32, #tpu.memory_space<vmem>>)
    %dma_start3A_590 = arith.constant 1 : i32
    %dma_start3A_591 = arith.constant 128 : i32
    %dma_start3A_592 = arith.constant 0 : i32
    %dma_start3A_593 = tpu.memref_slice %arg7[%dma_start3A_591, %dma_start3A_592] : memref<512x128xf32, #tpu.memory_space<vmem>> -> memref<128x128xf32, #tpu.memory_space<vmem>>
    %dma_start3A_594 = arith.constant 0 : i32
    %dma_start3A_595 = tpu.memref_slice %arg4[%min3A_53, %dma_start3A_594] : memref<100000x128xf32, #tpu.memory_space<hbm>> -> memref<128x128xf32, #tpu.memory_space<hbm>>
    %dma_start3A_596 = tpu.memref_slice %arg9[%dma_start3A_590] : memref<4x!tpu.dma_semaphore, #tpu.memory_space<semaphore_mem>> -> memref<1x!tpu.dma_semaphore, #tpu.memory_space<semaphore_mem>>
    %dma_start3A_597 = tpu.memref_squeeze %dma_start3A_596 : memref<1x!tpu.dma_semaphore, #tpu.memory_space<semaphore_mem>> -> memref<!tpu.dma_semaphore, #tpu.memory_space<semaphore_mem>>
    %dma_start3A_598 = arith.constant 0 : i32
    %dma_start3A_599 = tpu.memref_slice %arg4[%min3A_53, %dma_start3A_598] : memref<100000x128xf32, #tpu.memory_space<hbm>> -> memref<128x128xf32, #tpu.memory_space<hbm>>
    %dma_start3A_600 = arith.constant 128 : i32
    %dma_start3A_601 = arith.constant 0 : i32
    %dma_start3A_602 = tpu.memref_slice %arg7[%dma_start3A_600, %dma_start3A_601] : memref<512x128xf32, #tpu.memory_space<vmem>> -> memref<128x128xf32, #tpu.memory_space<vmem>>
    tpu.enqueue_dma source(%dma_start3A_602 : memref<128x128xf32, #tpu.memory_space<vmem>>) target(%dma_start3A_599 : memref<128x128xf32, #tpu.memory_space<hbm>>) target_semaphore(%dma_start3A_597 : memref<!tpu.dma_semaphore, #tpu.memory_space<semaphore_mem>>)
    %dma_wait3A_603 = arith.constant 1 : i32
    %dma_wait3A_604 = arith.constant 128 : i32
    %dma_wait3A_605 = arith.constant 0 : i32
    %dma_wait3A_606 = tpu.memref_slice %arg7[%dma_wait3A_604, %dma_wait3A_605] : memref<512x128xf32, #tpu.memory_space<vmem>> -> memref<128x128xf32, #tpu.memory_space<vmem>>
    %dma_wait3A_607 = arith.constant 0 : i32
    %dma_wait3A_608 = tpu.memref_slice %arg4[%min3A_53, %dma_wait3A_607] : memref<100000x128xf32, #tpu.memory_space<hbm>> -> memref<128x128xf32, #tpu.memory_space<hbm>>
    %dma_wait3A_609 = tpu.memref_slice %arg9[%dma_wait3A_603] : memref<4x!tpu.dma_semaphore, #tpu.memory_space<semaphore_mem>> -> memref<1x!tpu.dma_semaphore, #tpu.memory_space<semaphore_mem>>
    %dma_wait3A_610 = tpu.memref_squeeze %dma_wait3A_609 : memref<1x!tpu.dma_semaphore, #tpu.memory_space<semaphore_mem>> -> memref<!tpu.dma_semaphore, #tpu.memory_space<semaphore_mem>>
    %dma_wait3A_611 = arith.constant 0 : i32
    %dma_wait3A_612 = tpu.memref_slice %arg4[%min3A_53, %dma_wait3A_611] : memref<100000x128xf32, #tpu.memory_space<hbm>> -> memref<128x128xf32, #tpu.memory_space<hbm>>
    %dma_wait3A_613 = arith.constant 128 : i32
    %dma_wait3A_614 = arith.constant 0 : i32
    %dma_wait3A_615 = tpu.memref_slice %arg7[%dma_wait3A_613, %dma_wait3A_614] : memref<512x128xf32, #tpu.memory_space<vmem>> -> memref<128x128xf32, #tpu.memory_space<vmem>>
    tpu.wait_dma2 semaphore(%dma_wait3A_610 : memref<!tpu.dma_semaphore, #tpu.memory_space<semaphore_mem>>) src(%dma_wait3A_615 : memref<128x128xf32, #tpu.memory_space<vmem>>) dst(%dma_wait3A_612 : memref<128x128xf32, #tpu.memory_space<hbm>>)
    %sub3A_616 = arith.subi %min3A_69, %min3A_10 : i32
    %dma_start3A_617 = arith.constant 1 : i32
    %dma_start3A_618 = arith.constant 128 : i32
    %dma_start3A_619 = arith.constant 0 : i32
    %dma_start3A_620 = tpu.memref_slice %arg7[%dma_start3A_618, %dma_start3A_619] : memref<512x128xf32, #tpu.memory_space<vmem>> -> memref<128x128xf32, #tpu.memory_space<vmem>>
    %dma_start3A_621 = tpu.memref_slice %arg5[%sub3A_616] : memref<3200xi32, #tpu.memory_space<vmem>> -> memref<128xi32, #tpu.memory_space<vmem>>
    %dma_start3A_622 = arith.constant 0 : i32
    %dma_start3A_623 = arith.constant 0 : i32
    %dma_start3A_624 = tpu.memref_slice %arg6[%dma_start3A_622, %dma_start3A_623] : memref<512x128xf32, #tpu.memory_space<vmem_shared>> -> memref<512x128xf32, #tpu.memory_space<vmem_shared>>
    %dma_start3A_625 = tpu.memref_slice %arg8[%dma_start3A_617] : memref<4x!tpu.dma_semaphore, #tpu.memory_space<semaphore_mem>> -> memref<1x!tpu.dma_semaphore, #tpu.memory_space<semaphore_mem>>
    %dma_start3A_626 = tpu.memref_squeeze %dma_start3A_625 : memref<1x!tpu.dma_semaphore, #tpu.memory_space<semaphore_mem>> -> memref<!tpu.dma_semaphore, #tpu.memory_space<semaphore_mem>>
    tpu.enqueue_indirect_dma source(%dma_start3A_624 : memref<512x128xf32, #tpu.memory_space<vmem_shared>>) target(%dma_start3A_620 : memref<128x128xf32, #tpu.memory_space<vmem>>) offsets(%dma_start3A_621 : memref<128xi32, #tpu.memory_space<vmem>>) semaphore(%dma_start3A_626 : memref<!tpu.dma_semaphore, #tpu.memory_space<semaphore_mem>>)
    %dma_wait3A_627 = arith.constant 2 : i32
    %dma_wait3A_628 = arith.constant 256 : i32
    %dma_wait3A_629 = arith.constant 0 : i32
    %dma_wait3A_630 = tpu.memref_slice %arg7[%dma_wait3A_628, %dma_wait3A_629] : memref<512x128xf32, #tpu.memory_space<vmem>> -> memref<128x128xf32, #tpu.memory_space<vmem>>
    %dma_wait3A_631 = tpu.memref_slice %arg5[%sub3A_475] : memref<3200xi32, #tpu.memory_space<vmem>> -> memref<128xi32, #tpu.memory_space<vmem>>
    %dma_wait3A_632 = arith.constant 0 : i32
    %dma_wait3A_633 = arith.constant 0 : i32
    %dma_wait3A_634 = tpu.memref_slice %arg6[%dma_wait3A_632, %dma_wait3A_633] : memref<512x128xf32, #tpu.memory_space<vmem_shared>> -> memref<512x128xf32, #tpu.memory_space<vmem_shared>>
    %dma_wait3A_635 = tpu.memref_slice %arg8[%dma_wait3A_627] : memref<4x!tpu.dma_semaphore, #tpu.memory_space<semaphore_mem>> -> memref<1x!tpu.dma_semaphore, #tpu.memory_space<semaphore_mem>>
    %dma_wait3A_636 = tpu.memref_squeeze %dma_wait3A_635 : memref<1x!tpu.dma_semaphore, #tpu.memory_space<semaphore_mem>> -> memref<!tpu.dma_semaphore, #tpu.memory_space<semaphore_mem>>
    tpu.wait_indirect_dma semaphore(%dma_wait3A_636 : memref<!tpu.dma_semaphore, #tpu.memory_space<semaphore_mem>>) src(%dma_wait3A_634 : memref<512x128xf32, #tpu.memory_space<vmem_shared>>) dst(%dma_wait3A_630 : memref<128x128xf32, #tpu.memory_space<vmem>>)
    %dma_start3A_637 = arith.constant 2 : i32
    %dma_start3A_638 = arith.constant 256 : i32
    %dma_start3A_639 = arith.constant 0 : i32
    %dma_start3A_640 = tpu.memref_slice %arg7[%dma_start3A_638, %dma_start3A_639] : memref<512x128xf32, #tpu.memory_space<vmem>> -> memref<128x128xf32, #tpu.memory_space<vmem>>
    %dma_start3A_641 = arith.constant 0 : i32
    %dma_start3A_642 = tpu.memref_slice %arg4[%min3A_57, %dma_start3A_641] : memref<100000x128xf32, #tpu.memory_space<hbm>> -> memref<128x128xf32, #tpu.memory_space<hbm>>
    %dma_start3A_643 = tpu.memref_slice %arg9[%dma_start3A_637] : memref<4x!tpu.dma_semaphore, #tpu.memory_space<semaphore_mem>> -> memref<1x!tpu.dma_semaphore, #tpu.memory_space<semaphore_mem>>
    %dma_start3A_644 = tpu.memref_squeeze %dma_start3A_643 : memref<1x!tpu.dma_semaphore, #tpu.memory_space<semaphore_mem>> -> memref<!tpu.dma_semaphore, #tpu.memory_space<semaphore_mem>>
    %dma_start3A_645 = arith.constant 0 : i32
    %dma_start3A_646 = tpu.memref_slice %arg4[%min3A_57, %dma_start3A_645] : memref<100000x128xf32, #tpu.memory_space<hbm>> -> memref<128x128xf32, #tpu.memory_space<hbm>>
    %dma_start3A_647 = arith.constant 256 : i32
    %dma_start3A_648 = arith.constant 0 : i32
    %dma_start3A_649 = tpu.memref_slice %arg7[%dma_start3A_647, %dma_start3A_648] : memref<512x128xf32, #tpu.memory_space<vmem>> -> memref<128x128xf32, #tpu.memory_space<vmem>>
    tpu.enqueue_dma source(%dma_start3A_649 : memref<128x128xf32, #tpu.memory_space<vmem>>) target(%dma_start3A_646 : memref<128x128xf32, #tpu.memory_space<hbm>>) target_semaphore(%dma_start3A_644 : memref<!tpu.dma_semaphore, #tpu.memory_space<semaphore_mem>>)
    %dma_wait3A_650 = arith.constant 2 : i32
    %dma_wait3A_651 = arith.constant 256 : i32
    %dma_wait3A_652 = arith.constant 0 : i32
    %dma_wait3A_653 = tpu.memref_slice %arg7[%dma_wait3A_651, %dma_wait3A_652] : memref<512x128xf32, #tpu.memory_space<vmem>> -> memref<128x128xf32, #tpu.memory_space<vmem>>
    %dma_wait3A_654 = arith.constant 0 : i32
    %dma_wait3A_655 = tpu.memref_slice %arg4[%min3A_57, %dma_wait3A_654] : memref<100000x128xf32, #tpu.memory_space<hbm>> -> memref<128x128xf32, #tpu.memory_space<hbm>>
    %dma_wait3A_656 = tpu.memref_slice %arg9[%dma_wait3A_650] : memref<4x!tpu.dma_semaphore, #tpu.memory_space<semaphore_mem>> -> memref<1x!tpu.dma_semaphore, #tpu.memory_space<semaphore_mem>>
    %dma_wait3A_657 = tpu.memref_squeeze %dma_wait3A_656 : memref<1x!tpu.dma_semaphore, #tpu.memory_space<semaphore_mem>> -> memref<!tpu.dma_semaphore, #tpu.memory_space<semaphore_mem>>
    %dma_wait3A_658 = arith.constant 0 : i32
    %dma_wait3A_659 = tpu.memref_slice %arg4[%min3A_57, %dma_wait3A_658] : memref<100000x128xf32, #tpu.memory_space<hbm>> -> memref<128x128xf32, #tpu.memory_space<hbm>>
    %dma_wait3A_660 = arith.constant 256 : i32
    %dma_wait3A_661 = arith.constant 0 : i32
    %dma_wait3A_662 = tpu.memref_slice %arg7[%dma_wait3A_660, %dma_wait3A_661] : memref<512x128xf32, #tpu.memory_space<vmem>> -> memref<128x128xf32, #tpu.memory_space<vmem>>
    tpu.wait_dma2 semaphore(%dma_wait3A_657 : memref<!tpu.dma_semaphore, #tpu.memory_space<semaphore_mem>>) src(%dma_wait3A_662 : memref<128x128xf32, #tpu.memory_space<vmem>>) dst(%dma_wait3A_659 : memref<128x128xf32, #tpu.memory_space<hbm>>)
    %sub3A_663 = arith.subi %min3A_73, %min3A_10 : i32
    %dma_start3A_664 = arith.constant 2 : i32
    %dma_start3A_665 = arith.constant 256 : i32
    %dma_start3A_666 = arith.constant 0 : i32
    %dma_start3A_667 = tpu.memref_slice %arg7[%dma_start3A_665, %dma_start3A_666] : memref<512x128xf32, #tpu.memory_space<vmem>> -> memref<128x128xf32, #tpu.memory_space<vmem>>
    %dma_start3A_668 = tpu.memref_slice %arg5[%sub3A_663] : memref<3200xi32, #tpu.memory_space<vmem>> -> memref<128xi32, #tpu.memory_space<vmem>>
    %dma_start3A_669 = arith.constant 0 : i32
    %dma_start3A_670 = arith.constant 0 : i32
    %dma_start3A_671 = tpu.memref_slice %arg6[%dma_start3A_669, %dma_start3A_670] : memref<512x128xf32, #tpu.memory_space<vmem_shared>> -> memref<512x128xf32, #tpu.memory_space<vmem_shared>>
    %dma_start3A_672 = tpu.memref_slice %arg8[%dma_start3A_664] : memref<4x!tpu.dma_semaphore, #tpu.memory_space<semaphore_mem>> -> memref<1x!tpu.dma_semaphore, #tpu.memory_space<semaphore_mem>>
    %dma_start3A_673 = tpu.memref_squeeze %dma_start3A_672 : memref<1x!tpu.dma_semaphore, #tpu.memory_space<semaphore_mem>> -> memref<!tpu.dma_semaphore, #tpu.memory_space<semaphore_mem>>
    tpu.enqueue_indirect_dma source(%dma_start3A_671 : memref<512x128xf32, #tpu.memory_space<vmem_shared>>) target(%dma_start3A_667 : memref<128x128xf32, #tpu.memory_space<vmem>>) offsets(%dma_start3A_668 : memref<128xi32, #tpu.memory_space<vmem>>) semaphore(%dma_start3A_673 : memref<!tpu.dma_semaphore, #tpu.memory_space<semaphore_mem>>)
    %dma_wait3A_674 = arith.constant 3 : i32
    %dma_wait3A_675 = arith.constant 384 : i32
    %dma_wait3A_676 = arith.constant 0 : i32
    %dma_wait3A_677 = tpu.memref_slice %arg7[%dma_wait3A_675, %dma_wait3A_676] : memref<512x128xf32, #tpu.memory_space<vmem>> -> memref<128x128xf32, #tpu.memory_space<vmem>>
    %dma_wait3A_678 = tpu.memref_slice %arg5[%sub3A_522] : memref<3200xi32, #tpu.memory_space<vmem>> -> memref<128xi32, #tpu.memory_space<vmem>>
    %dma_wait3A_679 = arith.constant 0 : i32
    %dma_wait3A_680 = arith.constant 0 : i32
    %dma_wait3A_681 = tpu.memref_slice %arg6[%dma_wait3A_679, %dma_wait3A_680] : memref<512x128xf32, #tpu.memory_space<vmem_shared>> -> memref<512x128xf32, #tpu.memory_space<vmem_shared>>
    %dma_wait3A_682 = tpu.memref_slice %arg8[%dma_wait3A_674] : memref<4x!tpu.dma_semaphore, #tpu.memory_space<semaphore_mem>> -> memref<1x!tpu.dma_semaphore, #tpu.memory_space<semaphore_mem>>
    %dma_wait3A_683 = tpu.memref_squeeze %dma_wait3A_682 : memref<1x!tpu.dma_semaphore, #tpu.memory_space<semaphore_mem>> -> memref<!tpu.dma_semaphore, #tpu.memory_space<semaphore_mem>>
    tpu.wait_indirect_dma semaphore(%dma_wait3A_683 : memref<!tpu.dma_semaphore, #tpu.memory_space<semaphore_mem>>) src(%dma_wait3A_681 : memref<512x128xf32, #tpu.memory_space<vmem_shared>>) dst(%dma_wait3A_677 : memref<128x128xf32, #tpu.memory_space<vmem>>)
    %dma_start3A_684 = arith.constant 3 : i32
    %dma_start3A_685 = arith.constant 384 : i32
    %dma_start3A_686 = arith.constant 0 : i32
    %dma_start3A_687 = tpu.memref_slice %arg7[%dma_start3A_685, %dma_start3A_686] : memref<512x128xf32, #tpu.memory_space<vmem>> -> memref<128x128xf32, #tpu.memory_space<vmem>>
    %dma_start3A_688 = arith.constant 0 : i32
    %dma_start3A_689 = tpu.memref_slice %arg4[%min3A_61, %dma_start3A_688] : memref<100000x128xf32, #tpu.memory_space<hbm>> -> memref<128x128xf32, #tpu.memory_space<hbm>>
    %dma_start3A_690 = tpu.memref_slice %arg9[%dma_start3A_684] : memref<4x!tpu.dma_semaphore, #tpu.memory_space<semaphore_mem>> -> memref<1x!tpu.dma_semaphore, #tpu.memory_space<semaphore_mem>>
    %dma_start3A_691 = tpu.memref_squeeze %dma_start3A_690 : memref<1x!tpu.dma_semaphore, #tpu.memory_space<semaphore_mem>> -> memref<!tpu.dma_semaphore, #tpu.memory_space<semaphore_mem>>
    %dma_start3A_692 = arith.constant 0 : i32
    %dma_start3A_693 = tpu.memref_slice %arg4[%min3A_61, %dma_start3A_692] : memref<100000x128xf32, #tpu.memory_space<hbm>> -> memref<128x128xf32, #tpu.memory_space<hbm>>
    %dma_start3A_694 = arith.constant 384 : i32
    %dma_start3A_695 = arith.constant 0 : i32
    %dma_start3A_696 = tpu.memref_slice %arg7[%dma_start3A_694, %dma_start3A_695] : memref<512x128xf32, #tpu.memory_space<vmem>> -> memref<128x128xf32, #tpu.memory_space<vmem>>
    tpu.enqueue_dma source(%dma_start3A_696 : memref<128x128xf32, #tpu.memory_space<vmem>>) target(%dma_start3A_693 : memref<128x128xf32, #tpu.memory_space<hbm>>) target_semaphore(%dma_start3A_691 : memref<!tpu.dma_semaphore, #tpu.memory_space<semaphore_mem>>)
    %dma_wait3A_697 = arith.constant 3 : i32
    %dma_wait3A_698 = arith.constant 384 : i32
    %dma_wait3A_699 = arith.constant 0 : i32
    %dma_wait3A_700 = tpu.memref_slice %arg7[%dma_wait3A_698, %dma_wait3A_699] : memref<512x128xf32, #tpu.memory_space<vmem>> -> memref<128x128xf32, #tpu.memory_space<vmem>>
    %dma_wait3A_701 = arith.constant 0 : i32
    %dma_wait3A_702 = tpu.memref_slice %arg4[%min3A_61, %dma_wait3A_701] : memref<100000x128xf32, #tpu.memory_space<hbm>> -> memref<128x128xf32, #tpu.memory_space<hbm>>
    %dma_wait3A_703 = tpu.memref_slice %arg9[%dma_wait3A_697] : memref<4x!tpu.dma_semaphore, #tpu.memory_space<semaphore_mem>> -> memref<1x!tpu.dma_semaphore, #tpu.memory_space<semaphore_mem>>
    %dma_wait3A_704 = tpu.memref_squeeze %dma_wait3A_703 : memref<1x!tpu.dma_semaphore, #tpu.memory_space<semaphore_mem>> -> memref<!tpu.dma_semaphore, #tpu.memory_space<semaphore_mem>>
    %dma_wait3A_705 = arith.constant 0 : i32
    %dma_wait3A_706 = tpu.memref_slice %arg4[%min3A_61, %dma_wait3A_705] : memref<100000x128xf32, #tpu.memory_space<hbm>> -> memref<128x128xf32, #tpu.memory_space<hbm>>
    %dma_wait3A_707 = arith.constant 384 : i32
    %dma_wait3A_708 = arith.constant 0 : i32
    %dma_wait3A_709 = tpu.memref_slice %arg7[%dma_wait3A_707, %dma_wait3A_708] : memref<512x128xf32, #tpu.memory_space<vmem>> -> memref<128x128xf32, #tpu.memory_space<vmem>>
    tpu.wait_dma2 semaphore(%dma_wait3A_704 : memref<!tpu.dma_semaphore, #tpu.memory_space<semaphore_mem>>) src(%dma_wait3A_709 : memref<128x128xf32, #tpu.memory_space<vmem>>) dst(%dma_wait3A_706 : memref<128x128xf32, #tpu.memory_space<hbm>>)
    %sub3A_710 = arith.subi %min3A_77, %min3A_10 : i32
    %dma_start3A_711 = arith.constant 3 : i32
    %dma_start3A_712 = arith.constant 384 : i32
    %dma_start3A_713 = arith.constant 0 : i32
    %dma_start3A_714 = tpu.memref_slice %arg7[%dma_start3A_712, %dma_start3A_713] : memref<512x128xf32, #tpu.memory_space<vmem>> -> memref<128x128xf32, #tpu.memory_space<vmem>>
    %dma_start3A_715 = tpu.memref_slice %arg5[%sub3A_710] : memref<3200xi32, #tpu.memory_space<vmem>> -> memref<128xi32, #tpu.memory_space<vmem>>
    %dma_start3A_716 = arith.constant 0 : i32
    %dma_start3A_717 = arith.constant 0 : i32
    %dma_start3A_718 = tpu.memref_slice %arg6[%dma_start3A_716, %dma_start3A_717] : memref<512x128xf32, #tpu.memory_space<vmem_shared>> -> memref<512x128xf32, #tpu.memory_space<vmem_shared>>
    %dma_start3A_719 = tpu.memref_slice %arg8[%dma_start3A_711] : memref<4x!tpu.dma_semaphore, #tpu.memory_space<semaphore_mem>> -> memref<1x!tpu.dma_semaphore, #tpu.memory_space<semaphore_mem>>
    %dma_start3A_720 = tpu.memref_squeeze %dma_start3A_719 : memref<1x!tpu.dma_semaphore, #tpu.memory_space<semaphore_mem>> -> memref<!tpu.dma_semaphore, #tpu.memory_space<semaphore_mem>>
    tpu.enqueue_indirect_dma source(%dma_start3A_718 : memref<512x128xf32, #tpu.memory_space<vmem_shared>>) target(%dma_start3A_714 : memref<128x128xf32, #tpu.memory_space<vmem>>) offsets(%dma_start3A_715 : memref<128xi32, #tpu.memory_space<vmem>>) semaphore(%dma_start3A_720 : memref<!tpu.dma_semaphore, #tpu.memory_space<semaphore_mem>>)
    %dma_wait3A_721 = arith.constant 0 : i32
    %dma_wait3A_722 = arith.constant 0 : i32
    %dma_wait3A_723 = arith.constant 0 : i32
    %dma_wait3A_724 = tpu.memref_slice %arg7[%dma_wait3A_722, %dma_wait3A_723] : memref<512x128xf32, #tpu.memory_space<vmem>> -> memref<128x128xf32, #tpu.memory_space<vmem>>
    %dma_wait3A_725 = tpu.memref_slice %arg5[%sub3A_569] : memref<3200xi32, #tpu.memory_space<vmem>> -> memref<128xi32, #tpu.memory_space<vmem>>
    %dma_wait3A_726 = arith.constant 0 : i32
    %dma_wait3A_727 = arith.constant 0 : i32
    %dma_wait3A_728 = tpu.memref_slice %arg6[%dma_wait3A_726, %dma_wait3A_727] : memref<512x128xf32, #tpu.memory_space<vmem_shared>> -> memref<512x128xf32, #tpu.memory_space<vmem_shared>>
    %dma_wait3A_729 = tpu.memref_slice %arg8[%dma_wait3A_721] : memref<4x!tpu.dma_semaphore, #tpu.memory_space<semaphore_mem>> -> memref<1x!tpu.dma_semaphore, #tpu.memory_space<semaphore_mem>>
    %dma_wait3A_730 = tpu.memref_squeeze %dma_wait3A_729 : memref<1x!tpu.dma_semaphore, #tpu.memory_space<semaphore_mem>> -> memref<!tpu.dma_semaphore, #tpu.memory_space<semaphore_mem>>
    tpu.wait_indirect_dma semaphore(%dma_wait3A_730 : memref<!tpu.dma_semaphore, #tpu.memory_space<semaphore_mem>>) src(%dma_wait3A_728 : memref<512x128xf32, #tpu.memory_space<vmem_shared>>) dst(%dma_wait3A_724 : memref<128x128xf32, #tpu.memory_space<vmem>>)
    %dma_start3A_731 = arith.constant 0 : i32
    %dma_start3A_732 = arith.constant 0 : i32
    %dma_start3A_733 = arith.constant 0 : i32
    %dma_start3A_734 = tpu.memref_slice %arg7[%dma_start3A_732, %dma_start3A_733] : memref<512x128xf32, #tpu.memory_space<vmem>> -> memref<128x128xf32, #tpu.memory_space<vmem>>
    %dma_start3A_735 = arith.constant 0 : i32
    %dma_start3A_736 = tpu.memref_slice %arg4[%min3A_65, %dma_start3A_735] : memref<100000x128xf32, #tpu.memory_space<hbm>> -> memref<128x128xf32, #tpu.memory_space<hbm>>
    %dma_start3A_737 = tpu.memref_slice %arg9[%dma_start3A_731] : memref<4x!tpu.dma_semaphore, #tpu.memory_space<semaphore_mem>> -> memref<1x!tpu.dma_semaphore, #tpu.memory_space<semaphore_mem>>
    %dma_start3A_738 = tpu.memref_squeeze %dma_start3A_737 : memref<1x!tpu.dma_semaphore, #tpu.memory_space<semaphore_mem>> -> memref<!tpu.dma_semaphore, #tpu.memory_space<semaphore_mem>>
    %dma_start3A_739 = arith.constant 0 : i32
    %dma_start3A_740 = tpu.memref_slice %arg4[%min3A_65, %dma_start3A_739] : memref<100000x128xf32, #tpu.memory_space<hbm>> -> memref<128x128xf32, #tpu.memory_space<hbm>>
    %dma_start3A_741 = arith.constant 0 : i32
    %dma_start3A_742 = arith.constant 0 : i32
    %dma_start3A_743 = tpu.memref_slice %arg7[%dma_start3A_741, %dma_start3A_742] : memref<512x128xf32, #tpu.memory_space<vmem>> -> memref<128x128xf32, #tpu.memory_space<vmem>>
    tpu.enqueue_dma source(%dma_start3A_743 : memref<128x128xf32, #tpu.memory_space<vmem>>) target(%dma_start3A_740 : memref<128x128xf32, #tpu.memory_space<hbm>>) target_semaphore(%dma_start3A_738 : memref<!tpu.dma_semaphore, #tpu.memory_space<semaphore_mem>>)
    %dma_wait3A_744 = arith.constant 0 : i32
    %dma_wait3A_745 = arith.constant 0 : i32
    %dma_wait3A_746 = arith.constant 0 : i32
    %dma_wait3A_747 = tpu.memref_slice %arg7[%dma_wait3A_745, %dma_wait3A_746] : memref<512x128xf32, #tpu.memory_space<vmem>> -> memref<128x128xf32, #tpu.memory_space<vmem>>
    %dma_wait3A_748 = arith.constant 0 : i32
    %dma_wait3A_749 = tpu.memref_slice %arg4[%min3A_65, %dma_wait3A_748] : memref<100000x128xf32, #tpu.memory_space<hbm>> -> memref<128x128xf32, #tpu.memory_space<hbm>>
    %dma_wait3A_750 = tpu.memref_slice %arg9[%dma_wait3A_744] : memref<4x!tpu.dma_semaphore, #tpu.memory_space<semaphore_mem>> -> memref<1x!tpu.dma_semaphore, #tpu.memory_space<semaphore_mem>>
    %dma_wait3A_751 = tpu.memref_squeeze %dma_wait3A_750 : memref<1x!tpu.dma_semaphore, #tpu.memory_space<semaphore_mem>> -> memref<!tpu.dma_semaphore, #tpu.memory_space<semaphore_mem>>
    %dma_wait3A_752 = arith.constant 0 : i32
    %dma_wait3A_753 = tpu.memref_slice %arg4[%min3A_65, %dma_wait3A_752] : memref<100000x128xf32, #tpu.memory_space<hbm>> -> memref<128x128xf32, #tpu.memory_space<hbm>>
    %dma_wait3A_754 = arith.constant 0 : i32
    %dma_wait3A_755 = arith.constant 0 : i32
    %dma_wait3A_756 = tpu.memref_slice %arg7[%dma_wait3A_754, %dma_wait3A_755] : memref<512x128xf32, #tpu.memory_space<vmem>> -> memref<128x128xf32, #tpu.memory_space<vmem>>
    tpu.wait_dma2 semaphore(%dma_wait3A_751 : memref<!tpu.dma_semaphore, #tpu.memory_space<semaphore_mem>>) src(%dma_wait3A_756 : memref<128x128xf32, #tpu.memory_space<vmem>>) dst(%dma_wait3A_753 : memref<128x128xf32, #tpu.memory_space<hbm>>)
    %sub3A_757 = arith.subi %min3A_81, %min3A_10 : i32
    %dma_start3A_758 = arith.constant 0 : i32
    %dma_start3A_759 = arith.constant 0 : i32
    %dma_start3A_760 = arith.constant 0 : i32
    %dma_start3A_761 = tpu.memref_slice %arg7[%dma_start3A_759, %dma_start3A_760] : memref<512x128xf32, #tpu.memory_space<vmem>> -> memref<128x128xf32, #tpu.memory_space<vmem>>
    %dma_start3A_762 = tpu.memref_slice %arg5[%sub3A_757] : memref<3200xi32, #tpu.memory_space<vmem>> -> memref<128xi32, #tpu.memory_space<vmem>>
    %dma_start3A_763 = arith.constant 0 : i32
    %dma_start3A_764 = arith.constant 0 : i32
    %dma_start3A_765 = tpu.memref_slice %arg6[%dma_start3A_763, %dma_start3A_764] : memref<512x128xf32, #tpu.memory_space<vmem_shared>> -> memref<512x128xf32, #tpu.memory_space<vmem_shared>>
    %dma_start3A_766 = tpu.memref_slice %arg8[%dma_start3A_758] : memref<4x!tpu.dma_semaphore, #tpu.memory_space<semaphore_mem>> -> memref<1x!tpu.dma_semaphore, #tpu.memory_space<semaphore_mem>>
    %dma_start3A_767 = tpu.memref_squeeze %dma_start3A_766 : memref<1x!tpu.dma_semaphore, #tpu.memory_space<semaphore_mem>> -> memref<!tpu.dma_semaphore, #tpu.memory_space<semaphore_mem>>
    tpu.enqueue_indirect_dma source(%dma_start3A_765 : memref<512x128xf32, #tpu.memory_space<vmem_shared>>) target(%dma_start3A_761 : memref<128x128xf32, #tpu.memory_space<vmem>>) offsets(%dma_start3A_762 : memref<128xi32, #tpu.memory_space<vmem>>) semaphore(%dma_start3A_767 : memref<!tpu.dma_semaphore, #tpu.memory_space<semaphore_mem>>)
    %dma_wait3A_768 = arith.constant 1 : i32
    %dma_wait3A_769 = arith.constant 128 : i32
    %dma_wait3A_770 = arith.constant 0 : i32
    %dma_wait3A_771 = tpu.memref_slice %arg7[%dma_wait3A_769, %dma_wait3A_770] : memref<512x128xf32, #tpu.memory_space<vmem>> -> memref<128x128xf32, #tpu.memory_space<vmem>>
    %dma_wait3A_772 = tpu.memref_slice %arg5[%sub3A_616] : memref<3200xi32, #tpu.memory_space<vmem>> -> memref<128xi32, #tpu.memory_space<vmem>>
    %dma_wait3A_773 = arith.constant 0 : i32
    %dma_wait3A_774 = arith.constant 0 : i32
    %dma_wait3A_775 = tpu.memref_slice %arg6[%dma_wait3A_773, %dma_wait3A_774] : memref<512x128xf32, #tpu.memory_space<vmem_shared>> -> memref<512x128xf32, #tpu.memory_space<vmem_shared>>
    %dma_wait3A_776 = tpu.memref_slice %arg8[%dma_wait3A_768] : memref<4x!tpu.dma_semaphore, #tpu.memory_space<semaphore_mem>> -> memref<1x!tpu.dma_semaphore, #tpu.memory_space<semaphore_mem>>
    %dma_wait3A_777 = tpu.memref_squeeze %dma_wait3A_776 : memref<1x!tpu.dma_semaphore, #tpu.memory_space<semaphore_mem>> -> memref<!tpu.dma_semaphore, #tpu.memory_space<semaphore_mem>>
    tpu.wait_indirect_dma semaphore(%dma_wait3A_777 : memref<!tpu.dma_semaphore, #tpu.memory_space<semaphore_mem>>) src(%dma_wait3A_775 : memref<512x128xf32, #tpu.memory_space<vmem_shared>>) dst(%dma_wait3A_771 : memref<128x128xf32, #tpu.memory_space<vmem>>)
    %dma_start3A_778 = arith.constant 1 : i32
    %dma_start3A_779 = arith.constant 128 : i32
    %dma_start3A_780 = arith.constant 0 : i32
    %dma_start3A_781 = tpu.memref_slice %arg7[%dma_start3A_779, %dma_start3A_780] : memref<512x128xf32, #tpu.memory_space<vmem>> -> memref<128x128xf32, #tpu.memory_space<vmem>>
    %dma_start3A_782 = arith.constant 0 : i32
    %dma_start3A_783 = tpu.memref_slice %arg4[%min3A_69, %dma_start3A_782] : memref<100000x128xf32, #tpu.memory_space<hbm>> -> memref<128x128xf32, #tpu.memory_space<hbm>>
    %dma_start3A_784 = tpu.memref_slice %arg9[%dma_start3A_778] : memref<4x!tpu.dma_semaphore, #tpu.memory_space<semaphore_mem>> -> memref<1x!tpu.dma_semaphore, #tpu.memory_space<semaphore_mem>>
    %dma_start3A_785 = tpu.memref_squeeze %dma_start3A_784 : memref<1x!tpu.dma_semaphore, #tpu.memory_space<semaphore_mem>> -> memref<!tpu.dma_semaphore, #tpu.memory_space<semaphore_mem>>
    %dma_start3A_786 = arith.constant 0 : i32
    %dma_start3A_787 = tpu.memref_slice %arg4[%min3A_69, %dma_start3A_786] : memref<100000x128xf32, #tpu.memory_space<hbm>> -> memref<128x128xf32, #tpu.memory_space<hbm>>
    %dma_start3A_788 = arith.constant 128 : i32
    %dma_start3A_789 = arith.constant 0 : i32
    %dma_start3A_790 = tpu.memref_slice %arg7[%dma_start3A_788, %dma_start3A_789] : memref<512x128xf32, #tpu.memory_space<vmem>> -> memref<128x128xf32, #tpu.memory_space<vmem>>
    tpu.enqueue_dma source(%dma_start3A_790 : memref<128x128xf32, #tpu.memory_space<vmem>>) target(%dma_start3A_787 : memref<128x128xf32, #tpu.memory_space<hbm>>) target_semaphore(%dma_start3A_785 : memref<!tpu.dma_semaphore, #tpu.memory_space<semaphore_mem>>)
    %dma_wait3A_791 = arith.constant 1 : i32
    %dma_wait3A_792 = arith.constant 128 : i32
    %dma_wait3A_793 = arith.constant 0 : i32
    %dma_wait3A_794 = tpu.memref_slice %arg7[%dma_wait3A_792, %dma_wait3A_793] : memref<512x128xf32, #tpu.memory_space<vmem>> -> memref<128x128xf32, #tpu.memory_space<vmem>>
    %dma_wait3A_795 = arith.constant 0 : i32
    %dma_wait3A_796 = tpu.memref_slice %arg4[%min3A_69, %dma_wait3A_795] : memref<100000x128xf32, #tpu.memory_space<hbm>> -> memref<128x128xf32, #tpu.memory_space<hbm>>
    %dma_wait3A_797 = tpu.memref_slice %arg9[%dma_wait3A_791] : memref<4x!tpu.dma_semaphore, #tpu.memory_space<semaphore_mem>> -> memref<1x!tpu.dma_semaphore, #tpu.memory_space<semaphore_mem>>
    %dma_wait3A_798 = tpu.memref_squeeze %dma_wait3A_797 : memref<1x!tpu.dma_semaphore, #tpu.memory_space<semaphore_mem>> -> memref<!tpu.dma_semaphore, #tpu.memory_space<semaphore_mem>>
    %dma_wait3A_799 = arith.constant 0 : i32
    %dma_wait3A_800 = tpu.memref_slice %arg4[%min3A_69, %dma_wait3A_799] : memref<100000x128xf32, #tpu.memory_space<hbm>> -> memref<128x128xf32, #tpu.memory_space<hbm>>
    %dma_wait3A_801 = arith.constant 128 : i32
    %dma_wait3A_802 = arith.constant 0 : i32
    %dma_wait3A_803 = tpu.memref_slice %arg7[%dma_wait3A_801, %dma_wait3A_802] : memref<512x128xf32, #tpu.memory_space<vmem>> -> memref<128x128xf32, #tpu.memory_space<vmem>>
    tpu.wait_dma2 semaphore(%dma_wait3A_798 : memref<!tpu.dma_semaphore, #tpu.memory_space<semaphore_mem>>) src(%dma_wait3A_803 : memref<128x128xf32, #tpu.memory_space<vmem>>) dst(%dma_wait3A_800 : memref<128x128xf32, #tpu.memory_space<hbm>>)
    %sub3A_804 = arith.subi %min3A_85, %min3A_10 : i32
    %dma_start3A_805 = arith.constant 1 : i32
    %dma_start3A_806 = arith.constant 128 : i32
    %dma_start3A_807 = arith.constant 0 : i32
    %dma_start3A_808 = tpu.memref_slice %arg7[%dma_start3A_806, %dma_start3A_807] : memref<512x128xf32, #tpu.memory_space<vmem>> -> memref<128x128xf32, #tpu.memory_space<vmem>>
    %dma_start3A_809 = tpu.memref_slice %arg5[%sub3A_804] : memref<3200xi32, #tpu.memory_space<vmem>> -> memref<128xi32, #tpu.memory_space<vmem>>
    %dma_start3A_810 = arith.constant 0 : i32
    %dma_start3A_811 = arith.constant 0 : i32
    %dma_start3A_812 = tpu.memref_slice %arg6[%dma_start3A_810, %dma_start3A_811] : memref<512x128xf32, #tpu.memory_space<vmem_shared>> -> memref<512x128xf32, #tpu.memory_space<vmem_shared>>
    %dma_start3A_813 = tpu.memref_slice %arg8[%dma_start3A_805] : memref<4x!tpu.dma_semaphore, #tpu.memory_space<semaphore_mem>> -> memref<1x!tpu.dma_semaphore, #tpu.memory_space<semaphore_mem>>
    %dma_start3A_814 = tpu.memref_squeeze %dma_start3A_813 : memref<1x!tpu.dma_semaphore, #tpu.memory_space<semaphore_mem>> -> memref<!tpu.dma_semaphore, #tpu.memory_space<semaphore_mem>>
    tpu.enqueue_indirect_dma source(%dma_start3A_812 : memref<512x128xf32, #tpu.memory_space<vmem_shared>>) target(%dma_start3A_808 : memref<128x128xf32, #tpu.memory_space<vmem>>) offsets(%dma_start3A_809 : memref<128xi32, #tpu.memory_space<vmem>>) semaphore(%dma_start3A_814 : memref<!tpu.dma_semaphore, #tpu.memory_space<semaphore_mem>>)
    %dma_wait3A_815 = arith.constant 2 : i32
    %dma_wait3A_816 = arith.constant 256 : i32
    %dma_wait3A_817 = arith.constant 0 : i32
    %dma_wait3A_818 = tpu.memref_slice %arg7[%dma_wait3A_816, %dma_wait3A_817] : memref<512x128xf32, #tpu.memory_space<vmem>> -> memref<128x128xf32, #tpu.memory_space<vmem>>
    %dma_wait3A_819 = tpu.memref_slice %arg5[%sub3A_663] : memref<3200xi32, #tpu.memory_space<vmem>> -> memref<128xi32, #tpu.memory_space<vmem>>
    %dma_wait3A_820 = arith.constant 0 : i32
    %dma_wait3A_821 = arith.constant 0 : i32
    %dma_wait3A_822 = tpu.memref_slice %arg6[%dma_wait3A_820, %dma_wait3A_821] : memref<512x128xf32, #tpu.memory_space<vmem_shared>> -> memref<512x128xf32, #tpu.memory_space<vmem_shared>>
    %dma_wait3A_823 = tpu.memref_slice %arg8[%dma_wait3A_815] : memref<4x!tpu.dma_semaphore, #tpu.memory_space<semaphore_mem>> -> memref<1x!tpu.dma_semaphore, #tpu.memory_space<semaphore_mem>>
    %dma_wait3A_824 = tpu.memref_squeeze %dma_wait3A_823 : memref<1x!tpu.dma_semaphore, #tpu.memory_space<semaphore_mem>> -> memref<!tpu.dma_semaphore, #tpu.memory_space<semaphore_mem>>
    tpu.wait_indirect_dma semaphore(%dma_wait3A_824 : memref<!tpu.dma_semaphore, #tpu.memory_space<semaphore_mem>>) src(%dma_wait3A_822 : memref<512x128xf32, #tpu.memory_space<vmem_shared>>) dst(%dma_wait3A_818 : memref<128x128xf32, #tpu.memory_space<vmem>>)
    %dma_start3A_825 = arith.constant 2 : i32
    %dma_start3A_826 = arith.constant 256 : i32
    %dma_start3A_827 = arith.constant 0 : i32
    %dma_start3A_828 = tpu.memref_slice %arg7[%dma_start3A_826, %dma_start3A_827] : memref<512x128xf32, #tpu.memory_space<vmem>> -> memref<128x128xf32, #tpu.memory_space<vmem>>
    %dma_start3A_829 = arith.constant 0 : i32
    %dma_start3A_830 = tpu.memref_slice %arg4[%min3A_73, %dma_start3A_829] : memref<100000x128xf32, #tpu.memory_space<hbm>> -> memref<128x128xf32, #tpu.memory_space<hbm>>
    %dma_start3A_831 = tpu.memref_slice %arg9[%dma_start3A_825] : memref<4x!tpu.dma_semaphore, #tpu.memory_space<semaphore_mem>> -> memref<1x!tpu.dma_semaphore, #tpu.memory_space<semaphore_mem>>
    %dma_start3A_832 = tpu.memref_squeeze %dma_start3A_831 : memref<1x!tpu.dma_semaphore, #tpu.memory_space<semaphore_mem>> -> memref<!tpu.dma_semaphore, #tpu.memory_space<semaphore_mem>>
    %dma_start3A_833 = arith.constant 0 : i32
    %dma_start3A_834 = tpu.memref_slice %arg4[%min3A_73, %dma_start3A_833] : memref<100000x128xf32, #tpu.memory_space<hbm>> -> memref<128x128xf32, #tpu.memory_space<hbm>>
    %dma_start3A_835 = arith.constant 256 : i32
    %dma_start3A_836 = arith.constant 0 : i32
    %dma_start3A_837 = tpu.memref_slice %arg7[%dma_start3A_835, %dma_start3A_836] : memref<512x128xf32, #tpu.memory_space<vmem>> -> memref<128x128xf32, #tpu.memory_space<vmem>>
    tpu.enqueue_dma source(%dma_start3A_837 : memref<128x128xf32, #tpu.memory_space<vmem>>) target(%dma_start3A_834 : memref<128x128xf32, #tpu.memory_space<hbm>>) target_semaphore(%dma_start3A_832 : memref<!tpu.dma_semaphore, #tpu.memory_space<semaphore_mem>>)
    %dma_wait3A_838 = arith.constant 2 : i32
    %dma_wait3A_839 = arith.constant 256 : i32
    %dma_wait3A_840 = arith.constant 0 : i32
    %dma_wait3A_841 = tpu.memref_slice %arg7[%dma_wait3A_839, %dma_wait3A_840] : memref<512x128xf32, #tpu.memory_space<vmem>> -> memref<128x128xf32, #tpu.memory_space<vmem>>
    %dma_wait3A_842 = arith.constant 0 : i32
    %dma_wait3A_843 = tpu.memref_slice %arg4[%min3A_73, %dma_wait3A_842] : memref<100000x128xf32, #tpu.memory_space<hbm>> -> memref<128x128xf32, #tpu.memory_space<hbm>>
    %dma_wait3A_844 = tpu.memref_slice %arg9[%dma_wait3A_838] : memref<4x!tpu.dma_semaphore, #tpu.memory_space<semaphore_mem>> -> memref<1x!tpu.dma_semaphore, #tpu.memory_space<semaphore_mem>>
    %dma_wait3A_845 = tpu.memref_squeeze %dma_wait3A_844 : memref<1x!tpu.dma_semaphore, #tpu.memory_space<semaphore_mem>> -> memref<!tpu.dma_semaphore, #tpu.memory_space<semaphore_mem>>
    %dma_wait3A_846 = arith.constant 0 : i32
    %dma_wait3A_847 = tpu.memref_slice %arg4[%min3A_73, %dma_wait3A_846] : memref<100000x128xf32, #tpu.memory_space<hbm>> -> memref<128x128xf32, #tpu.memory_space<hbm>>
    %dma_wait3A_848 = arith.constant 256 : i32
    %dma_wait3A_849 = arith.constant 0 : i32
    %dma_wait3A_850 = tpu.memref_slice %arg7[%dma_wait3A_848, %dma_wait3A_849] : memref<512x128xf32, #tpu.memory_space<vmem>> -> memref<128x128xf32, #tpu.memory_space<vmem>>
    tpu.wait_dma2 semaphore(%dma_wait3A_845 : memref<!tpu.dma_semaphore, #tpu.memory_space<semaphore_mem>>) src(%dma_wait3A_850 : memref<128x128xf32, #tpu.memory_space<vmem>>) dst(%dma_wait3A_847 : memref<128x128xf32, #tpu.memory_space<hbm>>)
    %sub3A_851 = arith.subi %min3A_89, %min3A_10 : i32
    %dma_start3A_852 = arith.constant 2 : i32
    %dma_start3A_853 = arith.constant 256 : i32
    %dma_start3A_854 = arith.constant 0 : i32
    %dma_start3A_855 = tpu.memref_slice %arg7[%dma_start3A_853, %dma_start3A_854] : memref<512x128xf32, #tpu.memory_space<vmem>> -> memref<128x128xf32, #tpu.memory_space<vmem>>
    %dma_start3A_856 = tpu.memref_slice %arg5[%sub3A_851] : memref<3200xi32, #tpu.memory_space<vmem>> -> memref<128xi32, #tpu.memory_space<vmem>>
    %dma_start3A_857 = arith.constant 0 : i32
    %dma_start3A_858 = arith.constant 0 : i32
    %dma_start3A_859 = tpu.memref_slice %arg6[%dma_start3A_857, %dma_start3A_858] : memref<512x128xf32, #tpu.memory_space<vmem_shared>> -> memref<512x128xf32, #tpu.memory_space<vmem_shared>>
    %dma_start3A_860 = tpu.memref_slice %arg8[%dma_start3A_852] : memref<4x!tpu.dma_semaphore, #tpu.memory_space<semaphore_mem>> -> memref<1x!tpu.dma_semaphore, #tpu.memory_space<semaphore_mem>>
    %dma_start3A_861 = tpu.memref_squeeze %dma_start3A_860 : memref<1x!tpu.dma_semaphore, #tpu.memory_space<semaphore_mem>> -> memref<!tpu.dma_semaphore, #tpu.memory_space<semaphore_mem>>
    tpu.enqueue_indirect_dma source(%dma_start3A_859 : memref<512x128xf32, #tpu.memory_space<vmem_shared>>) target(%dma_start3A_855 : memref<128x128xf32, #tpu.memory_space<vmem>>) offsets(%dma_start3A_856 : memref<128xi32, #tpu.memory_space<vmem>>) semaphore(%dma_start3A_861 : memref<!tpu.dma_semaphore, #tpu.memory_space<semaphore_mem>>)
    %dma_wait3A_862 = arith.constant 3 : i32
    %dma_wait3A_863 = arith.constant 384 : i32
    %dma_wait3A_864 = arith.constant 0 : i32
    %dma_wait3A_865 = tpu.memref_slice %arg7[%dma_wait3A_863, %dma_wait3A_864] : memref<512x128xf32, #tpu.memory_space<vmem>> -> memref<128x128xf32, #tpu.memory_space<vmem>>
    %dma_wait3A_866 = tpu.memref_slice %arg5[%sub3A_710] : memref<3200xi32, #tpu.memory_space<vmem>> -> memref<128xi32, #tpu.memory_space<vmem>>
    %dma_wait3A_867 = arith.constant 0 : i32
    %dma_wait3A_868 = arith.constant 0 : i32
    %dma_wait3A_869 = tpu.memref_slice %arg6[%dma_wait3A_867, %dma_wait3A_868] : memref<512x128xf32, #tpu.memory_space<vmem_shared>> -> memref<512x128xf32, #tpu.memory_space<vmem_shared>>
    %dma_wait3A_870 = tpu.memref_slice %arg8[%dma_wait3A_862] : memref<4x!tpu.dma_semaphore, #tpu.memory_space<semaphore_mem>> -> memref<1x!tpu.dma_semaphore, #tpu.memory_space<semaphore_mem>>
    %dma_wait3A_871 = tpu.memref_squeeze %dma_wait3A_870 : memref<1x!tpu.dma_semaphore, #tpu.memory_space<semaphore_mem>> -> memref<!tpu.dma_semaphore, #tpu.memory_space<semaphore_mem>>
    tpu.wait_indirect_dma semaphore(%dma_wait3A_871 : memref<!tpu.dma_semaphore, #tpu.memory_space<semaphore_mem>>) src(%dma_wait3A_869 : memref<512x128xf32, #tpu.memory_space<vmem_shared>>) dst(%dma_wait3A_865 : memref<128x128xf32, #tpu.memory_space<vmem>>)
    %dma_start3A_872 = arith.constant 3 : i32
    %dma_start3A_873 = arith.constant 384 : i32
    %dma_start3A_874 = arith.constant 0 : i32
    %dma_start3A_875 = tpu.memref_slice %arg7[%dma_start3A_873, %dma_start3A_874] : memref<512x128xf32, #tpu.memory_space<vmem>> -> memref<128x128xf32, #tpu.memory_space<vmem>>
    %dma_start3A_876 = arith.constant 0 : i32
    %dma_start3A_877 = tpu.memref_slice %arg4[%min3A_77, %dma_start3A_876] : memref<100000x128xf32, #tpu.memory_space<hbm>> -> memref<128x128xf32, #tpu.memory_space<hbm>>
    %dma_start3A_878 = tpu.memref_slice %arg9[%dma_start3A_872] : memref<4x!tpu.dma_semaphore, #tpu.memory_space<semaphore_mem>> -> memref<1x!tpu.dma_semaphore, #tpu.memory_space<semaphore_mem>>
    %dma_start3A_879 = tpu.memref_squeeze %dma_start3A_878 : memref<1x!tpu.dma_semaphore, #tpu.memory_space<semaphore_mem>> -> memref<!tpu.dma_semaphore, #tpu.memory_space<semaphore_mem>>
    %dma_start3A_880 = arith.constant 0 : i32
    %dma_start3A_881 = tpu.memref_slice %arg4[%min3A_77, %dma_start3A_880] : memref<100000x128xf32, #tpu.memory_space<hbm>> -> memref<128x128xf32, #tpu.memory_space<hbm>>
    %dma_start3A_882 = arith.constant 384 : i32
    %dma_start3A_883 = arith.constant 0 : i32
    %dma_start3A_884 = tpu.memref_slice %arg7[%dma_start3A_882, %dma_start3A_883] : memref<512x128xf32, #tpu.memory_space<vmem>> -> memref<128x128xf32, #tpu.memory_space<vmem>>
    tpu.enqueue_dma source(%dma_start3A_884 : memref<128x128xf32, #tpu.memory_space<vmem>>) target(%dma_start3A_881 : memref<128x128xf32, #tpu.memory_space<hbm>>) target_semaphore(%dma_start3A_879 : memref<!tpu.dma_semaphore, #tpu.memory_space<semaphore_mem>>)
    %dma_wait3A_885 = arith.constant 3 : i32
    %dma_wait3A_886 = arith.constant 384 : i32
    %dma_wait3A_887 = arith.constant 0 : i32
    %dma_wait3A_888 = tpu.memref_slice %arg7[%dma_wait3A_886, %dma_wait3A_887] : memref<512x128xf32, #tpu.memory_space<vmem>> -> memref<128x128xf32, #tpu.memory_space<vmem>>
    %dma_wait3A_889 = arith.constant 0 : i32
    %dma_wait3A_890 = tpu.memref_slice %arg4[%min3A_77, %dma_wait3A_889] : memref<100000x128xf32, #tpu.memory_space<hbm>> -> memref<128x128xf32, #tpu.memory_space<hbm>>
    %dma_wait3A_891 = tpu.memref_slice %arg9[%dma_wait3A_885] : memref<4x!tpu.dma_semaphore, #tpu.memory_space<semaphore_mem>> -> memref<1x!tpu.dma_semaphore, #tpu.memory_space<semaphore_mem>>
    %dma_wait3A_892 = tpu.memref_squeeze %dma_wait3A_891 : memref<1x!tpu.dma_semaphore, #tpu.memory_space<semaphore_mem>> -> memref<!tpu.dma_semaphore, #tpu.memory_space<semaphore_mem>>
    %dma_wait3A_893 = arith.constant 0 : i32
    %dma_wait3A_894 = tpu.memref_slice %arg4[%min3A_77, %dma_wait3A_893] : memref<100000x128xf32, #tpu.memory_space<hbm>> -> memref<128x128xf32, #tpu.memory_space<hbm>>
    %dma_wait3A_895 = arith.constant 384 : i32
    %dma_wait3A_896 = arith.constant 0 : i32
    %dma_wait3A_897 = tpu.memref_slice %arg7[%dma_wait3A_895, %dma_wait3A_896] : memref<512x128xf32, #tpu.memory_space<vmem>> -> memref<128x128xf32, #tpu.memory_space<vmem>>
    tpu.wait_dma2 semaphore(%dma_wait3A_892 : memref<!tpu.dma_semaphore, #tpu.memory_space<semaphore_mem>>) src(%dma_wait3A_897 : memref<128x128xf32, #tpu.memory_space<vmem>>) dst(%dma_wait3A_894 : memref<128x128xf32, #tpu.memory_space<hbm>>)
    %sub3A_898 = arith.subi %min3A_93, %min3A_10 : i32
    %dma_start3A_899 = arith.constant 3 : i32
    %dma_start3A_900 = arith.constant 384 : i32
    %dma_start3A_901 = arith.constant 0 : i32
    %dma_start3A_902 = tpu.memref_slice %arg7[%dma_start3A_900, %dma_start3A_901] : memref<512x128xf32, #tpu.memory_space<vmem>> -> memref<128x128xf32, #tpu.memory_space<vmem>>
    %dma_start3A_903 = tpu.memref_slice %arg5[%sub3A_898] : memref<3200xi32, #tpu.memory_space<vmem>> -> memref<128xi32, #tpu.memory_space<vmem>>
    %dma_start3A_904 = arith.constant 0 : i32
    %dma_start3A_905 = arith.constant 0 : i32
    %dma_start3A_906 = tpu.memref_slice %arg6[%dma_start3A_904, %dma_start3A_905] : memref<512x128xf32, #tpu.memory_space<vmem_shared>> -> memref<512x128xf32, #tpu.memory_space<vmem_shared>>
    %dma_start3A_907 = tpu.memref_slice %arg8[%dma_start3A_899] : memref<4x!tpu.dma_semaphore, #tpu.memory_space<semaphore_mem>> -> memref<1x!tpu.dma_semaphore, #tpu.memory_space<semaphore_mem>>
    %dma_start3A_908 = tpu.memref_squeeze %dma_start3A_907 : memref<1x!tpu.dma_semaphore, #tpu.memory_space<semaphore_mem>> -> memref<!tpu.dma_semaphore, #tpu.memory_space<semaphore_mem>>
    tpu.enqueue_indirect_dma source(%dma_start3A_906 : memref<512x128xf32, #tpu.memory_space<vmem_shared>>) target(%dma_start3A_902 : memref<128x128xf32, #tpu.memory_space<vmem>>) offsets(%dma_start3A_903 : memref<128xi32, #tpu.memory_space<vmem>>) semaphore(%dma_start3A_908 : memref<!tpu.dma_semaphore, #tpu.memory_space<semaphore_mem>>)
    %dma_wait3A_909 = arith.constant 0 : i32
    %dma_wait3A_910 = arith.constant 0 : i32
    %dma_wait3A_911 = arith.constant 0 : i32
    %dma_wait3A_912 = tpu.memref_slice %arg7[%dma_wait3A_910, %dma_wait3A_911] : memref<512x128xf32, #tpu.memory_space<vmem>> -> memref<128x128xf32, #tpu.memory_space<vmem>>
    %dma_wait3A_913 = tpu.memref_slice %arg5[%sub3A_757] : memref<3200xi32, #tpu.memory_space<vmem>> -> memref<128xi32, #tpu.memory_space<vmem>>
    %dma_wait3A_914 = arith.constant 0 : i32
    %dma_wait3A_915 = arith.constant 0 : i32
    %dma_wait3A_916 = tpu.memref_slice %arg6[%dma_wait3A_914, %dma_wait3A_915] : memref<512x128xf32, #tpu.memory_space<vmem_shared>> -> memref<512x128xf32, #tpu.memory_space<vmem_shared>>
    %dma_wait3A_917 = tpu.memref_slice %arg8[%dma_wait3A_909] : memref<4x!tpu.dma_semaphore, #tpu.memory_space<semaphore_mem>> -> memref<1x!tpu.dma_semaphore, #tpu.memory_space<semaphore_mem>>
    %dma_wait3A_918 = tpu.memref_squeeze %dma_wait3A_917 : memref<1x!tpu.dma_semaphore, #tpu.memory_space<semaphore_mem>> -> memref<!tpu.dma_semaphore, #tpu.memory_space<semaphore_mem>>
    tpu.wait_indirect_dma semaphore(%dma_wait3A_918 : memref<!tpu.dma_semaphore, #tpu.memory_space<semaphore_mem>>) src(%dma_wait3A_916 : memref<512x128xf32, #tpu.memory_space<vmem_shared>>) dst(%dma_wait3A_912 : memref<128x128xf32, #tpu.memory_space<vmem>>)
    %dma_start3A_919 = arith.constant 0 : i32
    %dma_start3A_920 = arith.constant 0 : i32
    %dma_start3A_921 = arith.constant 0 : i32
    %dma_start3A_922 = tpu.memref_slice %arg7[%dma_start3A_920, %dma_start3A_921] : memref<512x128xf32, #tpu.memory_space<vmem>> -> memref<128x128xf32, #tpu.memory_space<vmem>>
    %dma_start3A_923 = arith.constant 0 : i32
    %dma_start3A_924 = tpu.memref_slice %arg4[%min3A_81, %dma_start3A_923] : memref<100000x128xf32, #tpu.memory_space<hbm>> -> memref<128x128xf32, #tpu.memory_space<hbm>>
    %dma_start3A_925 = tpu.memref_slice %arg9[%dma_start3A_919] : memref<4x!tpu.dma_semaphore, #tpu.memory_space<semaphore_mem>> -> memref<1x!tpu.dma_semaphore, #tpu.memory_space<semaphore_mem>>
    %dma_start3A_926 = tpu.memref_squeeze %dma_start3A_925 : memref<1x!tpu.dma_semaphore, #tpu.memory_space<semaphore_mem>> -> memref<!tpu.dma_semaphore, #tpu.memory_space<semaphore_mem>>
    %dma_start3A_927 = arith.constant 0 : i32
    %dma_start3A_928 = tpu.memref_slice %arg4[%min3A_81, %dma_start3A_927] : memref<100000x128xf32, #tpu.memory_space<hbm>> -> memref<128x128xf32, #tpu.memory_space<hbm>>
    %dma_start3A_929 = arith.constant 0 : i32
    %dma_start3A_930 = arith.constant 0 : i32
    %dma_start3A_931 = tpu.memref_slice %arg7[%dma_start3A_929, %dma_start3A_930] : memref<512x128xf32, #tpu.memory_space<vmem>> -> memref<128x128xf32, #tpu.memory_space<vmem>>
    tpu.enqueue_dma source(%dma_start3A_931 : memref<128x128xf32, #tpu.memory_space<vmem>>) target(%dma_start3A_928 : memref<128x128xf32, #tpu.memory_space<hbm>>) target_semaphore(%dma_start3A_926 : memref<!tpu.dma_semaphore, #tpu.memory_space<semaphore_mem>>)
    %dma_wait3A_932 = arith.constant 0 : i32
    %dma_wait3A_933 = arith.constant 0 : i32
    %dma_wait3A_934 = arith.constant 0 : i32
    %dma_wait3A_935 = tpu.memref_slice %arg7[%dma_wait3A_933, %dma_wait3A_934] : memref<512x128xf32, #tpu.memory_space<vmem>> -> memref<128x128xf32, #tpu.memory_space<vmem>>
    %dma_wait3A_936 = arith.constant 0 : i32
    %dma_wait3A_937 = tpu.memref_slice %arg4[%min3A_81, %dma_wait3A_936] : memref<100000x128xf32, #tpu.memory_space<hbm>> -> memref<128x128xf32, #tpu.memory_space<hbm>>
    %dma_wait3A_938 = tpu.memref_slice %arg9[%dma_wait3A_932] : memref<4x!tpu.dma_semaphore, #tpu.memory_space<semaphore_mem>> -> memref<1x!tpu.dma_semaphore, #tpu.memory_space<semaphore_mem>>
    %dma_wait3A_939 = tpu.memref_squeeze %dma_wait3A_938 : memref<1x!tpu.dma_semaphore, #tpu.memory_space<semaphore_mem>> -> memref<!tpu.dma_semaphore, #tpu.memory_space<semaphore_mem>>
    %dma_wait3A_940 = arith.constant 0 : i32
    %dma_wait3A_941 = tpu.memref_slice %arg4[%min3A_81, %dma_wait3A_940] : memref<100000x128xf32, #tpu.memory_space<hbm>> -> memref<128x128xf32, #tpu.memory_space<hbm>>
    %dma_wait3A_942 = arith.constant 0 : i32
    %dma_wait3A_943 = arith.constant 0 : i32
    %dma_wait3A_944 = tpu.memref_slice %arg7[%dma_wait3A_942, %dma_wait3A_943] : memref<512x128xf32, #tpu.memory_space<vmem>> -> memref<128x128xf32, #tpu.memory_space<vmem>>
    tpu.wait_dma2 semaphore(%dma_wait3A_939 : memref<!tpu.dma_semaphore, #tpu.memory_space<semaphore_mem>>) src(%dma_wait3A_944 : memref<128x128xf32, #tpu.memory_space<vmem>>) dst(%dma_wait3A_941 : memref<128x128xf32, #tpu.memory_space<hbm>>)
    %sub3A_945 = arith.subi %min3A_97, %min3A_10 : i32
    %dma_start3A_946 = arith.constant 0 : i32
    %dma_start3A_947 = arith.constant 0 : i32
    %dma_start3A_948 = arith.constant 0 : i32
    %dma_start3A_949 = tpu.memref_slice %arg7[%dma_start3A_947, %dma_start3A_948] : memref<512x128xf32, #tpu.memory_space<vmem>> -> memref<128x128xf32, #tpu.memory_space<vmem>>
    %dma_start3A_950 = tpu.memref_slice %arg5[%sub3A_945] : memref<3200xi32, #tpu.memory_space<vmem>> -> memref<128xi32, #tpu.memory_space<vmem>>
    %dma_start3A_951 = arith.constant 0 : i32
    %dma_start3A_952 = arith.constant 0 : i32
    %dma_start3A_953 = tpu.memref_slice %arg6[%dma_start3A_951, %dma_start3A_952] : memref<512x128xf32, #tpu.memory_space<vmem_shared>> -> memref<512x128xf32, #tpu.memory_space<vmem_shared>>
    %dma_start3A_954 = tpu.memref_slice %arg8[%dma_start3A_946] : memref<4x!tpu.dma_semaphore, #tpu.memory_space<semaphore_mem>> -> memref<1x!tpu.dma_semaphore, #tpu.memory_space<semaphore_mem>>
    %dma_start3A_955 = tpu.memref_squeeze %dma_start3A_954 : memref<1x!tpu.dma_semaphore, #tpu.memory_space<semaphore_mem>> -> memref<!tpu.dma_semaphore, #tpu.memory_space<semaphore_mem>>
    tpu.enqueue_indirect_dma source(%dma_start3A_953 : memref<512x128xf32, #tpu.memory_space<vmem_shared>>) target(%dma_start3A_949 : memref<128x128xf32, #tpu.memory_space<vmem>>) offsets(%dma_start3A_950 : memref<128xi32, #tpu.memory_space<vmem>>) semaphore(%dma_start3A_955 : memref<!tpu.dma_semaphore, #tpu.memory_space<semaphore_mem>>)
    %dma_wait3A_956 = arith.constant 1 : i32
    %dma_wait3A_957 = arith.constant 128 : i32
    %dma_wait3A_958 = arith.constant 0 : i32
    %dma_wait3A_959 = tpu.memref_slice %arg7[%dma_wait3A_957, %dma_wait3A_958] : memref<512x128xf32, #tpu.memory_space<vmem>> -> memref<128x128xf32, #tpu.memory_space<vmem>>
    %dma_wait3A_960 = tpu.memref_slice %arg5[%sub3A_804] : memref<3200xi32, #tpu.memory_space<vmem>> -> memref<128xi32, #tpu.memory_space<vmem>>
    %dma_wait3A_961 = arith.constant 0 : i32
    %dma_wait3A_962 = arith.constant 0 : i32
    %dma_wait3A_963 = tpu.memref_slice %arg6[%dma_wait3A_961, %dma_wait3A_962] : memref<512x128xf32, #tpu.memory_space<vmem_shared>> -> memref<512x128xf32, #tpu.memory_space<vmem_shared>>
    %dma_wait3A_964 = tpu.memref_slice %arg8[%dma_wait3A_956] : memref<4x!tpu.dma_semaphore, #tpu.memory_space<semaphore_mem>> -> memref<1x!tpu.dma_semaphore, #tpu.memory_space<semaphore_mem>>
    %dma_wait3A_965 = tpu.memref_squeeze %dma_wait3A_964 : memref<1x!tpu.dma_semaphore, #tpu.memory_space<semaphore_mem>> -> memref<!tpu.dma_semaphore, #tpu.memory_space<semaphore_mem>>
    tpu.wait_indirect_dma semaphore(%dma_wait3A_965 : memref<!tpu.dma_semaphore, #tpu.memory_space<semaphore_mem>>) src(%dma_wait3A_963 : memref<512x128xf32, #tpu.memory_space<vmem_shared>>) dst(%dma_wait3A_959 : memref<128x128xf32, #tpu.memory_space<vmem>>)
    %dma_start3A_966 = arith.constant 1 : i32
    %dma_start3A_967 = arith.constant 128 : i32
    %dma_start3A_968 = arith.constant 0 : i32
    %dma_start3A_969 = tpu.memref_slice %arg7[%dma_start3A_967, %dma_start3A_968] : memref<512x128xf32, #tpu.memory_space<vmem>> -> memref<128x128xf32, #tpu.memory_space<vmem>>
    %dma_start3A_970 = arith.constant 0 : i32
    %dma_start3A_971 = tpu.memref_slice %arg4[%min3A_85, %dma_start3A_970] : memref<100000x128xf32, #tpu.memory_space<hbm>> -> memref<128x128xf32, #tpu.memory_space<hbm>>
    %dma_start3A_972 = tpu.memref_slice %arg9[%dma_start3A_966] : memref<4x!tpu.dma_semaphore, #tpu.memory_space<semaphore_mem>> -> memref<1x!tpu.dma_semaphore, #tpu.memory_space<semaphore_mem>>
    %dma_start3A_973 = tpu.memref_squeeze %dma_start3A_972 : memref<1x!tpu.dma_semaphore, #tpu.memory_space<semaphore_mem>> -> memref<!tpu.dma_semaphore, #tpu.memory_space<semaphore_mem>>
    %dma_start3A_974 = arith.constant 0 : i32
    %dma_start3A_975 = tpu.memref_slice %arg4[%min3A_85, %dma_start3A_974] : memref<100000x128xf32, #tpu.memory_space<hbm>> -> memref<128x128xf32, #tpu.memory_space<hbm>>
    %dma_start3A_976 = arith.constant 128 : i32
    %dma_start3A_977 = arith.constant 0 : i32
    %dma_start3A_978 = tpu.memref_slice %arg7[%dma_start3A_976, %dma_start3A_977] : memref<512x128xf32, #tpu.memory_space<vmem>> -> memref<128x128xf32, #tpu.memory_space<vmem>>
    tpu.enqueue_dma source(%dma_start3A_978 : memref<128x128xf32, #tpu.memory_space<vmem>>) target(%dma_start3A_975 : memref<128x128xf32, #tpu.memory_space<hbm>>) target_semaphore(%dma_start3A_973 : memref<!tpu.dma_semaphore, #tpu.memory_space<semaphore_mem>>)
    %dma_wait3A_979 = arith.constant 1 : i32
    %dma_wait3A_980 = arith.constant 128 : i32
    %dma_wait3A_981 = arith.constant 0 : i32
    %dma_wait3A_982 = tpu.memref_slice %arg7[%dma_wait3A_980, %dma_wait3A_981] : memref<512x128xf32, #tpu.memory_space<vmem>> -> memref<128x128xf32, #tpu.memory_space<vmem>>
    %dma_wait3A_983 = arith.constant 0 : i32
    %dma_wait3A_984 = tpu.memref_slice %arg4[%min3A_85, %dma_wait3A_983] : memref<100000x128xf32, #tpu.memory_space<hbm>> -> memref<128x128xf32, #tpu.memory_space<hbm>>
    %dma_wait3A_985 = tpu.memref_slice %arg9[%dma_wait3A_979] : memref<4x!tpu.dma_semaphore, #tpu.memory_space<semaphore_mem>> -> memref<1x!tpu.dma_semaphore, #tpu.memory_space<semaphore_mem>>
    %dma_wait3A_986 = tpu.memref_squeeze %dma_wait3A_985 : memref<1x!tpu.dma_semaphore, #tpu.memory_space<semaphore_mem>> -> memref<!tpu.dma_semaphore, #tpu.memory_space<semaphore_mem>>
    %dma_wait3A_987 = arith.constant 0 : i32
    %dma_wait3A_988 = tpu.memref_slice %arg4[%min3A_85, %dma_wait3A_987] : memref<100000x128xf32, #tpu.memory_space<hbm>> -> memref<128x128xf32, #tpu.memory_space<hbm>>
    %dma_wait3A_989 = arith.constant 128 : i32
    %dma_wait3A_990 = arith.constant 0 : i32
    %dma_wait3A_991 = tpu.memref_slice %arg7[%dma_wait3A_989, %dma_wait3A_990] : memref<512x128xf32, #tpu.memory_space<vmem>> -> memref<128x128xf32, #tpu.memory_space<vmem>>
    tpu.wait_dma2 semaphore(%dma_wait3A_986 : memref<!tpu.dma_semaphore, #tpu.memory_space<semaphore_mem>>) src(%dma_wait3A_991 : memref<128x128xf32, #tpu.memory_space<vmem>>) dst(%dma_wait3A_988 : memref<128x128xf32, #tpu.memory_space<hbm>>)
    %sub3A_992 = arith.subi %min3A_101, %min3A_10 : i32
    %dma_start3A_993 = arith.constant 1 : i32
    %dma_start3A_994 = arith.constant 128 : i32
    %dma_start3A_995 = arith.constant 0 : i32
    %dma_start3A_996 = tpu.memref_slice %arg7[%dma_start3A_994, %dma_start3A_995] : memref<512x128xf32, #tpu.memory_space<vmem>> -> memref<128x128xf32, #tpu.memory_space<vmem>>
    %dma_start3A_997 = tpu.memref_slice %arg5[%sub3A_992] : memref<3200xi32, #tpu.memory_space<vmem>> -> memref<128xi32, #tpu.memory_space<vmem>>
    %dma_start3A_998 = arith.constant 0 : i32
    %dma_start3A_999 = arith.constant 0 : i32
    %dma_start3A_1000 = tpu.memref_slice %arg6[%dma_start3A_998, %dma_start3A_999] : memref<512x128xf32, #tpu.memory_space<vmem_shared>> -> memref<512x128xf32, #tpu.memory_space<vmem_shared>>
    %dma_start3A_1001 = tpu.memref_slice %arg8[%dma_start3A_993] : memref<4x!tpu.dma_semaphore, #tpu.memory_space<semaphore_mem>> -> memref<1x!tpu.dma_semaphore, #tpu.memory_space<semaphore_mem>>
    %dma_start3A_1002 = tpu.memref_squeeze %dma_start3A_1001 : memref<1x!tpu.dma_semaphore, #tpu.memory_space<semaphore_mem>> -> memref<!tpu.dma_semaphore, #tpu.memory_space<semaphore_mem>>
    tpu.enqueue_indirect_dma source(%dma_start3A_1000 : memref<512x128xf32, #tpu.memory_space<vmem_shared>>) target(%dma_start3A_996 : memref<128x128xf32, #tpu.memory_space<vmem>>) offsets(%dma_start3A_997 : memref<128xi32, #tpu.memory_space<vmem>>) semaphore(%dma_start3A_1002 : memref<!tpu.dma_semaphore, #tpu.memory_space<semaphore_mem>>)
    %dma_wait3A_1003 = arith.constant 2 : i32
    %dma_wait3A_1004 = arith.constant 256 : i32
    %dma_wait3A_1005 = arith.constant 0 : i32
    %dma_wait3A_1006 = tpu.memref_slice %arg7[%dma_wait3A_1004, %dma_wait3A_1005] : memref<512x128xf32, #tpu.memory_space<vmem>> -> memref<128x128xf32, #tpu.memory_space<vmem>>
    %dma_wait3A_1007 = tpu.memref_slice %arg5[%sub3A_851] : memref<3200xi32, #tpu.memory_space<vmem>> -> memref<128xi32, #tpu.memory_space<vmem>>
    %dma_wait3A_1008 = arith.constant 0 : i32
    %dma_wait3A_1009 = arith.constant 0 : i32
    %dma_wait3A_1010 = tpu.memref_slice %arg6[%dma_wait3A_1008, %dma_wait3A_1009] : memref<512x128xf32, #tpu.memory_space<vmem_shared>> -> memref<512x128xf32, #tpu.memory_space<vmem_shared>>
    %dma_wait3A_1011 = tpu.memref_slice %arg8[%dma_wait3A_1003] : memref<4x!tpu.dma_semaphore, #tpu.memory_space<semaphore_mem>> -> memref<1x!tpu.dma_semaphore, #tpu.memory_space<semaphore_mem>>
    %dma_wait3A_1012 = tpu.memref_squeeze %dma_wait3A_1011 : memref<1x!tpu.dma_semaphore, #tpu.memory_space<semaphore_mem>> -> memref<!tpu.dma_semaphore, #tpu.memory_space<semaphore_mem>>
    tpu.wait_indirect_dma semaphore(%dma_wait3A_1012 : memref<!tpu.dma_semaphore, #tpu.memory_space<semaphore_mem>>) src(%dma_wait3A_1010 : memref<512x128xf32, #tpu.memory_space<vmem_shared>>) dst(%dma_wait3A_1006 : memref<128x128xf32, #tpu.memory_space<vmem>>)
    %dma_start3A_1013 = arith.constant 2 : i32
    %dma_start3A_1014 = arith.constant 256 : i32
    %dma_start3A_1015 = arith.constant 0 : i32
    %dma_start3A_1016 = tpu.memref_slice %arg7[%dma_start3A_1014, %dma_start3A_1015] : memref<512x128xf32, #tpu.memory_space<vmem>> -> memref<128x128xf32, #tpu.memory_space<vmem>>
    %dma_start3A_1017 = arith.constant 0 : i32
    %dma_start3A_1018 = tpu.memref_slice %arg4[%min3A_89, %dma_start3A_1017] : memref<100000x128xf32, #tpu.memory_space<hbm>> -> memref<128x128xf32, #tpu.memory_space<hbm>>
    %dma_start3A_1019 = tpu.memref_slice %arg9[%dma_start3A_1013] : memref<4x!tpu.dma_semaphore, #tpu.memory_space<semaphore_mem>> -> memref<1x!tpu.dma_semaphore, #tpu.memory_space<semaphore_mem>>
    %dma_start3A_1020 = tpu.memref_squeeze %dma_start3A_1019 : memref<1x!tpu.dma_semaphore, #tpu.memory_space<semaphore_mem>> -> memref<!tpu.dma_semaphore, #tpu.memory_space<semaphore_mem>>
    %dma_start3A_1021 = arith.constant 0 : i32
    %dma_start3A_1022 = tpu.memref_slice %arg4[%min3A_89, %dma_start3A_1021] : memref<100000x128xf32, #tpu.memory_space<hbm>> -> memref<128x128xf32, #tpu.memory_space<hbm>>
    %dma_start3A_1023 = arith.constant 256 : i32
    %dma_start3A_1024 = arith.constant 0 : i32
    %dma_start3A_1025 = tpu.memref_slice %arg7[%dma_start3A_1023, %dma_start3A_1024] : memref<512x128xf32, #tpu.memory_space<vmem>> -> memref<128x128xf32, #tpu.memory_space<vmem>>
    tpu.enqueue_dma source(%dma_start3A_1025 : memref<128x128xf32, #tpu.memory_space<vmem>>) target(%dma_start3A_1022 : memref<128x128xf32, #tpu.memory_space<hbm>>) target_semaphore(%dma_start3A_1020 : memref<!tpu.dma_semaphore, #tpu.memory_space<semaphore_mem>>)
    %dma_wait3A_1026 = arith.constant 2 : i32
    %dma_wait3A_1027 = arith.constant 256 : i32
    %dma_wait3A_1028 = arith.constant 0 : i32
    %dma_wait3A_1029 = tpu.memref_slice %arg7[%dma_wait3A_1027, %dma_wait3A_1028] : memref<512x128xf32, #tpu.memory_space<vmem>> -> memref<128x128xf32, #tpu.memory_space<vmem>>
    %dma_wait3A_1030 = arith.constant 0 : i32
    %dma_wait3A_1031 = tpu.memref_slice %arg4[%min3A_89, %dma_wait3A_1030] : memref<100000x128xf32, #tpu.memory_space<hbm>> -> memref<128x128xf32, #tpu.memory_space<hbm>>
    %dma_wait3A_1032 = tpu.memref_slice %arg9[%dma_wait3A_1026] : memref<4x!tpu.dma_semaphore, #tpu.memory_space<semaphore_mem>> -> memref<1x!tpu.dma_semaphore, #tpu.memory_space<semaphore_mem>>
    %dma_wait3A_1033 = tpu.memref_squeeze %dma_wait3A_1032 : memref<1x!tpu.dma_semaphore, #tpu.memory_space<semaphore_mem>> -> memref<!tpu.dma_semaphore, #tpu.memory_space<semaphore_mem>>
    %dma_wait3A_1034 = arith.constant 0 : i32
    %dma_wait3A_1035 = tpu.memref_slice %arg4[%min3A_89, %dma_wait3A_1034] : memref<100000x128xf32, #tpu.memory_space<hbm>> -> memref<128x128xf32, #tpu.memory_space<hbm>>
    %dma_wait3A_1036 = arith.constant 256 : i32
    %dma_wait3A_1037 = arith.constant 0 : i32
    %dma_wait3A_1038 = tpu.memref_slice %arg7[%dma_wait3A_1036, %dma_wait3A_1037] : memref<512x128xf32, #tpu.memory_space<vmem>> -> memref<128x128xf32, #tpu.memory_space<vmem>>
    tpu.wait_dma2 semaphore(%dma_wait3A_1033 : memref<!tpu.dma_semaphore, #tpu.memory_space<semaphore_mem>>) src(%dma_wait3A_1038 : memref<128x128xf32, #tpu.memory_space<vmem>>) dst(%dma_wait3A_1035 : memref<128x128xf32, #tpu.memory_space<hbm>>)
    %sub3A_1039 = arith.subi %min3A_105, %min3A_10 : i32
    %dma_start3A_1040 = arith.constant 2 : i32
    %dma_start3A_1041 = arith.constant 256 : i32
    %dma_start3A_1042 = arith.constant 0 : i32
    %dma_start3A_1043 = tpu.memref_slice %arg7[%dma_start3A_1041, %dma_start3A_1042] : memref<512x128xf32, #tpu.memory_space<vmem>> -> memref<128x128xf32, #tpu.memory_space<vmem>>
    %dma_start3A_1044 = tpu.memref_slice %arg5[%sub3A_1039] : memref<3200xi32, #tpu.memory_space<vmem>> -> memref<128xi32, #tpu.memory_space<vmem>>
    %dma_start3A_1045 = arith.constant 0 : i32
    %dma_start3A_1046 = arith.constant 0 : i32
    %dma_start3A_1047 = tpu.memref_slice %arg6[%dma_start3A_1045, %dma_start3A_1046] : memref<512x128xf32, #tpu.memory_space<vmem_shared>> -> memref<512x128xf32, #tpu.memory_space<vmem_shared>>
    %dma_start3A_1048 = tpu.memref_slice %arg8[%dma_start3A_1040] : memref<4x!tpu.dma_semaphore, #tpu.memory_space<semaphore_mem>> -> memref<1x!tpu.dma_semaphore, #tpu.memory_space<semaphore_mem>>
    %dma_start3A_1049 = tpu.memref_squeeze %dma_start3A_1048 : memref<1x!tpu.dma_semaphore, #tpu.memory_space<semaphore_mem>> -> memref<!tpu.dma_semaphore, #tpu.memory_space<semaphore_mem>>
    tpu.enqueue_indirect_dma source(%dma_start3A_1047 : memref<512x128xf32, #tpu.memory_space<vmem_shared>>) target(%dma_start3A_1043 : memref<128x128xf32, #tpu.memory_space<vmem>>) offsets(%dma_start3A_1044 : memref<128xi32, #tpu.memory_space<vmem>>) semaphore(%dma_start3A_1049 : memref<!tpu.dma_semaphore, #tpu.memory_space<semaphore_mem>>)
    %dma_wait3A_1050 = arith.constant 3 : i32
    %dma_wait3A_1051 = arith.constant 384 : i32
    %dma_wait3A_1052 = arith.constant 0 : i32
    %dma_wait3A_1053 = tpu.memref_slice %arg7[%dma_wait3A_1051, %dma_wait3A_1052] : memref<512x128xf32, #tpu.memory_space<vmem>> -> memref<128x128xf32, #tpu.memory_space<vmem>>
    %dma_wait3A_1054 = tpu.memref_slice %arg5[%sub3A_898] : memref<3200xi32, #tpu.memory_space<vmem>> -> memref<128xi32, #tpu.memory_space<vmem>>
    %dma_wait3A_1055 = arith.constant 0 : i32
    %dma_wait3A_1056 = arith.constant 0 : i32
    %dma_wait3A_1057 = tpu.memref_slice %arg6[%dma_wait3A_1055, %dma_wait3A_1056] : memref<512x128xf32, #tpu.memory_space<vmem_shared>> -> memref<512x128xf32, #tpu.memory_space<vmem_shared>>
    %dma_wait3A_1058 = tpu.memref_slice %arg8[%dma_wait3A_1050] : memref<4x!tpu.dma_semaphore, #tpu.memory_space<semaphore_mem>> -> memref<1x!tpu.dma_semaphore, #tpu.memory_space<semaphore_mem>>
    %dma_wait3A_1059 = tpu.memref_squeeze %dma_wait3A_1058 : memref<1x!tpu.dma_semaphore, #tpu.memory_space<semaphore_mem>> -> memref<!tpu.dma_semaphore, #tpu.memory_space<semaphore_mem>>
    tpu.wait_indirect_dma semaphore(%dma_wait3A_1059 : memref<!tpu.dma_semaphore, #tpu.memory_space<semaphore_mem>>) src(%dma_wait3A_1057 : memref<512x128xf32, #tpu.memory_space<vmem_shared>>) dst(%dma_wait3A_1053 : memref<128x128xf32, #tpu.memory_space<vmem>>)
    %dma_start3A_1060 = arith.constant 3 : i32
    %dma_start3A_1061 = arith.constant 384 : i32
    %dma_start3A_1062 = arith.constant 0 : i32
    %dma_start3A_1063 = tpu.memref_slice %arg7[%dma_start3A_1061, %dma_start3A_1062] : memref<512x128xf32, #tpu.memory_space<vmem>> -> memref<128x128xf32, #tpu.memory_space<vmem>>
    %dma_start3A_1064 = arith.constant 0 : i32
    %dma_start3A_1065 = tpu.memref_slice %arg4[%min3A_93, %dma_start3A_1064] : memref<100000x128xf32, #tpu.memory_space<hbm>> -> memref<128x128xf32, #tpu.memory_space<hbm>>
    %dma_start3A_1066 = tpu.memref_slice %arg9[%dma_start3A_1060] : memref<4x!tpu.dma_semaphore, #tpu.memory_space<semaphore_mem>> -> memref<1x!tpu.dma_semaphore, #tpu.memory_space<semaphore_mem>>
    %dma_start3A_1067 = tpu.memref_squeeze %dma_start3A_1066 : memref<1x!tpu.dma_semaphore, #tpu.memory_space<semaphore_mem>> -> memref<!tpu.dma_semaphore, #tpu.memory_space<semaphore_mem>>
    %dma_start3A_1068 = arith.constant 0 : i32
    %dma_start3A_1069 = tpu.memref_slice %arg4[%min3A_93, %dma_start3A_1068] : memref<100000x128xf32, #tpu.memory_space<hbm>> -> memref<128x128xf32, #tpu.memory_space<hbm>>
    %dma_start3A_1070 = arith.constant 384 : i32
    %dma_start3A_1071 = arith.constant 0 : i32
    %dma_start3A_1072 = tpu.memref_slice %arg7[%dma_start3A_1070, %dma_start3A_1071] : memref<512x128xf32, #tpu.memory_space<vmem>> -> memref<128x128xf32, #tpu.memory_space<vmem>>
    tpu.enqueue_dma source(%dma_start3A_1072 : memref<128x128xf32, #tpu.memory_space<vmem>>) target(%dma_start3A_1069 : memref<128x128xf32, #tpu.memory_space<hbm>>) target_semaphore(%dma_start3A_1067 : memref<!tpu.dma_semaphore, #tpu.memory_space<semaphore_mem>>)
    %dma_wait3A_1073 = arith.constant 3 : i32
    %dma_wait3A_1074 = arith.constant 384 : i32
    %dma_wait3A_1075 = arith.constant 0 : i32
    %dma_wait3A_1076 = tpu.memref_slice %arg7[%dma_wait3A_1074, %dma_wait3A_1075] : memref<512x128xf32, #tpu.memory_space<vmem>> -> memref<128x128xf32, #tpu.memory_space<vmem>>
    %dma_wait3A_1077 = arith.constant 0 : i32
    %dma_wait3A_1078 = tpu.memref_slice %arg4[%min3A_93, %dma_wait3A_1077] : memref<100000x128xf32, #tpu.memory_space<hbm>> -> memref<128x128xf32, #tpu.memory_space<hbm>>
    %dma_wait3A_1079 = tpu.memref_slice %arg9[%dma_wait3A_1073] : memref<4x!tpu.dma_semaphore, #tpu.memory_space<semaphore_mem>> -> memref<1x!tpu.dma_semaphore, #tpu.memory_space<semaphore_mem>>
    %dma_wait3A_1080 = tpu.memref_squeeze %dma_wait3A_1079 : memref<1x!tpu.dma_semaphore, #tpu.memory_space<semaphore_mem>> -> memref<!tpu.dma_semaphore, #tpu.memory_space<semaphore_mem>>
    %dma_wait3A_1081 = arith.constant 0 : i32
    %dma_wait3A_1082 = tpu.memref_slice %arg4[%min3A_93, %dma_wait3A_1081] : memref<100000x128xf32, #tpu.memory_space<hbm>> -> memref<128x128xf32, #tpu.memory_space<hbm>>
    %dma_wait3A_1083 = arith.constant 384 : i32
    %dma_wait3A_1084 = arith.constant 0 : i32
    %dma_wait3A_1085 = tpu.memref_slice %arg7[%dma_wait3A_1083, %dma_wait3A_1084] : memref<512x128xf32, #tpu.memory_space<vmem>> -> memref<128x128xf32, #tpu.memory_space<vmem>>
    tpu.wait_dma2 semaphore(%dma_wait3A_1080 : memref<!tpu.dma_semaphore, #tpu.memory_space<semaphore_mem>>) src(%dma_wait3A_1085 : memref<128x128xf32, #tpu.memory_space<vmem>>) dst(%dma_wait3A_1082 : memref<128x128xf32, #tpu.memory_space<hbm>>)
    %sub3A_1086 = arith.subi %min3A_109, %min3A_10 : i32
    %dma_start3A_1087 = arith.constant 3 : i32
    %dma_start3A_1088 = arith.constant 384 : i32
    %dma_start3A_1089 = arith.constant 0 : i32
    %dma_start3A_1090 = tpu.memref_slice %arg7[%dma_start3A_1088, %dma_start3A_1089] : memref<512x128xf32, #tpu.memory_space<vmem>> -> memref<128x128xf32, #tpu.memory_space<vmem>>
    %dma_start3A_1091 = tpu.memref_slice %arg5[%sub3A_1086] : memref<3200xi32, #tpu.memory_space<vmem>> -> memref<128xi32, #tpu.memory_space<vmem>>
    %dma_start3A_1092 = arith.constant 0 : i32
    %dma_start3A_1093 = arith.constant 0 : i32
    %dma_start3A_1094 = tpu.memref_slice %arg6[%dma_start3A_1092, %dma_start3A_1093] : memref<512x128xf32, #tpu.memory_space<vmem_shared>> -> memref<512x128xf32, #tpu.memory_space<vmem_shared>>
    %dma_start3A_1095 = tpu.memref_slice %arg8[%dma_start3A_1087] : memref<4x!tpu.dma_semaphore, #tpu.memory_space<semaphore_mem>> -> memref<1x!tpu.dma_semaphore, #tpu.memory_space<semaphore_mem>>
    %dma_start3A_1096 = tpu.memref_squeeze %dma_start3A_1095 : memref<1x!tpu.dma_semaphore, #tpu.memory_space<semaphore_mem>> -> memref<!tpu.dma_semaphore, #tpu.memory_space<semaphore_mem>>
    tpu.enqueue_indirect_dma source(%dma_start3A_1094 : memref<512x128xf32, #tpu.memory_space<vmem_shared>>) target(%dma_start3A_1090 : memref<128x128xf32, #tpu.memory_space<vmem>>) offsets(%dma_start3A_1091 : memref<128xi32, #tpu.memory_space<vmem>>) semaphore(%dma_start3A_1096 : memref<!tpu.dma_semaphore, #tpu.memory_space<semaphore_mem>>)
    %dma_wait3A_1097 = arith.constant 0 : i32
    %dma_wait3A_1098 = arith.constant 0 : i32
    %dma_wait3A_1099 = arith.constant 0 : i32
    %dma_wait3A_1100 = tpu.memref_slice %arg7[%dma_wait3A_1098, %dma_wait3A_1099] : memref<512x128xf32, #tpu.memory_space<vmem>> -> memref<128x128xf32, #tpu.memory_space<vmem>>
    %dma_wait3A_1101 = tpu.memref_slice %arg5[%sub3A_945] : memref<3200xi32, #tpu.memory_space<vmem>> -> memref<128xi32, #tpu.memory_space<vmem>>
    %dma_wait3A_1102 = arith.constant 0 : i32
    %dma_wait3A_1103 = arith.constant 0 : i32
    %dma_wait3A_1104 = tpu.memref_slice %arg6[%dma_wait3A_1102, %dma_wait3A_1103] : memref<512x128xf32, #tpu.memory_space<vmem_shared>> -> memref<512x128xf32, #tpu.memory_space<vmem_shared>>
    %dma_wait3A_1105 = tpu.memref_slice %arg8[%dma_wait3A_1097] : memref<4x!tpu.dma_semaphore, #tpu.memory_space<semaphore_mem>> -> memref<1x!tpu.dma_semaphore, #tpu.memory_space<semaphore_mem>>
    %dma_wait3A_1106 = tpu.memref_squeeze %dma_wait3A_1105 : memref<1x!tpu.dma_semaphore, #tpu.memory_space<semaphore_mem>> -> memref<!tpu.dma_semaphore, #tpu.memory_space<semaphore_mem>>
    tpu.wait_indirect_dma semaphore(%dma_wait3A_1106 : memref<!tpu.dma_semaphore, #tpu.memory_space<semaphore_mem>>) src(%dma_wait3A_1104 : memref<512x128xf32, #tpu.memory_space<vmem_shared>>) dst(%dma_wait3A_1100 : memref<128x128xf32, #tpu.memory_space<vmem>>)
    %dma_start3A_1107 = arith.constant 0 : i32
    %dma_start3A_1108 = arith.constant 0 : i32
    %dma_start3A_1109 = arith.constant 0 : i32
    %dma_start3A_1110 = tpu.memref_slice %arg7[%dma_start3A_1108, %dma_start3A_1109] : memref<512x128xf32, #tpu.memory_space<vmem>> -> memref<128x128xf32, #tpu.memory_space<vmem>>
    %dma_start3A_1111 = arith.constant 0 : i32
    %dma_start3A_1112 = tpu.memref_slice %arg4[%min3A_97, %dma_start3A_1111] : memref<100000x128xf32, #tpu.memory_space<hbm>> -> memref<128x128xf32, #tpu.memory_space<hbm>>
    %dma_start3A_1113 = tpu.memref_slice %arg9[%dma_start3A_1107] : memref<4x!tpu.dma_semaphore, #tpu.memory_space<semaphore_mem>> -> memref<1x!tpu.dma_semaphore, #tpu.memory_space<semaphore_mem>>
    %dma_start3A_1114 = tpu.memref_squeeze %dma_start3A_1113 : memref<1x!tpu.dma_semaphore, #tpu.memory_space<semaphore_mem>> -> memref<!tpu.dma_semaphore, #tpu.memory_space<semaphore_mem>>
    %dma_start3A_1115 = arith.constant 0 : i32
    %dma_start3A_1116 = tpu.memref_slice %arg4[%min3A_97, %dma_start3A_1115] : memref<100000x128xf32, #tpu.memory_space<hbm>> -> memref<128x128xf32, #tpu.memory_space<hbm>>
    %dma_start3A_1117 = arith.constant 0 : i32
    %dma_start3A_1118 = arith.constant 0 : i32
    %dma_start3A_1119 = tpu.memref_slice %arg7[%dma_start3A_1117, %dma_start3A_1118] : memref<512x128xf32, #tpu.memory_space<vmem>> -> memref<128x128xf32, #tpu.memory_space<vmem>>
    tpu.enqueue_dma source(%dma_start3A_1119 : memref<128x128xf32, #tpu.memory_space<vmem>>) target(%dma_start3A_1116 : memref<128x128xf32, #tpu.memory_space<hbm>>) target_semaphore(%dma_start3A_1114 : memref<!tpu.dma_semaphore, #tpu.memory_space<semaphore_mem>>)
    %dma_wait3A_1120 = arith.constant 0 : i32
    %dma_wait3A_1121 = arith.constant 0 : i32
    %dma_wait3A_1122 = arith.constant 0 : i32
    %dma_wait3A_1123 = tpu.memref_slice %arg7[%dma_wait3A_1121, %dma_wait3A_1122] : memref<512x128xf32, #tpu.memory_space<vmem>> -> memref<128x128xf32, #tpu.memory_space<vmem>>
    %dma_wait3A_1124 = arith.constant 0 : i32
    %dma_wait3A_1125 = tpu.memref_slice %arg4[%min3A_97, %dma_wait3A_1124] : memref<100000x128xf32, #tpu.memory_space<hbm>> -> memref<128x128xf32, #tpu.memory_space<hbm>>
    %dma_wait3A_1126 = tpu.memref_slice %arg9[%dma_wait3A_1120] : memref<4x!tpu.dma_semaphore, #tpu.memory_space<semaphore_mem>> -> memref<1x!tpu.dma_semaphore, #tpu.memory_space<semaphore_mem>>
    %dma_wait3A_1127 = tpu.memref_squeeze %dma_wait3A_1126 : memref<1x!tpu.dma_semaphore, #tpu.memory_space<semaphore_mem>> -> memref<!tpu.dma_semaphore, #tpu.memory_space<semaphore_mem>>
    %dma_wait3A_1128 = arith.constant 0 : i32
    %dma_wait3A_1129 = tpu.memref_slice %arg4[%min3A_97, %dma_wait3A_1128] : memref<100000x128xf32, #tpu.memory_space<hbm>> -> memref<128x128xf32, #tpu.memory_space<hbm>>
    %dma_wait3A_1130 = arith.constant 0 : i32
    %dma_wait3A_1131 = arith.constant 0 : i32
    %dma_wait3A_1132 = tpu.memref_slice %arg7[%dma_wait3A_1130, %dma_wait3A_1131] : memref<512x128xf32, #tpu.memory_space<vmem>> -> memref<128x128xf32, #tpu.memory_space<vmem>>
    tpu.wait_dma2 semaphore(%dma_wait3A_1127 : memref<!tpu.dma_semaphore, #tpu.memory_space<semaphore_mem>>) src(%dma_wait3A_1132 : memref<128x128xf32, #tpu.memory_space<vmem>>) dst(%dma_wait3A_1129 : memref<128x128xf32, #tpu.memory_space<hbm>>)
    %sub3A_1133 = arith.subi %min3A_113, %min3A_10 : i32
    %dma_start3A_1134 = arith.constant 0 : i32
    %dma_start3A_1135 = arith.constant 0 : i32
    %dma_start3A_1136 = arith.constant 0 : i32
    %dma_start3A_1137 = tpu.memref_slice %arg7[%dma_start3A_1135, %dma_start3A_1136] : memref<512x128xf32, #tpu.memory_space<vmem>> -> memref<128x128xf32, #tpu.memory_space<vmem>>
    %dma_start3A_1138 = tpu.memref_slice %arg5[%sub3A_1133] : memref<3200xi32, #tpu.memory_space<vmem>> -> memref<128xi32, #tpu.memory_space<vmem>>
    %dma_start3A_1139 = arith.constant 0 : i32
    %dma_start3A_1140 = arith.constant 0 : i32
    %dma_start3A_1141 = tpu.memref_slice %arg6[%dma_start3A_1139, %dma_start3A_1140] : memref<512x128xf32, #tpu.memory_space<vmem_shared>> -> memref<512x128xf32, #tpu.memory_space<vmem_shared>>
    %dma_start3A_1142 = tpu.memref_slice %arg8[%dma_start3A_1134] : memref<4x!tpu.dma_semaphore, #tpu.memory_space<semaphore_mem>> -> memref<1x!tpu.dma_semaphore, #tpu.memory_space<semaphore_mem>>
    %dma_start3A_1143 = tpu.memref_squeeze %dma_start3A_1142 : memref<1x!tpu.dma_semaphore, #tpu.memory_space<semaphore_mem>> -> memref<!tpu.dma_semaphore, #tpu.memory_space<semaphore_mem>>
    tpu.enqueue_indirect_dma source(%dma_start3A_1141 : memref<512x128xf32, #tpu.memory_space<vmem_shared>>) target(%dma_start3A_1137 : memref<128x128xf32, #tpu.memory_space<vmem>>) offsets(%dma_start3A_1138 : memref<128xi32, #tpu.memory_space<vmem>>) semaphore(%dma_start3A_1143 : memref<!tpu.dma_semaphore, #tpu.memory_space<semaphore_mem>>)
    %dma_wait3A_1144 = arith.constant 1 : i32
    %dma_wait3A_1145 = arith.constant 128 : i32
    %dma_wait3A_1146 = arith.constant 0 : i32
    %dma_wait3A_1147 = tpu.memref_slice %arg7[%dma_wait3A_1145, %dma_wait3A_1146] : memref<512x128xf32, #tpu.memory_space<vmem>> -> memref<128x128xf32, #tpu.memory_space<vmem>>
    %dma_wait3A_1148 = tpu.memref_slice %arg5[%sub3A_992] : memref<3200xi32, #tpu.memory_space<vmem>> -> memref<128xi32, #tpu.memory_space<vmem>>
    %dma_wait3A_1149 = arith.constant 0 : i32
    %dma_wait3A_1150 = arith.constant 0 : i32
    %dma_wait3A_1151 = tpu.memref_slice %arg6[%dma_wait3A_1149, %dma_wait3A_1150] : memref<512x128xf32, #tpu.memory_space<vmem_shared>> -> memref<512x128xf32, #tpu.memory_space<vmem_shared>>
    %dma_wait3A_1152 = tpu.memref_slice %arg8[%dma_wait3A_1144] : memref<4x!tpu.dma_semaphore, #tpu.memory_space<semaphore_mem>> -> memref<1x!tpu.dma_semaphore, #tpu.memory_space<semaphore_mem>>
    %dma_wait3A_1153 = tpu.memref_squeeze %dma_wait3A_1152 : memref<1x!tpu.dma_semaphore, #tpu.memory_space<semaphore_mem>> -> memref<!tpu.dma_semaphore, #tpu.memory_space<semaphore_mem>>
    tpu.wait_indirect_dma semaphore(%dma_wait3A_1153 : memref<!tpu.dma_semaphore, #tpu.memory_space<semaphore_mem>>) src(%dma_wait3A_1151 : memref<512x128xf32, #tpu.memory_space<vmem_shared>>) dst(%dma_wait3A_1147 : memref<128x128xf32, #tpu.memory_space<vmem>>)
    %dma_start3A_1154 = arith.constant 1 : i32
    %dma_start3A_1155 = arith.constant 128 : i32
    %dma_start3A_1156 = arith.constant 0 : i32
    %dma_start3A_1157 = tpu.memref_slice %arg7[%dma_start3A_1155, %dma_start3A_1156] : memref<512x128xf32, #tpu.memory_space<vmem>> -> memref<128x128xf32, #tpu.memory_space<vmem>>
    %dma_start3A_1158 = arith.constant 0 : i32
    %dma_start3A_1159 = tpu.memref_slice %arg4[%min3A_101, %dma_start3A_1158] : memref<100000x128xf32, #tpu.memory_space<hbm>> -> memref<128x128xf32, #tpu.memory_space<hbm>>
    %dma_start3A_1160 = tpu.memref_slice %arg9[%dma_start3A_1154] : memref<4x!tpu.dma_semaphore, #tpu.memory_space<semaphore_mem>> -> memref<1x!tpu.dma_semaphore, #tpu.memory_space<semaphore_mem>>
    %dma_start3A_1161 = tpu.memref_squeeze %dma_start3A_1160 : memref<1x!tpu.dma_semaphore, #tpu.memory_space<semaphore_mem>> -> memref<!tpu.dma_semaphore, #tpu.memory_space<semaphore_mem>>
    %dma_start3A_1162 = arith.constant 0 : i32
    %dma_start3A_1163 = tpu.memref_slice %arg4[%min3A_101, %dma_start3A_1162] : memref<100000x128xf32, #tpu.memory_space<hbm>> -> memref<128x128xf32, #tpu.memory_space<hbm>>
    %dma_start3A_1164 = arith.constant 128 : i32
    %dma_start3A_1165 = arith.constant 0 : i32
    %dma_start3A_1166 = tpu.memref_slice %arg7[%dma_start3A_1164, %dma_start3A_1165] : memref<512x128xf32, #tpu.memory_space<vmem>> -> memref<128x128xf32, #tpu.memory_space<vmem>>
    tpu.enqueue_dma source(%dma_start3A_1166 : memref<128x128xf32, #tpu.memory_space<vmem>>) target(%dma_start3A_1163 : memref<128x128xf32, #tpu.memory_space<hbm>>) target_semaphore(%dma_start3A_1161 : memref<!tpu.dma_semaphore, #tpu.memory_space<semaphore_mem>>)
    %dma_wait3A_1167 = arith.constant 2 : i32
    %dma_wait3A_1168 = arith.constant 256 : i32
    %dma_wait3A_1169 = arith.constant 0 : i32
    %dma_wait3A_1170 = tpu.memref_slice %arg7[%dma_wait3A_1168, %dma_wait3A_1169] : memref<512x128xf32, #tpu.memory_space<vmem>> -> memref<128x128xf32, #tpu.memory_space<vmem>>
    %dma_wait3A_1171 = tpu.memref_slice %arg5[%sub3A_1039] : memref<3200xi32, #tpu.memory_space<vmem>> -> memref<128xi32, #tpu.memory_space<vmem>>
    %dma_wait3A_1172 = arith.constant 0 : i32
    %dma_wait3A_1173 = arith.constant 0 : i32
    %dma_wait3A_1174 = tpu.memref_slice %arg6[%dma_wait3A_1172, %dma_wait3A_1173] : memref<512x128xf32, #tpu.memory_space<vmem_shared>> -> memref<512x128xf32, #tpu.memory_space<vmem_shared>>
    %dma_wait3A_1175 = tpu.memref_slice %arg8[%dma_wait3A_1167] : memref<4x!tpu.dma_semaphore, #tpu.memory_space<semaphore_mem>> -> memref<1x!tpu.dma_semaphore, #tpu.memory_space<semaphore_mem>>
    %dma_wait3A_1176 = tpu.memref_squeeze %dma_wait3A_1175 : memref<1x!tpu.dma_semaphore, #tpu.memory_space<semaphore_mem>> -> memref<!tpu.dma_semaphore, #tpu.memory_space<semaphore_mem>>
    tpu.wait_indirect_dma semaphore(%dma_wait3A_1176 : memref<!tpu.dma_semaphore, #tpu.memory_space<semaphore_mem>>) src(%dma_wait3A_1174 : memref<512x128xf32, #tpu.memory_space<vmem_shared>>) dst(%dma_wait3A_1170 : memref<128x128xf32, #tpu.memory_space<vmem>>)
    %dma_start3A_1177 = arith.constant 2 : i32
    %dma_start3A_1178 = arith.constant 256 : i32
    %dma_start3A_1179 = arith.constant 0 : i32
    %dma_start3A_1180 = tpu.memref_slice %arg7[%dma_start3A_1178, %dma_start3A_1179] : memref<512x128xf32, #tpu.memory_space<vmem>> -> memref<128x128xf32, #tpu.memory_space<vmem>>
    %dma_start3A_1181 = arith.constant 0 : i32
    %dma_start3A_1182 = tpu.memref_slice %arg4[%min3A_105, %dma_start3A_1181] : memref<100000x128xf32, #tpu.memory_space<hbm>> -> memref<128x128xf32, #tpu.memory_space<hbm>>
    %dma_start3A_1183 = tpu.memref_slice %arg9[%dma_start3A_1177] : memref<4x!tpu.dma_semaphore, #tpu.memory_space<semaphore_mem>> -> memref<1x!tpu.dma_semaphore, #tpu.memory_space<semaphore_mem>>
    %dma_start3A_1184 = tpu.memref_squeeze %dma_start3A_1183 : memref<1x!tpu.dma_semaphore, #tpu.memory_space<semaphore_mem>> -> memref<!tpu.dma_semaphore, #tpu.memory_space<semaphore_mem>>
    %dma_start3A_1185 = arith.constant 0 : i32
    %dma_start3A_1186 = tpu.memref_slice %arg4[%min3A_105, %dma_start3A_1185] : memref<100000x128xf32, #tpu.memory_space<hbm>> -> memref<128x128xf32, #tpu.memory_space<hbm>>
    %dma_start3A_1187 = arith.constant 256 : i32
    %dma_start3A_1188 = arith.constant 0 : i32
    %dma_start3A_1189 = tpu.memref_slice %arg7[%dma_start3A_1187, %dma_start3A_1188] : memref<512x128xf32, #tpu.memory_space<vmem>> -> memref<128x128xf32, #tpu.memory_space<vmem>>
    tpu.enqueue_dma source(%dma_start3A_1189 : memref<128x128xf32, #tpu.memory_space<vmem>>) target(%dma_start3A_1186 : memref<128x128xf32, #tpu.memory_space<hbm>>) target_semaphore(%dma_start3A_1184 : memref<!tpu.dma_semaphore, #tpu.memory_space<semaphore_mem>>)
    %dma_wait3A_1190 = arith.constant 3 : i32
    %dma_wait3A_1191 = arith.constant 384 : i32
    %dma_wait3A_1192 = arith.constant 0 : i32
    %dma_wait3A_1193 = tpu.memref_slice %arg7[%dma_wait3A_1191, %dma_wait3A_1192] : memref<512x128xf32, #tpu.memory_space<vmem>> -> memref<128x128xf32, #tpu.memory_space<vmem>>
    %dma_wait3A_1194 = tpu.memref_slice %arg5[%sub3A_1086] : memref<3200xi32, #tpu.memory_space<vmem>> -> memref<128xi32, #tpu.memory_space<vmem>>
    %dma_wait3A_1195 = arith.constant 0 : i32
    %dma_wait3A_1196 = arith.constant 0 : i32
    %dma_wait3A_1197 = tpu.memref_slice %arg6[%dma_wait3A_1195, %dma_wait3A_1196] : memref<512x128xf32, #tpu.memory_space<vmem_shared>> -> memref<512x128xf32, #tpu.memory_space<vmem_shared>>
    %dma_wait3A_1198 = tpu.memref_slice %arg8[%dma_wait3A_1190] : memref<4x!tpu.dma_semaphore, #tpu.memory_space<semaphore_mem>> -> memref<1x!tpu.dma_semaphore, #tpu.memory_space<semaphore_mem>>
    %dma_wait3A_1199 = tpu.memref_squeeze %dma_wait3A_1198 : memref<1x!tpu.dma_semaphore, #tpu.memory_space<semaphore_mem>> -> memref<!tpu.dma_semaphore, #tpu.memory_space<semaphore_mem>>
    tpu.wait_indirect_dma semaphore(%dma_wait3A_1199 : memref<!tpu.dma_semaphore, #tpu.memory_space<semaphore_mem>>) src(%dma_wait3A_1197 : memref<512x128xf32, #tpu.memory_space<vmem_shared>>) dst(%dma_wait3A_1193 : memref<128x128xf32, #tpu.memory_space<vmem>>)
    %dma_start3A_1200 = arith.constant 3 : i32
    %dma_start3A_1201 = arith.constant 384 : i32
    %dma_start3A_1202 = arith.constant 0 : i32
    %dma_start3A_1203 = tpu.memref_slice %arg7[%dma_start3A_1201, %dma_start3A_1202] : memref<512x128xf32, #tpu.memory_space<vmem>> -> memref<128x128xf32, #tpu.memory_space<vmem>>
    %dma_start3A_1204 = arith.constant 0 : i32
    %dma_start3A_1205 = tpu.memref_slice %arg4[%min3A_109, %dma_start3A_1204] : memref<100000x128xf32, #tpu.memory_space<hbm>> -> memref<128x128xf32, #tpu.memory_space<hbm>>
    %dma_start3A_1206 = tpu.memref_slice %arg9[%dma_start3A_1200] : memref<4x!tpu.dma_semaphore, #tpu.memory_space<semaphore_mem>> -> memref<1x!tpu.dma_semaphore, #tpu.memory_space<semaphore_mem>>
    %dma_start3A_1207 = tpu.memref_squeeze %dma_start3A_1206 : memref<1x!tpu.dma_semaphore, #tpu.memory_space<semaphore_mem>> -> memref<!tpu.dma_semaphore, #tpu.memory_space<semaphore_mem>>
    %dma_start3A_1208 = arith.constant 0 : i32
    %dma_start3A_1209 = tpu.memref_slice %arg4[%min3A_109, %dma_start3A_1208] : memref<100000x128xf32, #tpu.memory_space<hbm>> -> memref<128x128xf32, #tpu.memory_space<hbm>>
    %dma_start3A_1210 = arith.constant 384 : i32
    %dma_start3A_1211 = arith.constant 0 : i32
    %dma_start3A_1212 = tpu.memref_slice %arg7[%dma_start3A_1210, %dma_start3A_1211] : memref<512x128xf32, #tpu.memory_space<vmem>> -> memref<128x128xf32, #tpu.memory_space<vmem>>
    tpu.enqueue_dma source(%dma_start3A_1212 : memref<128x128xf32, #tpu.memory_space<vmem>>) target(%dma_start3A_1209 : memref<128x128xf32, #tpu.memory_space<hbm>>) target_semaphore(%dma_start3A_1207 : memref<!tpu.dma_semaphore, #tpu.memory_space<semaphore_mem>>)
    %dma_wait3A_1213 = arith.constant 0 : i32
    %dma_wait3A_1214 = arith.constant 0 : i32
    %dma_wait3A_1215 = arith.constant 0 : i32
    %dma_wait3A_1216 = tpu.memref_slice %arg7[%dma_wait3A_1214, %dma_wait3A_1215] : memref<512x128xf32, #tpu.memory_space<vmem>> -> memref<128x128xf32, #tpu.memory_space<vmem>>
    %dma_wait3A_1217 = tpu.memref_slice %arg5[%sub3A_1133] : memref<3200xi32, #tpu.memory_space<vmem>> -> memref<128xi32, #tpu.memory_space<vmem>>
    %dma_wait3A_1218 = arith.constant 0 : i32
    %dma_wait3A_1219 = arith.constant 0 : i32
    %dma_wait3A_1220 = tpu.memref_slice %arg6[%dma_wait3A_1218, %dma_wait3A_1219] : memref<512x128xf32, #tpu.memory_space<vmem_shared>> -> memref<512x128xf32, #tpu.memory_space<vmem_shared>>
    %dma_wait3A_1221 = tpu.memref_slice %arg8[%dma_wait3A_1213] : memref<4x!tpu.dma_semaphore, #tpu.memory_space<semaphore_mem>> -> memref<1x!tpu.dma_semaphore, #tpu.memory_space<semaphore_mem>>
    %dma_wait3A_1222 = tpu.memref_squeeze %dma_wait3A_1221 : memref<1x!tpu.dma_semaphore, #tpu.memory_space<semaphore_mem>> -> memref<!tpu.dma_semaphore, #tpu.memory_space<semaphore_mem>>
    tpu.wait_indirect_dma semaphore(%dma_wait3A_1222 : memref<!tpu.dma_semaphore, #tpu.memory_space<semaphore_mem>>) src(%dma_wait3A_1220 : memref<512x128xf32, #tpu.memory_space<vmem_shared>>) dst(%dma_wait3A_1216 : memref<128x128xf32, #tpu.memory_space<vmem>>)
    %dma_start3A_1223 = arith.constant 0 : i32
    %dma_start3A_1224 = arith.constant 0 : i32
    %dma_start3A_1225 = arith.constant 0 : i32
    %dma_start3A_1226 = tpu.memref_slice %arg7[%dma_start3A_1224, %dma_start3A_1225] : memref<512x128xf32, #tpu.memory_space<vmem>> -> memref<128x128xf32, #tpu.memory_space<vmem>>
    %dma_start3A_1227 = arith.constant 0 : i32
    %dma_start3A_1228 = tpu.memref_slice %arg4[%min3A_113, %dma_start3A_1227] : memref<100000x128xf32, #tpu.memory_space<hbm>> -> memref<128x128xf32, #tpu.memory_space<hbm>>
    %dma_start3A_1229 = tpu.memref_slice %arg9[%dma_start3A_1223] : memref<4x!tpu.dma_semaphore, #tpu.memory_space<semaphore_mem>> -> memref<1x!tpu.dma_semaphore, #tpu.memory_space<semaphore_mem>>
    %dma_start3A_1230 = tpu.memref_squeeze %dma_start3A_1229 : memref<1x!tpu.dma_semaphore, #tpu.memory_space<semaphore_mem>> -> memref<!tpu.dma_semaphore, #tpu.memory_space<semaphore_mem>>
    %dma_start3A_1231 = arith.constant 0 : i32
    %dma_start3A_1232 = tpu.memref_slice %arg4[%min3A_113, %dma_start3A_1231] : memref<100000x128xf32, #tpu.memory_space<hbm>> -> memref<128x128xf32, #tpu.memory_space<hbm>>
    %dma_start3A_1233 = arith.constant 0 : i32
    %dma_start3A_1234 = arith.constant 0 : i32
    %dma_start3A_1235 = tpu.memref_slice %arg7[%dma_start3A_1233, %dma_start3A_1234] : memref<512x128xf32, #tpu.memory_space<vmem>> -> memref<128x128xf32, #tpu.memory_space<vmem>>
    tpu.enqueue_dma source(%dma_start3A_1235 : memref<128x128xf32, #tpu.memory_space<vmem>>) target(%dma_start3A_1232 : memref<128x128xf32, #tpu.memory_space<hbm>>) target_semaphore(%dma_start3A_1230 : memref<!tpu.dma_semaphore, #tpu.memory_space<semaphore_mem>>)
    %dma_wait3A_1236 = arith.constant 1 : i32
    %dma_wait3A_1237 = arith.constant 128 : i32
    %dma_wait3A_1238 = arith.constant 0 : i32
    %dma_wait3A_1239 = tpu.memref_slice %arg7[%dma_wait3A_1237, %dma_wait3A_1238] : memref<512x128xf32, #tpu.memory_space<vmem>> -> memref<128x128xf32, #tpu.memory_space<vmem>>
    %dma_wait3A_1240 = arith.constant 0 : i32
    %dma_wait3A_1241 = tpu.memref_slice %arg4[%min3A_101, %dma_wait3A_1240] : memref<100000x128xf32, #tpu.memory_space<hbm>> -> memref<128x128xf32, #tpu.memory_space<hbm>>
    %dma_wait3A_1242 = tpu.memref_slice %arg9[%dma_wait3A_1236] : memref<4x!tpu.dma_semaphore, #tpu.memory_space<semaphore_mem>> -> memref<1x!tpu.dma_semaphore, #tpu.memory_space<semaphore_mem>>
    %dma_wait3A_1243 = tpu.memref_squeeze %dma_wait3A_1242 : memref<1x!tpu.dma_semaphore, #tpu.memory_space<semaphore_mem>> -> memref<!tpu.dma_semaphore, #tpu.memory_space<semaphore_mem>>
    %dma_wait3A_1244 = arith.constant 0 : i32
    %dma_wait3A_1245 = tpu.memref_slice %arg4[%min3A_101, %dma_wait3A_1244] : memref<100000x128xf32, #tpu.memory_space<hbm>> -> memref<128x128xf32, #tpu.memory_space<hbm>>
    %dma_wait3A_1246 = arith.constant 128 : i32
    %dma_wait3A_1247 = arith.constant 0 : i32
    %dma_wait3A_1248 = tpu.memref_slice %arg7[%dma_wait3A_1246, %dma_wait3A_1247] : memref<512x128xf32, #tpu.memory_space<vmem>> -> memref<128x128xf32, #tpu.memory_space<vmem>>
    tpu.wait_dma2 semaphore(%dma_wait3A_1243 : memref<!tpu.dma_semaphore, #tpu.memory_space<semaphore_mem>>) src(%dma_wait3A_1248 : memref<128x128xf32, #tpu.memory_space<vmem>>) dst(%dma_wait3A_1245 : memref<128x128xf32, #tpu.memory_space<hbm>>)
    %dma_wait3A_1249 = arith.constant 2 : i32
    %dma_wait3A_1250 = arith.constant 256 : i32
    %dma_wait3A_1251 = arith.constant 0 : i32
    %dma_wait3A_1252 = tpu.memref_slice %arg7[%dma_wait3A_1250, %dma_wait3A_1251] : memref<512x128xf32, #tpu.memory_space<vmem>> -> memref<128x128xf32, #tpu.memory_space<vmem>>
    %dma_wait3A_1253 = arith.constant 0 : i32
    %dma_wait3A_1254 = tpu.memref_slice %arg4[%min3A_105, %dma_wait3A_1253] : memref<100000x128xf32, #tpu.memory_space<hbm>> -> memref<128x128xf32, #tpu.memory_space<hbm>>
    %dma_wait3A_1255 = tpu.memref_slice %arg9[%dma_wait3A_1249] : memref<4x!tpu.dma_semaphore, #tpu.memory_space<semaphore_mem>> -> memref<1x!tpu.dma_semaphore, #tpu.memory_space<semaphore_mem>>
    %dma_wait3A_1256 = tpu.memref_squeeze %dma_wait3A_1255 : memref<1x!tpu.dma_semaphore, #tpu.memory_space<semaphore_mem>> -> memref<!tpu.dma_semaphore, #tpu.memory_space<semaphore_mem>>
    %dma_wait3A_1257 = arith.constant 0 : i32
    %dma_wait3A_1258 = tpu.memref_slice %arg4[%min3A_105, %dma_wait3A_1257] : memref<100000x128xf32, #tpu.memory_space<hbm>> -> memref<128x128xf32, #tpu.memory_space<hbm>>
    %dma_wait3A_1259 = arith.constant 256 : i32
    %dma_wait3A_1260 = arith.constant 0 : i32
    %dma_wait3A_1261 = tpu.memref_slice %arg7[%dma_wait3A_1259, %dma_wait3A_1260] : memref<512x128xf32, #tpu.memory_space<vmem>> -> memref<128x128xf32, #tpu.memory_space<vmem>>
    tpu.wait_dma2 semaphore(%dma_wait3A_1256 : memref<!tpu.dma_semaphore, #tpu.memory_space<semaphore_mem>>) src(%dma_wait3A_1261 : memref<128x128xf32, #tpu.memory_space<vmem>>) dst(%dma_wait3A_1258 : memref<128x128xf32, #tpu.memory_space<hbm>>)
    %dma_wait3A_1262 = arith.constant 3 : i32
    %dma_wait3A_1263 = arith.constant 384 : i32
    %dma_wait3A_1264 = arith.constant 0 : i32
    %dma_wait3A_1265 = tpu.memref_slice %arg7[%dma_wait3A_1263, %dma_wait3A_1264] : memref<512x128xf32, #tpu.memory_space<vmem>> -> memref<128x128xf32, #tpu.memory_space<vmem>>
    %dma_wait3A_1266 = arith.constant 0 : i32
    %dma_wait3A_1267 = tpu.memref_slice %arg4[%min3A_109, %dma_wait3A_1266] : memref<100000x128xf32, #tpu.memory_space<hbm>> -> memref<128x128xf32, #tpu.memory_space<hbm>>
    %dma_wait3A_1268 = tpu.memref_slice %arg9[%dma_wait3A_1262] : memref<4x!tpu.dma_semaphore, #tpu.memory_space<semaphore_mem>> -> memref<1x!tpu.dma_semaphore, #tpu.memory_space<semaphore_mem>>
    %dma_wait3A_1269 = tpu.memref_squeeze %dma_wait3A_1268 : memref<1x!tpu.dma_semaphore, #tpu.memory_space<semaphore_mem>> -> memref<!tpu.dma_semaphore, #tpu.memory_space<semaphore_mem>>
    %dma_wait3A_1270 = arith.constant 0 : i32
    %dma_wait3A_1271 = tpu.memref_slice %arg4[%min3A_109, %dma_wait3A_1270] : memref<100000x128xf32, #tpu.memory_space<hbm>> -> memref<128x128xf32, #tpu.memory_space<hbm>>
    %dma_wait3A_1272 = arith.constant 384 : i32
    %dma_wait3A_1273 = arith.constant 0 : i32
    %dma_wait3A_1274 = tpu.memref_slice %arg7[%dma_wait3A_1272, %dma_wait3A_1273] : memref<512x128xf32, #tpu.memory_space<vmem>> -> memref<128x128xf32, #tpu.memory_space<vmem>>
    tpu.wait_dma2 semaphore(%dma_wait3A_1269 : memref<!tpu.dma_semaphore, #tpu.memory_space<semaphore_mem>>) src(%dma_wait3A_1274 : memref<128x128xf32, #tpu.memory_space<vmem>>) dst(%dma_wait3A_1271 : memref<128x128xf32, #tpu.memory_space<hbm>>)
    %dma_wait3A_1275 = arith.constant 0 : i32
    %dma_wait3A_1276 = arith.constant 0 : i32
    %dma_wait3A_1277 = arith.constant 0 : i32
    %dma_wait3A_1278 = tpu.memref_slice %arg7[%dma_wait3A_1276, %dma_wait3A_1277] : memref<512x128xf32, #tpu.memory_space<vmem>> -> memref<128x128xf32, #tpu.memory_space<vmem>>
    %dma_wait3A_1279 = arith.constant 0 : i32
    %dma_wait3A_1280 = tpu.memref_slice %arg4[%min3A_113, %dma_wait3A_1279] : memref<100000x128xf32, #tpu.memory_space<hbm>> -> memref<128x128xf32, #tpu.memory_space<hbm>>
    %dma_wait3A_1281 = tpu.memref_slice %arg9[%dma_wait3A_1275] : memref<4x!tpu.dma_semaphore, #tpu.memory_space<semaphore_mem>> -> memref<1x!tpu.dma_semaphore, #tpu.memory_space<semaphore_mem>>
    %dma_wait3A_1282 = tpu.memref_squeeze %dma_wait3A_1281 : memref<1x!tpu.dma_semaphore, #tpu.memory_space<semaphore_mem>> -> memref<!tpu.dma_semaphore, #tpu.memory_space<semaphore_mem>>
    %dma_wait3A_1283 = arith.constant 0 : i32
    %dma_wait3A_1284 = tpu.memref_slice %arg4[%min3A_113, %dma_wait3A_1283] : memref<100000x128xf32, #tpu.memory_space<hbm>> -> memref<128x128xf32, #tpu.memory_space<hbm>>
    %dma_wait3A_1285 = arith.constant 0 : i32
    %dma_wait3A_1286 = arith.constant 0 : i32
    %dma_wait3A_1287 = tpu.memref_slice %arg7[%dma_wait3A_1285, %dma_wait3A_1286] : memref<512x128xf32, #tpu.memory_space<vmem>> -> memref<128x128xf32, #tpu.memory_space<vmem>>
    tpu.wait_dma2 semaphore(%dma_wait3A_1282 : memref<!tpu.dma_semaphore, #tpu.memory_space<semaphore_mem>>) src(%dma_wait3A_1287 : memref<128x128xf32, #tpu.memory_space<vmem>>) dst(%dma_wait3A_1284 : memref<128x128xf32, #tpu.memory_space<hbm>>)
    return
  }
}

</mosaic_0001>

<sc_bundles>
// kernel: kernel.3.cloned.1.call-start
scs
__scs_entry_jumppad:
0x0: {  	(pc) =	sbr.rel $0x88, $3  }
0x1: {  	(tag) =	ssettag $0x0;
	lr =	simm.s32 $0x1  }
0x2: {  	[smem:$0x3F9F] =	sst lr;
	_ =	strace $0xD0000000  }
0x3: {  	_ = 	snop  }
0x4: {  	_ = 	snop  }
0x5: {  	_ = 	snop  }
0x6: {  	_ = 	snop  }
0x7: {  	_ = 	snop  }
__scs_overlays_trampoline_lowered:
0x8: {  	[smem:$0x3FAE] =	sst s0  }
0x9: {  	[smem:$0x3FAF] =	sst s1  }
0xa: {  	[smem:$0x3FB0] =	sst s2  }
0xb: {  	[smem:$0x3FB1] =	sst s3  }
0xc: {  	[smem:$0x3FB2] =	sst s4  }
0xd: {  	[smem:$0x3FB3] =	sst s5  }
0xe: {  	[smem:$0x3FB4] =	sst s6  }
0xf: {  	[smem:$0x3FB5] =	sst s7  }
0x10: {  	[smem:$0x3FB6] =	sst s8  }
0x11: {  	[smem:$0x3FB7] =	sst s9;
	s0 =	simm.s32 @!p0 $0x0  }
0x12: {  	s1 =	sld [smem:$0x3F9D];
	s0 =	simm.s32 @p0 $0x1  }
0x13: {  	[smem:$0x3FB8] =	sst s0;
	s0 =	simm.s32 @!p1 $0x0  }
0x14: {  	s2 =	sld [smem:$0x3F9C];
	s0 =	simm.s32 @p1 $0x1  }
0x15: {  	[smem:$0x3FB9] =	sst s0;
	s0 =	simm.s32 @!p2 $0x0  }
0x16: {  	s3 =	sld [smem:$0x3FDB];
	s0 =	simm.s32 @p2 $0x1  }
0x17: {  	s4 =	simm.s32 $0x1BF5;
	[smem:$0x3FBB] =	sst s0  }
0x18: {  	s0 =	sld [smem:$0x3F9E];
	_ =	swait.ge [sflag:s4], $0x0  }
0x19: {  	s7 =	sld [smem:$0x3F9F]  }
0x1a: {  	s8 =	sadd.s32 $0xFFFFE003, lr  }
0x1b: {  	s9 =	sadd.s32 $0xFFFFFEF7, lr;
	s5 =	simm.s32 $0xFFFFFFFF;
	p2 =	slt.u32 s8, $0xFFFFF086  }
0x1c: {  	p1 =	slt.u32 s9, $0xF7A;
	s5 =	simm.s32 @!p2 $0x0  }
0x1d: {  	s5 =	simm.s32 @p1 $0x1;
	p0 =	seq.s32 s7, s2  }
0x1e: {  	s7 =	smul.u32 @!p0 $0xF7A, s2;
	p2 =	seq.s32 @!p0 s5, $0x0  }
0x1f: {  	s9 =	smul.u32 $0xF7A, s1;
	s8 =	simm.s32 @!p0 $0x1BF5;
	p2 =	por !p2, p0  }
0x20: {  	[sflag:s8] =	ssyncset.s32 @!p0 $0xFFFFF086;
	s6 =	sadd.s32 @!p0 s3, s7;
	s7 =	simm.s32 @!p0 $0x108  }
0x21: {  	s3 =	sadd.s32 s3, s9;
	s6 =	sadd.s32 @!p0 $0x88, s6;
	s7 =	simm.s32 @p2 $0x1082  }
0x22: {  	[simem:s7], [sflag:s8] =	dma.local @!p0 [hbm:s6], $0xF7A  }
0x23: {  	s9 =	sor.u32 $0xD0000000, s2;
	s6 =	simm.s32 $0x108;
	_ =	swait.ge @!p0 [sflag:s8], $0x0  }
0x24: {  	s3 =	sadd.s32 $0x88, s3;
	s6 =	simm.s32 @!p1 $0x1082;
	[sflag:s4] =	ssyncset.s32 $0xFFFFF086  }
0x25: {  	[simem:s6], [sflag:s4] =	dma.local [hbm:s3], $0xF7A  }
0x26: {  	[smem:$0x3F9F] =	sst s1;
	(tag) =	ssettag s2;
	_ =	strace s9  }
0x27: {  	s1 =	sld [smem:$0x3FAF]  }
0x28: {  	s2 =	sld [smem:$0x3FB0]  }
0x29: {  	s4 =	sld [smem:$0x3FB2]  }
0x2a: {  	p0 =	seq.s32 s5, $0x0;
	s5 =	sld [smem:$0x3FB3]  }
0x2b: {  	s6 =	sld [smem:$0x3FB4]  }
0x2c: {  	s7 =	sld [smem:$0x3FB5]  }
0x2d: {  	s3 =	simm.s32 $0x108;
	s8 =	sld [smem:$0x3FB6]  }
0x2e: {  	s3 =	simm.s32 @!p0 $0x1082;
	s9 =	sld [smem:$0x3FB7]  }
0x2f: {  	lr =	sadd.s32 s0, s3;
	s0 =	sld [smem:$0x3FAE]  }
0x30: {  	s3 =	sld [smem:$0x3FB1]  }
0x31: {  	[smem:$0x3FBA] =	sst s10  }
0x32: {  	s10 =	sld [smem:$0x3FB8];
	_ =	sdelay $0x3  }
0x33: {  	p0 =	seq.s32 s10, $0x1;
	s10 =	sld [smem:$0x3FBA];
	_ =	sdelay $0x3  }
0x34: {  	[smem:$0x3FBA] =	sst s10  }
0x35: {  	s10 =	sld [smem:$0x3FB9];
	_ =	sdelay $0x3  }
0x36: {  	p1 =	seq.s32 s10, $0x1;
	s10 =	sld [smem:$0x3FBA];
	_ =	sdelay $0x3  }
0x37: {  	[smem:$0x3FBA] =	sst s10  }
0x38: {  	s10 =	sld [smem:$0x3FBB]  }
0x39: {  	_ = 	snop;
	(pc) =	sbr.ind lr, $3  }
0x3a: {  	_ = 	snop  }
0x3b: {  	_ = 	snop  }
0x3c: {  	p2 =	seq.s32 s10, $0x1;
	s10 =	sld [smem:$0x3FBA]  }
0x3d: {  	_ =	shalt  }
0x3e: {  	_ =	shalt  }
0x3f: {  	_ =	shalt  }
0x40: {  	_ =	shalt  }
0x41: {  	_ =	shalt  }
0x42: {  	_ =	shalt  }
0x43: {  	_ =	shalt  }
0x44: {  	_ =	shalt  }
0x45: {  	_ =	shalt  }
0x46: {  	_ =	shalt  }
0x47: {  	_ =	shalt  }
0x48: {  	_ =	shalt  }
0x49: {  	_ =	shalt  }
0x4a: {  	_ =	shalt  }
0x4b: {  	_ =	shalt  }
0x4c: {  	_ =	shalt  }
0x4d: {  	_ =	shalt  }
0x4e: {  	_ =	shalt  }
0x4f: {  	_ =	shalt  }
0x50: {  	_ =	shalt  }
0x51: {  	_ =	shalt  }
0x52: {  	_ =	shalt  }
0x53: {  	_ =	shalt  }
0x54: {  	_ =	shalt  }
0x55: {  	_ =	shalt  }
0x56: {  	_ =	shalt  }
0x57: {  	_ =	shalt  }
0x58: {  	_ =	shalt  }
0x59: {  	_ =	shalt  }
0x5a: {  	_ =	shalt  }
0x5b: {  	_ =	shalt  }
0x5c: {  	_ =	shalt  }
0x5d: {  	_ =	shalt  }
0x5e: {  	_ =	shalt  }
0x5f: {  	_ =	shalt  }
0x60: {  	_ =	shalt  }
0x61: {  	_ =	shalt  }
0x62: {  	_ =	shalt  }
0x63: {  	_ =	shalt  }
0x64: {  	_ =	shalt  }
0x65: {  	_ =	shalt  }
0x66: {  	_ =	shalt  }
0x67: {  	_ =	shalt  }
0x68: {  	_ =	shalt  }
0x69: {  	_ =	shalt  }
0x6a: {  	_ =	shalt  }
0x6b: {  	_ =	shalt  }
0x6c: {  	_ =	shalt  }
0x6d: {  	_ =	shalt  }
0x6e: {  	_ =	shalt  }
0x6f: {  	_ =	shalt  }
0x70: {  	_ =	shalt  }
0x71: {  	_ =	shalt  }
0x72: {  	_ =	shalt  }
0x73: {  	_ =	shalt  }
0x74: {  	_ =	shalt  }
0x75: {  	_ =	shalt  }
0x76: {  	_ =	shalt  }
0x77: {  	_ =	shalt  }
0x78: {  	_ =	shalt  }
0x79: {  	_ =	shalt  }
0x7a: {  	_ =	shalt  }
0x7b: {  	_ =	shalt  }
0x7c: {  	_ =	shalt  }
0x7d: {  	_ =	shalt  }
0x7e: {  	_ =	shalt  }
0x7f: {  	_ =	shalt  }
0x80: {  	_ =	shalt  }
0x81: {  	_ =	shalt  }
0x82: {  	_ =	shalt  }
0x83: {  	_ =	shalt  }
0x84: {  	_ =	shalt  }
0x85: {  	_ =	shalt  }
0x86: {  	_ =	shalt  }
0x87: {  	_ =	shalt  }
.Lfunc_end0:
.L_simem_size_0:
called_computation_lowered:
.L_overlay_start_0:
0x88: {  	s2 =	sld [smem:$0x3FD9]  }
0x89: {  	s3 =	sld [smem:$0x3FFE];
	_ =	sdelay $0x1  }
0x8a: {  	s1 =	srdreg.scid  }
0x8b: {  	s0 =	sand.u32 $0x1, s1  }
0x8c: {  	s18 =	sshll.u32 s0, $0xA;
	s2 =	sadd.s32 s3, s2  }
0x8d: {  	s2 =	sadd.s32 s2, s18  }
0x8e: {  	[smem:$0x3FC6] =	sst s2  }
0x8f: {  	_ = 	snop  }
0x90: {  	s2 =	sld [smem:$0x3FC9]  }
0x91: {  	s19 =	sld [smem:$0x3FC8]  }
0x92: {  	s4 =	sld [smem:$0x3FD0];
	(tm) =	ssettm $0x1  }
0x93: {  	s5 =	sld [smem:$0x3FFB];
	_ =	sdelay $0x3  }
0x94: {  	_ =	strace s5  }
0x95: {  	s5 =	sld [smem:$0x3FFC];
	_ =	sdelay $0x3  }
0x96: {  	_ =	strace s5  }
0x97: {  	s5 =	sld [smem:$0x3FFD];
	_ =	sdelay $0x3  }
0x98: {  	_ =	strace s5  }
0x99: {  	_ =	strace $0x8FFFFFFF  }
0x9a: {  	s20 =	sld [smem:$0x3FDB];
	_ =	sdelay $0x1  }
0x9b: {  	s6 =	simm.s32 $_scs_section_size  }
0x9c: {  	s7 =	simm.s32 $_size__tile_overlayer_lowered;
	s8 =	simm.s32 $_tile_overlayer_lowered  }
0x9d: {  	s23 =	simm.s32 $0x1BFF;
	s22 =	sshll.u32 s8, $0x1;
	s5 =	sadd.s32 s6, s20  }
0x9e: {  	s9 =	simm.s32 $0x0;
	s21 =	sshll.u32 s7, $0x1;
	s7 =	sadd.s32 s22, s5  }
0x9f: {  	[timem:s9], [sflag:s23] =	dma.local [hbm:s7], s21  }
0xa0: {  	_ =	swait.ge [sflag:s23], s21  }
0xa1: {  	s6 =	ssub.s32 $0x0, s21;
	[sflag:s23] =	ssyncset.done $0x0  }
0xa2: {  	[sflag:s23] =	ssyncadd.s32 s6;
	_ =	sdelay $0x1  }
0xa3: {  	s24 =	simm.s32 $0x1B8B  }
0xa4: {  	_ =	swait.ge [sflag:s24], $0x1  }
0xa5: {  	[sflag:s24] =	ssyncset.done $0x0  }
0xa6: {  	s25 =	simm.s32 $0x1B8E;
	[sflag:s24] =	ssyncadd.s32 $0xFFFFFFFF  }
0xa7: {  	s26 =	simm.s32 $execute0_lowered;
	[smem:$0x3FD2] =	sst s25  }
0xa8: {  	s6 =	sshll.u32 s26, $0x1;
	_ =	strace $0x80000046;
	[dreg:$0x1] =	wrdreg $0xFFFFFFFF  }
0xa9: {  	s28 =	simm.s32 $_size_execute0_lowered;
	s5 =	sadd.s32 s5, s6;
	[dreg:$0x0] =	wrdreg $0x0  }
0xaa: {  	s6 =	sshll.u32 s28, $0x1;
	[dreg:$0x2] =	wrdreg s5  }
0xab: {  	[dreg:$0x3] =	wrdreg s6  }
0xac: {  	[dreg:$0x4] =	wrdreg $0xC0  }
0xad: {  	_ =	task [dreg:s9], $0x5FFFF  }
0xae: {  	[dreg:$0x1] =	wrdreg $0xFFFFFFFF  }
0xaf: {  	[dreg:$0x0] =	wrdreg $0x60  }
0xb0: {  	[dreg:$0x2] =	wrdreg s19  }
0xb1: {  	[dreg:$0x3] =	wrdreg s2  }
0xb2: {  	[dreg:$0x4] =	wrdreg s4  }
0xb3: {  	[dreg:$0x5] =	wrdreg $0xC800  }
0xb4: {  	[dreg:$0x6] =	wrdreg $0x9  }
0xb5: {  	_ =	task.clear_ibuf [dreg:s9], $0x7FFFF;
	_ =	strace $0x90000046  }
0xb6: {  	s29 =	simm.s32 $0x9;
	_ =	strace $0x80000048  }
0xb7: {  	_ =	swait.ge [sflag:s29], $0x1  }
0xb8: {  	[sflag:s29] =	ssyncadd.s32 $0xFFFFFFFF  }
0xb9: {  	_ =	strace $0x90000048  }
0xba: {  	_ =	sfence  }
0xbb: {  	s30 =	sld [smem:$0x0];
	_ =	sdelay $0x2  }
0xbc: {  	s31 =	sshll.u32 s1, $0xD;
	s1 =	sshrl.u32 s1, $0x2  }
0xbd: {  	s3 =	sand.u32 $0x4000, s31;
	s1 =	sadd.s32 s1, s30  }
0xbe: {  	s0 =	sor.u32 s3, s0;
	s1 =	sshll.u32 s1, $0x11  }
0xbf: {  	s0 =	sor.u32 s1, s0  }
0xc0: {  	s0 =	sadd.s32 $0x8F2B, s0  }
0xc1: {  	[sflag:s0] =	ssyncadd.remote.s32 $0x1  }
0xc2: {  	_ =	sfence.sel $0xFFFF  }
0xc3: {  	[dreg:$0x0] =	wrdreg $0xFFFFFFFF;
	(pc) =	sbr.abs _section_cstart, $3  }
0xc4: {  	[dreg:$0x1] =	wrdreg $0xFFFFFFFF  }
0xc5: {  	_ =	task.clear_ibuf [dreg:s9], $0x2FFFF;
	_ =	strace $0x9FFFFFFF  }
0xc6: {  	(tm) =	ssettm $0x7FFFFFFF  }
0xc7: {  	_ =	shalt  }
tec
execute0_lowered:
.L_overlay_start_1:
0x0: {  	(tag) =	ssettag $0x1  }
0x1: {  	s1 =	rddreg [dreg:$0x0]  }
0x2: {  	s7 =	rddreg [dreg:$0x1]  }
0x3: {  	s0 =	rddreg [dreg:$0x2]  }
0x4: {  	s3 =	rddreg [dreg:$0x3]  }
0x5: {  	s2 =	srdreg.scid;
	s9 =	stileid.u32  }
0x6: {  	s28 =	rddreg [dreg:$0x4];
	s30 =	simm.s32 $0xA;
	s29 =	simm.s32 $0x9  }
0x7: {  	p0 =	por $0x0, $0x0;
	s4 =	sand.u32 $0x1, s2;
	s5 =	sshll.u32 s9, $0x1  }
0x8: {  	s2 =	simm.s32 $0x0;
	s22 =	sshll.u32 s9, $0x9;
	s23 =	sshll.u32 s9, $0x6  }
0x9: {  	s9 =	sshll.u32 s9, $0xC;
	s8 =	ssub.s32 $0x2, s4;
	s10 =	sor.u32 s4, s5  }
0xa: {  	[smem:$0x7FF] =	sst s2;
	s1 =	sadd.s32 s1, s22;
	s24 =	sor.u32 $0x1C09, s23  }
0xb: {  	s9 =	sadd.s32 s9, s3;
	_ =	strace $0x80000047;
	[dreg:$0x5] =	wrdreg s1  }
0xc: {  	s21 =	sshrl.u32 s8, $0x1;
	s6 =	smul.u32 $0xC38, s10;
	[dreg:$0x6] =	wrdreg s24  }
0xd: {  	s10 =	smul.u32 $0xC380, s10;
	s31 =	sshrl.u32 s9, $0x3;
	s9 =	simm.s32 $0x1C80  }
0xe: {  	s4 =	ssub.s32 s8, s21;
	s5 =	smin.u32 s6, $0x17A20;
	s8 =	sadd.s32 $0x100, s6  }
0xf: {  	s15 =	sadd.s32 $0x180, s6;
	s12 =	sadd.s32 $0x200, s6;
	s10 =	sadd.s32 s0, s10  }
0x10: {  	s13 =	sadd.s32 $0x280, s6;
	s11 =	ssub.s32 s6, s5;
	[dreg:$0xc] =	wrdreg s10  }
0x11: {  	s14 =	sadd.s32 $0x300, s6;
	s17 =	ssub.s32 s8, s5;
	[dreg:$0x8] =	wrdreg s11  }
0x12: {  	s25 =	sshrl.u32 s5, $0x3;
	s18 =	ssub.s32 s15, s5;
	[dreg:$0xa] =	wrdreg s17  }
0x13: {  	s19 =	ssub.s32 s12, s5;
	s20 =	ssub.s32 s13, s5;
	[dreg:$0xb] =	wrdreg s18  }
0x14: {  	s10 =	sadd.s32 $0x400, s6;
	s22 =	ssub.s32 s14, s5;
	[dreg:$0xd] =	wrdreg s19  }
0x15: {  	s23 =	sshll.u32 s15, $0x4;
	s26 =	sadd.s32 s7, s25;
	[dreg:$0xf] =	wrdreg s20  }
0x16: {  	s7 =	sadd.s32 $0x80, s6;
	s11 =	sadd.s32 $0x380, s6;
	[dreg:$0x11] =	wrdreg s22  }
0x17: {  	s24 =	sadd.s32 s0, s23;
	s17 =	sshll.u32 s13, $0x4;
	[dreg:$0x7] =	wrdreg s26  }
0x18: {  	s13 =	sadd.s32 $0x580, s6;
	s16 =	ssub.s32 s7, s5;
	[dreg:$0x12] =	wrdreg s24  }
0x19: {  	s20 =	sshll.u32 s14, $0x4;
	s25 =	ssub.s32 s11, s5;
	[dreg:$0x9] =	wrdreg s16  }
0x1a: {  	s1 =	sshll.u32 s7, $0x4;
	s18 =	sadd.s32 s0, s17;
	[dreg:$0x13] =	wrdreg s25  }
0x1b: {  	s7 =	sshll.u32 s8, $0x4;
	s1 =	sadd.s32 s0, s1;
	[dreg:$0x16] =	wrdreg s18  }
0x1c: {  	s26 =	sshll.u32 s12, $0x4;
	s21 =	sadd.s32 s0, s7;
	[dreg:$0xe] =	wrdreg s1  }
0x1d: {  	s14 =	sadd.s32 $0x600, s6;
	s15 =	sadd.s32 s0, s26;
	[dreg:$0x10] =	wrdreg s21  }
0x1e: {  	s8 =	sadd.s32 $0x480, s6;
	s16 =	ssub.s32 s10, s5;
	[dreg:$0x14] =	wrdreg s15  }
0x1f: {  	s12 =	sadd.s32 $0x500, s6;
	s19 =	ssub.s32 s8, s5;
	[dreg:$0x15] =	wrdreg s16  }
0x20: {  	s23 =	sshll.u32 s11, $0x4;
	s22 =	ssub.s32 s12, s5;
	[dreg:$0x17] =	wrdreg s19  }
0x21: {  	s11 =	sadd.s32 $0x680, s6;
	s24 =	sadd.s32 s0, s23;
	[dreg:$0x19] =	wrdreg s22  }
0x22: {  	s25 =	ssub.s32 s13, s5;
	s26 =	sshll.u32 s10, $0x4;
	[dreg:$0x1a] =	wrdreg s24  }
0x23: {  	s10 =	sadd.s32 $0x700, s6;
	s18 =	ssub.s32 s11, s5;
	[dreg:$0x1b] =	wrdreg s25  }
0x24: {  	s21 =	sadd.s32 s0, s20;
	s7 =	sadd.s32 s0, s26;
	[dreg:$0x1f] =	wrdreg s18  }
0x25: {  	s15 =	ssub.s32 s14, s5;
	s16 =	sshll.u32 s8, $0x4;
	s1 =	rddreg [dreg:$0x5]  }
0x26: {  	s8 =	sadd.s32 $0x780, s6;
	s19 =	sshll.u32 s12, $0x4;
	[dreg:$0x18] =	wrdreg s21  }
0x27: {  	s12 =	sadd.s32 $0x800, s6;
	s22 =	sshll.u32 s13, $0x4;
	[dreg:$0x1c] =	wrdreg s7  }
0x28: {  	s13 =	sadd.s32 $0x880, s6;
	[dreg:$0x1d] =	wrdreg s15;
	s17 =	sadd.s32 s0, s16  }
0x29: {  	s25 =	sshll.u32 s14, $0x4;
	s20 =	sadd.s32 s0, s19;
	[dreg:$0x1e] =	wrdreg s17  }
0x2a: {  	s14 =	sadd.s32 $0x900, s6;
	s21 =	ssub.s32 s10, s5;
	[smem:$0x7EF] =	sst s20  }
0x2b: {  	s18 =	sshll.u32 s10, $0x4;
	s23 =	sadd.s32 s0, s22;
	[smem:$0x7F0] =	sst s21  }
0x2c: {  	s24 =	ssub.s32 s8, s5;
	s26 =	sadd.s32 s0, s25;
	[smem:$0x7F1] =	sst s23  }
0x2d: {  	s7 =	ssub.s32 s12, s5;
	s15 =	sshll.u32 s11, $0x4;
	[smem:$0x7F2] =	sst s24  }
0x2e: {  	s11 =	sadd.s32 $0x980, s6;
	s10 =	sadd.s32 $0xA00, s6;
	[smem:$0x7F3] =	sst s26  }
0x2f: {  	s19 =	sadd.s32 s0, s18;
	s25 =	sadd.s32 $0xB00, s6;
	[smem:$0x7F4] =	sst s7  }
0x30: {  	s16 =	sadd.s32 s0, s15;
	s17 =	ssub.s32 s13, s5;
	[smem:$0x7F7] =	sst s19  }
0x31: {  	s20 =	ssub.s32 s14, s5;
	s21 =	sshll.u32 s8, $0x4;
	s8 =	sadd.s32 $0xA80, s6  }
0x32: {  	s23 =	ssub.s32 s11, s5;
	s24 =	sshll.u32 s12, $0x4;
	s7 =	ssub.s32 s10, s5  }
0x33: {  	s15 =	sshll.u32 s13, $0x4;
	s6 =	smin.u32 s6, $0x17AA0;
	[smem:$0x7F5] =	sst s16  }
0x34: {  	s18 =	sshll.u32 s11, $0x4;
	s19 =	ssub.s32 s25, s5;
	[smem:$0x7F6] =	sst s17  }
0x35: {  	s11 =	simm.s32 $0x1;
	s13 =	simm.s32 $0x7;
	[smem:$0x7F8] =	sst s20  }
0x36: {  	s12 =	simm.s32 $0x8;
	s22 =	sadd.s32 s0, s21;
	[smem:$0x7FA] =	sst s23  }
0x37: {  	s26 =	sadd.s32 s0, s24;
	[smem:$0x7FC] =	sst s7;
	s16 =	sadd.s32 s0, s15  }
0x38: {  	s6 =	sadd.s32 $0xB80, s6;
	s17 =	sshll.u32 s14, $0x4;
	s23 =	ssub.s32 s8, s5  }
0x39: {  	s20 =	sshll.u32 s10, $0x4;
	s24 =	sshll.u32 s25, $0x4;
	[smem:$0x7F9] =	sst s22  }
0x3a: {  	s14 =	simm.s32 $0xDC80;
	s15 =	simm.s32 $0x6;
	[smem:$0x7FB] =	sst s26  }
0x3b: {  	[smem:$0x7FD] =	sst s16;
	s21 =	sadd.s32 s0, s17;
	s17 =	sadd.s32 s0, s18  }
0x3c: {  	s16 =	ssub.s32 s6, s5;
	s10 =	sadd.s32 s0, s20;
	s26 =	smax.u32 s4, $0x1  }
0x3d: {  	s22 =	sshll.u32 s8, $0x4;
	s5 =	sshll.u32 s5, $0x4;
	p1 =	sne.s32 s26, $0x1  }
.Ltmp0:
0x3e: {  	s7 =	sadd.s32 s0, s24;
	s25 =	sshll.u32 s6, $0x4;
	(pc) =	sbr.rel @!p1 .LBB2_5-.Ltmp0, $4  }
0x3f: {  	s20 =	simm.s32 $0x5C80;
	s18 =	simm.s32 $0x9C80;
	s4 =	simm.s32 $0x5  }
0x40: {  	s24 =	simm.s32 $0x4;
	s8 =	sadd.s32 s0, s22;
	s5 =	sadd.s32 s5, s0  }
0x41: {  	s6 =	sadd.s32 s0, s25;
	s22 =	simm.s32 $0x80;
	s25 =	simm.s32 $0x2  }
0x42: {  	s0 =	sadd.s32 $0xFFFFFFFF, s26;
	s26 =	simm.s32 $0x3;
	s5 =	sadd.s32 $0xC000, s5  }
0x43: {  	s28 =	smov.u32 s0;
	s0 =	rddreg [dreg:$0x6]  }
0x44: {  	[spmem:s31], [sflag:s0] =	dma.local [hbm:s1], $0x200  }
0x45: {  	s0 =	rddreg [dreg:$0x7]  }
0x46: {  	[tilespmem:s2], [sflag:$0xA] =	stream.linear.gather [hbm4b:s0+s2], $0xC80, $0x38;
	[tilespmem:$0x11C80] =	vst v63  }
0x47: {  	_ =	swait.ge [sflag:s30], $0xC80  }
0x48: {  	[sflag:s30] =	ssyncset.done $0x0  }
0x49: {  	[sflag:s30] =	ssyncadd.s32 $0xFFFFF380  }
0x4a: {  	_ =	swait.ge [sflag:s29], $0x200  }
0x4b: {  	[sflag:s29] =	ssyncset.done $0x0  }
0x4c: {  	[sflag:s29] =	ssyncadd.s32 $0xFFFFFE00  }
0x4d: {  	[bflag:$0x0] =	sbarrier.arrive $0xFFFF  }
0x4e: {  	s0 =	rddreg [dreg:$0x8]  }
0x4f: {  	[tilespmem:s9], [sflag:$0x1] =	stream.indirect.gather [spmem:s3], $0x80, s0, s22, $0xb8;
	[tilespmem:$0x11C80] =	vst v63  }
0x50: {  	s1 =	rddreg [dreg:$0x9]  }
0x51: {  	[tilespmem:s20], [sflag:$0x2] =	stream.indirect.gather [spmem:s3], $0x80, s1, s22, $0xb8;
	[tilespmem:$0x11C80] =	vst v63  }
0x52: {  	s0 =	rddreg [dreg:$0xa]  }
0x53: {  	[tilespmem:s18], [sflag:$0x3] =	stream.indirect.gather [spmem:s3], $0x80, s0, s22, $0xb8;
	[tilespmem:$0x11C80] =	vst v63  }
0x54: {  	s1 =	rddreg [dreg:$0xb]  }
0x55: {  	[tilespmem:s14], [sflag:$0x4] =	stream.indirect.gather [spmem:s3], $0x80, s1, s22, $0xb8;
	[tilespmem:$0x11C80] =	vst v63  }
0x56: {  	_ =	swait.ge [sflag:s11], $0x4000  }
0x57: {  	[sflag:s11] =	ssyncset.done $0x0  }
0x58: {  	s1 =	rddreg [dreg:$0xc];
	[sflag:s11] =	ssyncadd.s32 $0xFFFFC000  }
0x59: {  	[hbm4b:s1+s2] =	stream.linear.scatter [tilespmem:s9], [sflag:$0x5], $0x4000, $0x38;
	[tilespmem:$0x11C80] =	vst v63  }
0x5a: {  	_ =	swait.ge [sflag:s4], $0x4000  }
0x5b: {  	[sflag:s4] =	ssyncset.done $0x0  }
0x5c: {  	s1 =	rddreg [dreg:$0xd];
	[sflag:s4] =	ssyncadd.s32 $0xFFFFC000  }
0x5d: {  	[tilespmem:s9], [sflag:$0x1] =	stream.indirect.gather [spmem:s3], $0x80, s1, s22, $0xb8;
	[tilespmem:$0x11C80] =	vst v63  }
0x5e: {  	_ =	swait.ge [sflag:s25], $0x4000  }
0x5f: {  	[sflag:s25] =	ssyncset.done $0x0  }
0x60: {  	s1 =	rddreg [dreg:$0xe];
	[sflag:s25] =	ssyncadd.s32 $0xFFFFC000  }
0x61: {  	[hbm4b:s1+s2] =	stream.linear.scatter [tilespmem:s20], [sflag:$0x6], $0x4000, $0x38;
	[tilespmem:$0x11C80] =	vst v63  }
0x62: {  	_ =	swait.ge [sflag:s15], $0x4000  }
0x63: {  	[sflag:s15] =	ssyncset.done $0x0  }
0x64: {  	s1 =	rddreg [dreg:$0xf];
	[sflag:s15] =	ssyncadd.s32 $0xFFFFC000  }
0x65: {  	[tilespmem:s20], [sflag:$0x2] =	stream.indirect.gather [spmem:s3], $0x80, s1, s22, $0xb8;
	[tilespmem:$0x11C80] =	vst v63  }
0x66: {  	_ =	swait.ge [sflag:s26], $0x4000  }
0x67: {  	[sflag:s26] =	ssyncset.done $0x0  }
0x68: {  	s1 =	rddreg [dreg:$0x10];
	[sflag:s26] =	ssyncadd.s32 $0xFFFFC000  }
0x69: {  	[hbm4b:s1+s2] =	stream.linear.scatter [tilespmem:s18], [sflag:$0x7], $0x4000, $0x38;
	[tilespmem:$0x11C80] =	vst v63  }
0x6a: {  	_ =	swait.ge [sflag:s13], $0x4000  }
0x6b: {  	[sflag:s13] =	ssyncset.done $0x0  }
0x6c: {  	s1 =	rddreg [dreg:$0x11];
	[sflag:s13] =	ssyncadd.s32 $0xFFFFC000  }
0x6d: {  	[tilespmem:s18], [sflag:$0x3] =	stream.indirect.gather [spmem:s3], $0x80, s1, s22, $0xb8;
	[tilespmem:$0x11C80] =	vst v63  }
0x6e: {  	_ =	swait.ge [sflag:s24], $0x4000  }
0x6f: {  	[sflag:s24] =	ssyncset.done $0x0  }
0x70: {  	s1 =	rddreg [dreg:$0x12];
	[sflag:s24] =	ssyncadd.s32 $0xFFFFC000  }
0x71: {  	[hbm4b:s1+s2] =	stream.linear.scatter [tilespmem:s14], [sflag:$0x8], $0x4000, $0x38;
	[tilespmem:$0x11C80] =	vst v63  }
0x72: {  	_ =	swait.ge [sflag:s12], $0x4000  }
0x73: {  	[sflag:s12] =	ssyncset.done $0x0  }
0x74: {  	s1 =	rddreg [dreg:$0x13];
	[sflag:s12] =	ssyncadd.s32 $0xFFFFC000  }
0x75: {  	[tilespmem:s14], [sflag:$0x4] =	stream.indirect.gather [spmem:s3], $0x80, s1, s22, $0xb8;
	[tilespmem:$0x11C80] =	vst v63  }
0x76: {  	_ =	swait.ge [sflag:s11], $0x4000  }
0x77: {  	[sflag:s11] =	ssyncset.done $0x0  }
0x78: {  	s1 =	rddreg [dreg:$0x14];
	[sflag:s11] =	ssyncadd.s32 $0xFFFFC000  }
0x79: {  	[hbm4b:s1+s2] =	stream.linear.scatter [tilespmem:s9], [sflag:$0x5], $0x4000, $0x38;
	[tilespmem:$0x11C80] =	vst v63  }
0x7a: {  	_ =	swait.ge [sflag:s4], $0x4000  }
0x7b: {  	[sflag:s4] =	ssyncset.done $0x0  }
0x7c: {  	s1 =	rddreg [dreg:$0x15];
	[sflag:s4] =	ssyncadd.s32 $0xFFFFC000  }
0x7d: {  	[tilespmem:s9], [sflag:$0x1] =	stream.indirect.gather [spmem:s3], $0x80, s1, s22, $0xb8;
	[tilespmem:$0x11C80] =	vst v63  }
0x7e: {  	_ =	swait.ge [sflag:s25], $0x4000  }
0x7f: {  	[sflag:s25] =	ssyncset.done $0x0  }
0x80: {  	s1 =	rddreg [dreg:$0x16];
	[sflag:s25] =	ssyncadd.s32 $0xFFFFC000  }
0x81: {  	[hbm4b:s1+s2] =	stream.linear.scatter [tilespmem:s20], [sflag:$0x6], $0x4000, $0x38;
	[tilespmem:$0x11C80] =	vst v63  }
0x82: {  	_ =	swait.ge [sflag:s15], $0x4000  }
0x83: {  	[sflag:s15] =	ssyncset.done $0x0  }
0x84: {  	s1 =	rddreg [dreg:$0x17];
	[sflag:s15] =	ssyncadd.s32 $0xFFFFC000  }
0x85: {  	[tilespmem:s20], [sflag:$0x2] =	stream.indirect.gather [spmem:s3], $0x80, s1, s22, $0xb8;
	[tilespmem:$0x11C80] =	vst v63  }
0x86: {  	_ =	swait.ge [sflag:s26], $0x4000  }
0x87: {  	[sflag:s26] =	ssyncset.done $0x0  }
0x88: {  	s1 =	rddreg [dreg:$0x18];
	[sflag:s26] =	ssyncadd.s32 $0xFFFFC000  }
0x89: {  	[hbm4b:s1+s2] =	stream.linear.scatter [tilespmem:s18], [sflag:$0x7], $0x4000, $0x38;
	[tilespmem:$0x11C80] =	vst v63  }
0x8a: {  	_ =	swait.ge [sflag:s13], $0x4000  }
0x8b: {  	[sflag:s13] =	ssyncset.done $0x0  }
0x8c: {  	s1 =	rddreg [dreg:$0x19];
	[sflag:s13] =	ssyncadd.s32 $0xFFFFC000  }
0x8d: {  	[tilespmem:s18], [sflag:$0x3] =	stream.indirect.gather [spmem:s3], $0x80, s1, s22, $0xb8;
	[tilespmem:$0x11C80] =	vst v63  }
0x8e: {  	_ =	swait.ge [sflag:s24], $0x4000  }
0x8f: {  	[sflag:s24] =	ssyncset.done $0x0  }
0x90: {  	s1 =	rddreg [dreg:$0x1a];
	[sflag:s24] =	ssyncadd.s32 $0xFFFFC000  }
0x91: {  	[hbm4b:s1+s2] =	stream.linear.scatter [tilespmem:s14], [sflag:$0x8], $0x4000, $0x38;
	[tilespmem:$0x11C80] =	vst v63  }
0x92: {  	_ =	swait.ge [sflag:s12], $0x4000  }
0x93: {  	[sflag:s12] =	ssyncset.done $0x0  }
0x94: {  	s1 =	rddreg [dreg:$0x1b];
	[sflag:s12] =	ssyncadd.s32 $0xFFFFC000  }
0x95: {  	[tilespmem:s14], [sflag:$0x4] =	stream.indirect.gather [spmem:s3], $0x80, s1, s22, $0xb8;
	[tilespmem:$0x11C80] =	vst v63  }
0x96: {  	_ =	swait.ge [sflag:s11], $0x4000  }
0x97: {  	[sflag:s11] =	ssyncset.done $0x0  }
0x98: {  	s1 =	rddreg [dreg:$0x1c];
	[sflag:s11] =	ssyncadd.s32 $0xFFFFC000  }
0x99: {  	[hbm4b:s1+s2] =	stream.linear.scatter [tilespmem:s9], [sflag:$0x5], $0x4000, $0x38;
	[tilespmem:$0x11C80] =	vst v63  }
0x9a: {  	_ =	swait.ge [sflag:s4], $0x4000  }
0x9b: {  	[sflag:s4] =	ssyncset.done $0x0  }
0x9c: {  	s1 =	rddreg [dreg:$0x1d];
	[sflag:s4] =	ssyncadd.s32 $0xFFFFC000  }
0x9d: {  	[tilespmem:s9], [sflag:$0x1] =	stream.indirect.gather [spmem:s3], $0x80, s1, s22, $0xb8;
	[tilespmem:$0x11C80] =	vst v63  }
0x9e: {  	_ =	swait.ge [sflag:s25], $0x4000  }
0x9f: {  	[sflag:s25] =	ssyncset.done $0x0  }
0xa0: {  	s1 =	rddreg [dreg:$0x1e];
	[sflag:s25] =	ssyncadd.s32 $0xFFFFC000  }
0xa1: {  	[hbm4b:s1+s2] =	stream.linear.scatter [tilespmem:s20], [sflag:$0x6], $0x4000, $0x38;
	[tilespmem:$0x11C80] =	vst v63  }
0xa2: {  	_ =	swait.ge [sflag:s15], $0x4000  }
0xa3: {  	[sflag:s15] =	ssyncset.done $0x0  }
0xa4: {  	s1 =	rddreg [dreg:$0x1f];
	[sflag:s15] =	ssyncadd.s32 $0xFFFFC000  }
0xa5: {  	[tilespmem:s20], [sflag:$0x2] =	stream.indirect.gather [spmem:s3], $0x80, s1, s22, $0xb8;
	[tilespmem:$0x11C80] =	vst v63  }
0xa6: {  	_ =	swait.ge [sflag:s26], $0x4000  }
0xa7: {  	s1 =	sld [smem:$0x7EF]  }
0xa8: {  	[sflag:s26] =	ssyncset.done $0x0  }
0xa9: {  	[sflag:s26] =	ssyncadd.s32 $0xFFFFC000  }
0xaa: {  	[hbm4b:s1+s2] =	stream.linear.scatter [tilespmem:s18], [sflag:$0x7], $0x4000, $0x38;
	[tilespmem:$0x11C80] =	vst v63  }
0xab: {  	_ =	swait.ge [sflag:s13], $0x4000  }
0xac: {  	s1 =	sld [smem:$0x7F0]  }
0xad: {  	[sflag:s13] =	ssyncset.done $0x0  }
0xae: {  	[sflag:s13] =	ssyncadd.s32 $0xFFFFC000  }
0xaf: {  	[tilespmem:s18], [sflag:$0x3] =	stream.indirect.gather [spmem:s3], $0x80, s1, s22, $0xb8;
	[tilespmem:$0x11C80] =	vst v63  }
0xb0: {  	_ =	swait.ge [sflag:s24], $0x4000  }
0xb1: {  	s1 =	sld [smem:$0x7F1]  }
0xb2: {  	[sflag:s24] =	ssyncset.done $0x0  }
0xb3: {  	[sflag:s24] =	ssyncadd.s32 $0xFFFFC000  }
0xb4: {  	[hbm4b:s1+s2] =	stream.linear.scatter [tilespmem:s14], [sflag:$0x8], $0x4000, $0x38;
	[tilespmem:$0x11C80] =	vst v63  }
0xb5: {  	_ =	swait.ge [sflag:s12], $0x4000  }
0xb6: {  	s1 =	sld [smem:$0x7F2]  }
0xb7: {  	[sflag:s12] =	ssyncset.done $0x0  }
0xb8: {  	[sflag:s12] =	ssyncadd.s32 $0xFFFFC000  }
0xb9: {  	[tilespmem:s14], [sflag:$0x4] =	stream.indirect.gather [spmem:s3], $0x80, s1, s22, $0xb8;
	[tilespmem:$0x11C80] =	vst v63  }
0xba: {  	_ =	swait.ge [sflag:s11], $0x4000  }
0xbb: {  	s1 =	sld [smem:$0x7F3]  }
0xbc: {  	[sflag:s11] =	ssyncset.done $0x0  }
0xbd: {  	[sflag:s11] =	ssyncadd.s32 $0xFFFFC000  }
0xbe: {  	[hbm4b:s1+s2] =	stream.linear.scatter [tilespmem:s9], [sflag:$0x5], $0x4000, $0x38;
	[tilespmem:$0x11C80] =	vst v63  }
0xbf: {  	_ =	swait.ge [sflag:s4], $0x4000  }
0xc0: {  	s1 =	sld [smem:$0x7F4]  }
0xc1: {  	[sflag:s4] =	ssyncset.done $0x0  }
0xc2: {  	[sflag:s4] =	ssyncadd.s32 $0xFFFFC000  }
0xc3: {  	[tilespmem:s9], [sflag:$0x1] =	stream.indirect.gather [spmem:s3], $0x80, s1, s22, $0xb8;
	[tilespmem:$0x11C80] =	vst v63  }
0xc4: {  	_ =	swait.ge [sflag:s25], $0x4000  }
0xc5: {  	s1 =	sld [smem:$0x7F5]  }
0xc6: {  	[sflag:s25] =	ssyncset.done $0x0  }
0xc7: {  	[sflag:s25] =	ssyncadd.s32 $0xFFFFC000  }
0xc8: {  	[hbm4b:s1+s2] =	stream.linear.scatter [tilespmem:s20], [sflag:$0x6], $0x4000, $0x38;
	[tilespmem:$0x11C80] =	vst v63  }
0xc9: {  	_ =	swait.ge [sflag:s15], $0x4000  }
0xca: {  	s1 =	sld [smem:$0x7F6]  }
0xcb: {  	[sflag:s15] =	ssyncset.done $0x0  }
0xcc: {  	[sflag:s15] =	ssyncadd.s32 $0xFFFFC000  }
0xcd: {  	[tilespmem:s20], [sflag:$0x2] =	stream.indirect.gather [spmem:s3], $0x80, s1, s22, $0xb8;
	[tilespmem:$0x11C80] =	vst v63  }
0xce: {  	_ =	swait.ge [sflag:s26], $0x4000  }
0xcf: {  	s1 =	sld [smem:$0x7F7]  }
0xd0: {  	[sflag:s26] =	ssyncset.done $0x0  }
0xd1: {  	[sflag:s26] =	ssyncadd.s32 $0xFFFFC000  }
0xd2: {  	[hbm4b:s1+s2] =	stream.linear.scatter [tilespmem:s18], [sflag:$0x7], $0x4000, $0x38;
	[tilespmem:$0x11C80] =	vst v63  }
0xd3: {  	_ =	swait.ge [sflag:s13], $0x4000  }
0xd4: {  	s1 =	sld [smem:$0x7F8]  }
0xd5: {  	[sflag:s13] =	ssyncset.done $0x0  }
0xd6: {  	[sflag:s13] =	ssyncadd.s32 $0xFFFFC000  }
0xd7: {  	[tilespmem:s18], [sflag:$0x3] =	stream.indirect.gather [spmem:s3], $0x80, s1, s22, $0xb8;
	[tilespmem:$0x11C80] =	vst v63  }
0xd8: {  	_ =	swait.ge [sflag:s24], $0x4000  }
0xd9: {  	s1 =	sld [smem:$0x7F9]  }
0xda: {  	[sflag:s24] =	ssyncset.done $0x0  }
0xdb: {  	[sflag:s24] =	ssyncadd.s32 $0xFFFFC000  }
0xdc: {  	[hbm4b:s1+s2] =	stream.linear.scatter [tilespmem:s14], [sflag:$0x8], $0x4000, $0x38;
	[tilespmem:$0x11C80] =	vst v63  }
0xdd: {  	_ =	swait.ge [sflag:s12], $0x4000  }
0xde: {  	s1 =	sld [smem:$0x7FA]  }
0xdf: {  	[sflag:s12] =	ssyncset.done $0x0  }
0xe0: {  	[sflag:s12] =	ssyncadd.s32 $0xFFFFC000  }
0xe1: {  	[tilespmem:s14], [sflag:$0x4] =	stream.indirect.gather [spmem:s3], $0x80, s1, s22, $0xb8;
	[tilespmem:$0x11C80] =	vst v63  }
0xe2: {  	_ =	swait.ge [sflag:s11], $0x4000  }
0xe3: {  	s1 =	sld [smem:$0x7FB]  }
0xe4: {  	[sflag:s11] =	ssyncset.done $0x0  }
0xe5: {  	[sflag:s11] =	ssyncadd.s32 $0xFFFFC000  }
0xe6: {  	[hbm4b:s1+s2] =	stream.linear.scatter [tilespmem:s9], [sflag:$0x5], $0x4000, $0x38;
	[tilespmem:$0x11C80] =	vst v63  }
0xe7: {  	_ =	swait.ge [sflag:s4], $0x4000  }
0xe8: {  	s1 =	sld [smem:$0x7FC]  }
0xe9: {  	[sflag:s4] =	ssyncset.done $0x0  }
0xea: {  	[sflag:s4] =	ssyncadd.s32 $0xFFFFC000  }
0xeb: {  	[tilespmem:s9], [sflag:$0x1] =	stream.indirect.gather [spmem:s3], $0x80, s1, s22, $0xb8;
	[tilespmem:$0x11C80] =	vst v63  }
0xec: {  	_ =	swait.ge [sflag:s25], $0x4000  }
0xed: {  	s1 =	sld [smem:$0x7FD]  }
0xee: {  	[sflag:s25] =	ssyncset.done $0x0  }
0xef: {  	[sflag:s25] =	ssyncadd.s32 $0xFFFFC000  }
0xf0: {  	[hbm4b:s1+s2] =	stream.linear.scatter [tilespmem:s20], [sflag:$0x6], $0x4000, $0x38;
	[tilespmem:$0x11C80] =	vst v63  }
0xf1: {  	_ =	swait.ge [sflag:s15], $0x4000  }
0xf2: {  	[sflag:s15] =	ssyncset.done $0x0  }
0xf3: {  	[sflag:s15] =	ssyncadd.s32 $0xFFFFC000  }
0xf4: {  	[tilespmem:s20], [sflag:$0x2] =	stream.indirect.gather [spmem:s3], $0x80, s23, s22, $0xb8;
	[tilespmem:$0x11C80] =	vst v63  }
0xf5: {  	_ =	swait.ge [sflag:s26], $0x4000  }
0xf6: {  	[sflag:s26] =	ssyncset.done $0x0  }
0xf7: {  	[sflag:s26] =	ssyncadd.s32 $0xFFFFC000  }
0xf8: {  	[hbm4b:s21+s2] =	stream.linear.scatter [tilespmem:s18], [sflag:$0x7], $0x4000, $0x38;
	[tilespmem:$0x11C80] =	vst v63  }
0xf9: {  	_ =	swait.ge [sflag:s13], $0x4000  }
0xfa: {  	[sflag:s13] =	ssyncset.done $0x0  }
0xfb: {  	[sflag:s13] =	ssyncadd.s32 $0xFFFFC000  }
0xfc: {  	[tilespmem:s18], [sflag:$0x3] =	stream.indirect.gather [spmem:s3], $0x80, s19, s22, $0xb8;
	[tilespmem:$0x11C80] =	vst v63  }
0xfd: {  	_ =	swait.ge [sflag:s24], $0x4000  }
0xfe: {  	[sflag:s24] =	ssyncset.done $0x0  }
0xff: {  	[sflag:s24] =	ssyncadd.s32 $0xFFFFC000  }
0x100: {  	[hbm4b:s17+s2] =	stream.linear.scatter [tilespmem:s14], [sflag:$0x8], $0x4000, $0x38;
	[tilespmem:$0x11C80] =	vst v63  }
0x101: {  	_ =	swait.ge [sflag:s12], $0x4000  }
0x102: {  	[sflag:s12] =	ssyncset.done $0x0  }
0x103: {  	[sflag:s12] =	ssyncadd.s32 $0xFFFFC000  }
0x104: {  	[tilespmem:s14], [sflag:$0x4] =	stream.indirect.gather [spmem:s3], $0x80, s16, s22, $0xb8;
	[tilespmem:$0x11C80] =	vst v63  }
0x105: {  	_ =	swait.ge [sflag:s11], $0x4000  }
0x106: {  	[sflag:s11] =	ssyncset.done $0x0  }
0x107: {  	[sflag:s11] =	ssyncadd.s32 $0xFFFFC000  }
0x108: {  	[hbm4b:s10+s2] =	stream.linear.scatter [tilespmem:s9], [sflag:$0x5], $0x4000, $0x38;
	[tilespmem:$0x11C80] =	vst v63  }
0x109: {  	_ =	swait.ge [sflag:s4], $0x4000  }
0x10a: {  	[sflag:s4] =	ssyncset.done $0x0  }
0x10b: {  	s1 =	simm.s32 $0xC00;
	[sflag:s4] =	ssyncadd.s32 $0xFFFFC000  }
0x10c: {  	[tilespmem:s9], [sflag:$0x1] =	stream.indirect.gather [spmem:s3], $0x80, s1, s22, $0xb8;
	[tilespmem:$0x11C80] =	vst v63  }
0x10d: {  	_ =	swait.ge [sflag:s25], $0x4000  }
0x10e: {  	[sflag:s25] =	ssyncset.done $0x0  }
0x10f: {  	[sflag:s25] =	ssyncadd.s32 $0xFFFFC000  }
0x110: {  	[hbm4b:s8+s2] =	stream.linear.scatter [tilespmem:s20], [sflag:$0x6], $0x4000, $0x38;
	[tilespmem:$0x11C80] =	vst v63  }
0x111: {  	_ =	swait.ge [sflag:s26], $0x4000  }
0x112: {  	[sflag:s26] =	ssyncset.done $0x0  }
0x113: {  	[sflag:s26] =	ssyncadd.s32 $0xFFFFC000  }
0x114: {  	[hbm4b:s7+s2] =	stream.linear.scatter [tilespmem:s18], [sflag:$0x7], $0x4000, $0x38;
	[tilespmem:$0x11C80] =	vst v63  }
0x115: {  	_ =	swait.ge [sflag:s24], $0x4000  }
0x116: {  	[sflag:s24] =	ssyncset.done $0x0  }
0x117: {  	[sflag:s24] =	ssyncadd.s32 $0xFFFFC000  }
0x118: {  	[hbm4b:s6+s2] =	stream.linear.scatter [tilespmem:s14], [sflag:$0x8], $0x4000, $0x38;
	[tilespmem:$0x11C80] =	vst v63  }
0x119: {  	_ =	swait.ge [sflag:s11], $0x4000  }
0x11a: {  	[sflag:s11] =	ssyncset.done $0x0  }
0x11b: {  	[sflag:s11] =	ssyncadd.s32 $0xFFFFC000  }
0x11c: {  	[hbm4b:s5+s2] =	stream.linear.scatter [tilespmem:s9], [sflag:$0x5], $0x4000, $0x38;
	[tilespmem:$0x11C80] =	vst v63  }
0x11d: {  	_ =	swait.ge [sflag:s15], $0x4000  }
0x11e: {  	[sflag:s15] =	ssyncset.done $0x0  }
0x11f: {  	[sflag:s15] =	ssyncadd.s32 $0xFFFFC000  }
0x120: {  	_ =	swait.ge [sflag:s13], $0x4000  }
0x121: {  	[sflag:s13] =	ssyncset.done $0x0  }
0x122: {  	p1 =	sne.s32 s28, $0x1;
	[sflag:s13] =	ssyncadd.s32 $0xFFFFC000  }
.Ltmp1:
0x123: {  	_ =	swait.ge [sflag:s12], $0x4000;
	(pc) =	sbr.rel @!p1 .LBB2_2-.Ltmp1, $4  }
0x124: {  	[sflag:s12] =	ssyncset.done $0x0  }
0x125: {  	[sflag:s12] =	ssyncadd.s32 $0xFFFFC000  }
0x126: {  	p0 =	por $0x1, $0x1;
	_ =	swait.ge [sflag:s4], $0x4000  }
0x127: {  	s0 =	sadd.s32 $0xFFFFFFFF, s28;
	s1 =	rddreg [dreg:$0x5];
	[sflag:s4] =	ssyncset.done $0x0  }
.LBB2_3:
0x128: {  	s28 =	rddreg [dreg:$0x6];
	[sflag:s4] =	ssyncadd.s32 $0xFFFFC000  }
0x129: {  	[spmem:s31], [sflag:s28] =	dma.local [hbm:s1], $0x200  }
0x12a: {  	s1 =	rddreg [dreg:$0x7]  }
0x12b: {  	[tilespmem:s2], [sflag:$0xA] =	stream.linear.gather [hbm4b:s1+s2], $0xC80, $0x38;
	[tilespmem:$0x11C80] =	vst v63  }
0x12c: {  	_ =	swait.ge [sflag:s30], $0xC80  }
0x12d: {  	[sflag:s30] =	ssyncset.done $0x0  }
0x12e: {  	[sflag:s30] =	ssyncadd.s32 $0xFFFFF380  }
0x12f: {  	_ =	swait.ge [sflag:s29], $0x200  }
0x130: {  	[sflag:s29] =	ssyncset.done $0x0  }
0x131: {  	[sflag:s29] =	ssyncadd.s32 $0xFFFFFE00  }
0x132: {  	[bflag:$0x0] =	sbarrier.arrive $0xFFFF  }
0x133: {  	s1 =	rddreg [dreg:$0x8]  }
0x134: {  	[tilespmem:s9], [sflag:$0x1] =	stream.indirect.gather [spmem:s3], $0x80, s1, s22, $0xb8;
	[tilespmem:$0x11C80] =	vst v63  }
0x135: {  	s28 =	rddreg [dreg:$0x9]  }
0x136: {  	[tilespmem:s20], [sflag:$0x2] =	stream.indirect.gather [spmem:s3], $0x80, s28, s22, $0xb8;
	[tilespmem:$0x11C80] =	vst v63  }
0x137: {  	s1 =	rddreg [dreg:$0xa]  }
0x138: {  	[tilespmem:s18], [sflag:$0x3] =	stream.indirect.gather [spmem:s3], $0x80, s1, s22, $0xb8;
	[tilespmem:$0x11C80] =	vst v63  }
0x139: {  	s28 =	rddreg [dreg:$0xb]  }
0x13a: {  	[tilespmem:s14], [sflag:$0x4] =	stream.indirect.gather [spmem:s3], $0x80, s28, s22, $0xb8;
	[tilespmem:$0x11C80] =	vst v63  }
0x13b: {  	_ =	swait.ge [sflag:s11], $0x4000  }
0x13c: {  	[sflag:s11] =	ssyncset.done $0x0  }
0x13d: {  	s28 =	rddreg [dreg:$0xc];
	[sflag:s11] =	ssyncadd.s32 $0xFFFFC000  }
0x13e: {  	[hbm4b:s28+s2] =	stream.linear.scatter [tilespmem:s9], [sflag:$0x5], $0x4000, $0x38;
	[tilespmem:$0x11C80] =	vst v63  }
0x13f: {  	_ =	swait.ge [sflag:s4], $0x4000  }
0x140: {  	[sflag:s4] =	ssyncset.done $0x0  }
0x141: {  	s28 =	rddreg [dreg:$0xd];
	[sflag:s4] =	ssyncadd.s32 $0xFFFFC000  }
0x142: {  	[tilespmem:s9], [sflag:$0x1] =	stream.indirect.gather [spmem:s3], $0x80, s28, s22, $0xb8;
	[tilespmem:$0x11C80] =	vst v63  }
0x143: {  	_ =	swait.ge [sflag:s25], $0x4000  }
0x144: {  	[sflag:s25] =	ssyncset.done $0x0  }
0x145: {  	s28 =	rddreg [dreg:$0xe];
	[sflag:s25] =	ssyncadd.s32 $0xFFFFC000  }
0x146: {  	[hbm4b:s28+s2] =	stream.linear.scatter [tilespmem:s20], [sflag:$0x6], $0x4000, $0x38;
	[tilespmem:$0x11C80] =	vst v63  }
0x147: {  	_ =	swait.ge [sflag:s15], $0x4000  }
0x148: {  	[sflag:s15] =	ssyncset.done $0x0  }
0x149: {  	s28 =	rddreg [dreg:$0xf];
	[sflag:s15] =	ssyncadd.s32 $0xFFFFC000  }
0x14a: {  	[tilespmem:s20], [sflag:$0x2] =	stream.indirect.gather [spmem:s3], $0x80, s28, s22, $0xb8;
	[tilespmem:$0x11C80] =	vst v63  }
0x14b: {  	_ =	swait.ge [sflag:s26], $0x4000  }
0x14c: {  	[sflag:s26] =	ssyncset.done $0x0  }
0x14d: {  	s28 =	rddreg [dreg:$0x10];
	[sflag:s26] =	ssyncadd.s32 $0xFFFFC000  }
0x14e: {  	[hbm4b:s28+s2] =	stream.linear.scatter [tilespmem:s18], [sflag:$0x7], $0x4000, $0x38;
	[tilespmem:$0x11C80] =	vst v63  }
0x14f: {  	_ =	swait.ge [sflag:s13], $0x4000  }
0x150: {  	[sflag:s13] =	ssyncset.done $0x0  }
0x151: {  	s28 =	rddreg [dreg:$0x11];
	[sflag:s13] =	ssyncadd.s32 $0xFFFFC000  }
0x152: {  	[tilespmem:s18], [sflag:$0x3] =	stream.indirect.gather [spmem:s3], $0x80, s28, s22, $0xb8;
	[tilespmem:$0x11C80] =	vst v63  }
0x153: {  	_ =	swait.ge [sflag:s24], $0x4000  }
0x154: {  	[sflag:s24] =	ssyncset.done $0x0  }
0x155: {  	s28 =	rddreg [dreg:$0x12];
	[sflag:s24] =	ssyncadd.s32 $0xFFFFC000  }
0x156: {  	[hbm4b:s28+s2] =	stream.linear.scatter [tilespmem:s14], [sflag:$0x8], $0x4000, $0x38;
	[tilespmem:$0x11C80] =	vst v63  }
0x157: {  	_ =	swait.ge [sflag:s12], $0x4000  }
0x158: {  	[sflag:s12] =	ssyncset.done $0x0  }
0x159: {  	s28 =	rddreg [dreg:$0x13];
	[sflag:s12] =	ssyncadd.s32 $0xFFFFC000  }
0x15a: {  	[tilespmem:s14], [sflag:$0x4] =	stream.indirect.gather [spmem:s3], $0x80, s28, s22, $0xb8;
	[tilespmem:$0x11C80] =	vst v63  }
0x15b: {  	_ =	swait.ge [sflag:s11], $0x4000  }
0x15c: {  	[sflag:s11] =	ssyncset.done $0x0  }
0x15d: {  	s28 =	rddreg [dreg:$0x14];
	[sflag:s11] =	ssyncadd.s32 $0xFFFFC000  }
0x15e: {  	[hbm4b:s28+s2] =	stream.linear.scatter [tilespmem:s9], [sflag:$0x5], $0x4000, $0x38;
	[tilespmem:$0x11C80] =	vst v63  }
0x15f: {  	_ =	swait.ge [sflag:s4], $0x4000  }
0x160: {  	[sflag:s4] =	ssyncset.done $0x0  }
0x161: {  	s28 =	rddreg [dreg:$0x15];
	[sflag:s4] =	ssyncadd.s32 $0xFFFFC000  }
0x162: {  	[tilespmem:s9], [sflag:$0x1] =	stream.indirect.gather [spmem:s3], $0x80, s28, s22, $0xb8;
	[tilespmem:$0x11C80] =	vst v63  }
0x163: {  	_ =	swait.ge [sflag:s25], $0x4000  }
0x164: {  	[sflag:s25] =	ssyncset.done $0x0  }
0x165: {  	s28 =	rddreg [dreg:$0x16];
	[sflag:s25] =	ssyncadd.s32 $0xFFFFC000  }
0x166: {  	[hbm4b:s28+s2] =	stream.linear.scatter [tilespmem:s20], [sflag:$0x6], $0x4000, $0x38;
	[tilespmem:$0x11C80] =	vst v63  }
0x167: {  	_ =	swait.ge [sflag:s15], $0x4000  }
0x168: {  	[sflag:s15] =	ssyncset.done $0x0  }
0x169: {  	s28 =	rddreg [dreg:$0x17];
	[sflag:s15] =	ssyncadd.s32 $0xFFFFC000  }
0x16a: {  	[tilespmem:s20], [sflag:$0x2] =	stream.indirect.gather [spmem:s3], $0x80, s28, s22, $0xb8;
	[tilespmem:$0x11C80] =	vst v63  }
0x16b: {  	_ =	swait.ge [sflag:s26], $0x4000  }
0x16c: {  	[sflag:s26] =	ssyncset.done $0x0  }
0x16d: {  	s28 =	rddreg [dreg:$0x18];
	[sflag:s26] =	ssyncadd.s32 $0xFFFFC000  }
0x16e: {  	[hbm4b:s28+s2] =	stream.linear.scatter [tilespmem:s18], [sflag:$0x7], $0x4000, $0x38;
	[tilespmem:$0x11C80] =	vst v63  }
0x16f: {  	_ =	swait.ge [sflag:s13], $0x4000  }
0x170: {  	[sflag:s13] =	ssyncset.done $0x0  }
0x171: {  	s28 =	rddreg [dreg:$0x19];
	[sflag:s13] =	ssyncadd.s32 $0xFFFFC000  }
0x172: {  	[tilespmem:s18], [sflag:$0x3] =	stream.indirect.gather [spmem:s3], $0x80, s28, s22, $0xb8;
	[tilespmem:$0x11C80] =	vst v63  }
0x173: {  	_ =	swait.ge [sflag:s24], $0x4000  }
0x174: {  	[sflag:s24] =	ssyncset.done $0x0  }
0x175: {  	s28 =	rddreg [dreg:$0x1a];
	[sflag:s24] =	ssyncadd.s32 $0xFFFFC000  }
0x176: {  	[hbm4b:s28+s2] =	stream.linear.scatter [tilespmem:s14], [sflag:$0x8], $0x4000, $0x38;
	[tilespmem:$0x11C80] =	vst v63  }
0x177: {  	_ =	swait.ge [sflag:s12], $0x4000  }
0x178: {  	[sflag:s12] =	ssyncset.done $0x0  }
0x179: {  	s28 =	rddreg [dreg:$0x1b];
	[sflag:s12] =	ssyncadd.s32 $0xFFFFC000  }
0x17a: {  	[tilespmem:s14], [sflag:$0x4] =	stream.indirect.gather [spmem:s3], $0x80, s28, s22, $0xb8;
	[tilespmem:$0x11C80] =	vst v63  }
0x17b: {  	_ =	swait.ge [sflag:s11], $0x4000  }
0x17c: {  	[sflag:s11] =	ssyncset.done $0x0  }
0x17d: {  	s28 =	rddreg [dreg:$0x1c];
	[sflag:s11] =	ssyncadd.s32 $0xFFFFC000  }
0x17e: {  	[hbm4b:s28+s2] =	stream.linear.scatter [tilespmem:s9], [sflag:$0x5], $0x4000, $0x38;
	[tilespmem:$0x11C80] =	vst v63  }
0x17f: {  	_ =	swait.ge [sflag:s4], $0x4000  }
0x180: {  	[sflag:s4] =	ssyncset.done $0x0  }
0x181: {  	s28 =	rddreg [dreg:$0x1d];
	[sflag:s4] =	ssyncadd.s32 $0xFFFFC000  }
0x182: {  	[tilespmem:s9], [sflag:$0x1] =	stream.indirect.gather [spmem:s3], $0x80, s28, s22, $0xb8;
	[tilespmem:$0x11C80] =	vst v63  }
0x183: {  	_ =	swait.ge [sflag:s25], $0x4000  }
0x184: {  	[sflag:s25] =	ssyncset.done $0x0  }
0x185: {  	s28 =	rddreg [dreg:$0x1e];
	[sflag:s25] =	ssyncadd.s32 $0xFFFFC000  }
0x186: {  	[hbm4b:s28+s2] =	stream.linear.scatter [tilespmem:s20], [sflag:$0x6], $0x4000, $0x38;
	[tilespmem:$0x11C80] =	vst v63  }
0x187: {  	_ =	swait.ge [sflag:s15], $0x4000  }
0x188: {  	[sflag:s15] =	ssyncset.done $0x0  }
0x189: {  	s28 =	rddreg [dreg:$0x1f];
	[sflag:s15] =	ssyncadd.s32 $0xFFFFC000  }
0x18a: {  	[tilespmem:s20], [sflag:$0x2] =	stream.indirect.gather [spmem:s3], $0x80, s28, s22, $0xb8;
	[tilespmem:$0x11C80] =	vst v63  }
0x18b: {  	_ =	swait.ge [sflag:s26], $0x4000  }
0x18c: {  	s28 =	sld [smem:$0x7EF]  }
0x18d: {  	[sflag:s26] =	ssyncset.done $0x0  }
0x18e: {  	[sflag:s26] =	ssyncadd.s32 $0xFFFFC000  }
0x18f: {  	[hbm4b:s28+s2] =	stream.linear.scatter [tilespmem:s18], [sflag:$0x7], $0x4000, $0x38;
	[tilespmem:$0x11C80] =	vst v63  }
0x190: {  	_ =	swait.ge [sflag:s13], $0x4000  }
0x191: {  	s28 =	sld [smem:$0x7F0]  }
0x192: {  	[sflag:s13] =	ssyncset.done $0x0  }
0x193: {  	[sflag:s13] =	ssyncadd.s32 $0xFFFFC000  }
0x194: {  	[tilespmem:s18], [sflag:$0x3] =	stream.indirect.gather [spmem:s3], $0x80, s28, s22, $0xb8;
	[tilespmem:$0x11C80] =	vst v63  }
0x195: {  	_ =	swait.ge [sflag:s24], $0x4000  }
0x196: {  	s28 =	sld [smem:$0x7F1]  }
0x197: {  	[sflag:s24] =	ssyncset.done $0x0  }
0x198: {  	[sflag:s24] =	ssyncadd.s32 $0xFFFFC000  }
0x199: {  	[hbm4b:s28+s2] =	stream.linear.scatter [tilespmem:s14], [sflag:$0x8], $0x4000, $0x38;
	[tilespmem:$0x11C80] =	vst v63  }
0x19a: {  	_ =	swait.ge [sflag:s12], $0x4000  }
0x19b: {  	s28 =	sld [smem:$0x7F2]  }
0x19c: {  	[sflag:s12] =	ssyncset.done $0x0  }
0x19d: {  	[sflag:s12] =	ssyncadd.s32 $0xFFFFC000  }
0x19e: {  	[tilespmem:s14], [sflag:$0x4] =	stream.indirect.gather [spmem:s3], $0x80, s28, s22, $0xb8;
	[tilespmem:$0x11C80] =	vst v63  }
0x19f: {  	_ =	swait.ge [sflag:s11], $0x4000  }
0x1a0: {  	s28 =	sld [smem:$0x7F3]  }
0x1a1: {  	[sflag:s11] =	ssyncset.done $0x0  }
0x1a2: {  	[sflag:s11] =	ssyncadd.s32 $0xFFFFC000  }
0x1a3: {  	[hbm4b:s28+s2] =	stream.linear.scatter [tilespmem:s9], [sflag:$0x5], $0x4000, $0x38;
	[tilespmem:$0x11C80] =	vst v63  }
0x1a4: {  	_ =	swait.ge [sflag:s4], $0x4000  }
0x1a5: {  	s28 =	sld [smem:$0x7F4]  }
0x1a6: {  	[sflag:s4] =	ssyncset.done $0x0  }
0x1a7: {  	[sflag:s4] =	ssyncadd.s32 $0xFFFFC000  }
0x1a8: {  	[tilespmem:s9], [sflag:$0x1] =	stream.indirect.gather [spmem:s3], $0x80, s28, s22, $0xb8;
	[tilespmem:$0x11C80] =	vst v63  }
0x1a9: {  	_ =	swait.ge [sflag:s25], $0x4000  }
0x1aa: {  	s28 =	sld [smem:$0x7F5]  }
0x1ab: {  	[sflag:s25] =	ssyncset.done $0x0  }
0x1ac: {  	[sflag:s25] =	ssyncadd.s32 $0xFFFFC000  }
0x1ad: {  	[hbm4b:s28+s2] =	stream.linear.scatter [tilespmem:s20], [sflag:$0x6], $0x4000, $0x38;
	[tilespmem:$0x11C80] =	vst v63  }
0x1ae: {  	_ =	swait.ge [sflag:s15], $0x4000  }
0x1af: {  	s28 =	sld [smem:$0x7F6]  }
0x1b0: {  	[sflag:s15] =	ssyncset.done $0x0  }
0x1b1: {  	[sflag:s15] =	ssyncadd.s32 $0xFFFFC000  }
0x1b2: {  	[tilespmem:s20], [sflag:$0x2] =	stream.indirect.gather [spmem:s3], $0x80, s28, s22, $0xb8;
	[tilespmem:$0x11C80] =	vst v63  }
0x1b3: {  	_ =	swait.ge [sflag:s26], $0x4000  }
0x1b4: {  	s28 =	sld [smem:$0x7F7]  }
0x1b5: {  	[sflag:s26] =	ssyncset.done $0x0  }
0x1b6: {  	[sflag:s26] =	ssyncadd.s32 $0xFFFFC000  }
0x1b7: {  	[hbm4b:s28+s2] =	stream.linear.scatter [tilespmem:s18], [sflag:$0x7], $0x4000, $0x38;
	[tilespmem:$0x11C80] =	vst v63  }
0x1b8: {  	_ =	swait.ge [sflag:s13], $0x4000  }
0x1b9: {  	s28 =	sld [smem:$0x7F8]  }
0x1ba: {  	[sflag:s13] =	ssyncset.done $0x0  }
0x1bb: {  	[sflag:s13] =	ssyncadd.s32 $0xFFFFC000  }
0x1bc: {  	[tilespmem:s18], [sflag:$0x3] =	stream.indirect.gather [spmem:s3], $0x80, s28, s22, $0xb8;
	[tilespmem:$0x11C80] =	vst v63  }
0x1bd: {  	_ =	swait.ge [sflag:s24], $0x4000  }
0x1be: {  	s28 =	sld [smem:$0x7F9]  }
0x1bf: {  	[sflag:s24] =	ssyncset.done $0x0  }
0x1c0: {  	[sflag:s24] =	ssyncadd.s32 $0xFFFFC000  }
0x1c1: {  	[hbm4b:s28+s2] =	stream.linear.scatter [tilespmem:s14], [sflag:$0x8], $0x4000, $0x38;
	[tilespmem:$0x11C80] =	vst v63  }
0x1c2: {  	_ =	swait.ge [sflag:s12], $0x4000  }
0x1c3: {  	s28 =	sld [smem:$0x7FA]  }
0x1c4: {  	[sflag:s12] =	ssyncset.done $0x0  }
0x1c5: {  	[sflag:s12] =	ssyncadd.s32 $0xFFFFC000  }
0x1c6: {  	[tilespmem:s14], [sflag:$0x4] =	stream.indirect.gather [spmem:s3], $0x80, s28, s22, $0xb8;
	[tilespmem:$0x11C80] =	vst v63  }
0x1c7: {  	_ =	swait.ge [sflag:s11], $0x4000  }
0x1c8: {  	s28 =	sld [smem:$0x7FB]  }
0x1c9: {  	[sflag:s11] =	ssyncset.done $0x0  }
0x1ca: {  	[sflag:s11] =	ssyncadd.s32 $0xFFFFC000  }
0x1cb: {  	[hbm4b:s28+s2] =	stream.linear.scatter [tilespmem:s9], [sflag:$0x5], $0x4000, $0x38;
	[tilespmem:$0x11C80] =	vst v63  }
0x1cc: {  	_ =	swait.ge [sflag:s4], $0x4000  }
0x1cd: {  	s28 =	sld [smem:$0x7FC]  }
0x1ce: {  	[sflag:s4] =	ssyncset.done $0x0  }
0x1cf: {  	[sflag:s4] =	ssyncadd.s32 $0xFFFFC000  }
0x1d0: {  	[tilespmem:s9], [sflag:$0x1] =	stream.indirect.gather [spmem:s3], $0x80, s28, s22, $0xb8;
	[tilespmem:$0x11C80] =	vst v63  }
0x1d1: {  	_ =	swait.ge [sflag:s25], $0x4000  }
0x1d2: {  	s28 =	sld [smem:$0x7FD]  }
0x1d3: {  	[sflag:s25] =	ssyncset.done $0x0  }
0x1d4: {  	[sflag:s25] =	ssyncadd.s32 $0xFFFFC000  }
0x1d5: {  	[hbm4b:s28+s2] =	stream.linear.scatter [tilespmem:s20], [sflag:$0x6], $0x4000, $0x38;
	[tilespmem:$0x11C80] =	vst v63  }
0x1d6: {  	_ =	swait.ge [sflag:s15], $0x4000  }
0x1d7: {  	[sflag:s15] =	ssyncset.done $0x0  }
0x1d8: {  	[sflag:s15] =	ssyncadd.s32 $0xFFFFC000  }
0x1d9: {  	[tilespmem:s20], [sflag:$0x2] =	stream.indirect.gather [spmem:s3], $0x80, s23, s22, $0xb8;
	[tilespmem:$0x11C80] =	vst v63  }
0x1da: {  	_ =	swait.ge [sflag:s26], $0x4000  }
0x1db: {  	[sflag:s26] =	ssyncset.done $0x0  }
0x1dc: {  	[sflag:s26] =	ssyncadd.s32 $0xFFFFC000  }
0x1dd: {  	[hbm4b:s21+s2] =	stream.linear.scatter [tilespmem:s18], [sflag:$0x7], $0x4000, $0x38;
	[tilespmem:$0x11C80] =	vst v63  }
0x1de: {  	_ =	swait.ge [sflag:s13], $0x4000  }
0x1df: {  	[sflag:s13] =	ssyncset.done $0x0  }
0x1e0: {  	[sflag:s13] =	ssyncadd.s32 $0xFFFFC000  }
0x1e1: {  	[tilespmem:s18], [sflag:$0x3] =	stream.indirect.gather [spmem:s3], $0x80, s19, s22, $0xb8;
	[tilespmem:$0x11C80] =	vst v63  }
0x1e2: {  	_ =	swait.ge [sflag:s24], $0x4000  }
0x1e3: {  	[sflag:s24] =	ssyncset.done $0x0  }
0x1e4: {  	[sflag:s24] =	ssyncadd.s32 $0xFFFFC000  }
0x1e5: {  	[hbm4b:s17+s2] =	stream.linear.scatter [tilespmem:s14], [sflag:$0x8], $0x4000, $0x38;
	[tilespmem:$0x11C80] =	vst v63  }
0x1e6: {  	_ =	swait.ge [sflag:s12], $0x4000  }
0x1e7: {  	[sflag:s12] =	ssyncset.done $0x0  }
0x1e8: {  	[sflag:s12] =	ssyncadd.s32 $0xFFFFC000  }
0x1e9: {  	[tilespmem:s14], [sflag:$0x4] =	stream.indirect.gather [spmem:s3], $0x80, s16, s22, $0xb8;
	[tilespmem:$0x11C80] =	vst v63  }
0x1ea: {  	_ =	swait.ge [sflag:s11], $0x4000  }
0x1eb: {  	[sflag:s11] =	ssyncset.done $0x0  }
0x1ec: {  	[sflag:s11] =	ssyncadd.s32 $0xFFFFC000  }
0x1ed: {  	[hbm4b:s10+s2] =	stream.linear.scatter [tilespmem:s9], [sflag:$0x5], $0x4000, $0x38;
	[tilespmem:$0x11C80] =	vst v63  }
0x1ee: {  	_ =	swait.ge [sflag:s4], $0x4000  }
0x1ef: {  	[sflag:s4] =	ssyncset.done $0x0  }
0x1f0: {  	s28 =	simm.s32 $0xC00;
	[sflag:s4] =	ssyncadd.s32 $0xFFFFC000  }
0x1f1: {  	[tilespmem:s9], [sflag:$0x1] =	stream.indirect.gather [spmem:s3], $0x80, s28, s22, $0xb8;
	[tilespmem:$0x11C80] =	vst v63  }
0x1f2: {  	_ =	swait.ge [sflag:s25], $0x4000  }
0x1f3: {  	[sflag:s25] =	ssyncset.done $0x0  }
0x1f4: {  	[sflag:s25] =	ssyncadd.s32 $0xFFFFC000  }
0x1f5: {  	[hbm4b:s8+s2] =	stream.linear.scatter [tilespmem:s20], [sflag:$0x6], $0x4000, $0x38;
	[tilespmem:$0x11C80] =	vst v63  }
0x1f6: {  	_ =	swait.ge [sflag:s26], $0x4000  }
0x1f7: {  	[sflag:s26] =	ssyncset.done $0x0  }
0x1f8: {  	[sflag:s26] =	ssyncadd.s32 $0xFFFFC000  }
0x1f9: {  	[hbm4b:s7+s2] =	stream.linear.scatter [tilespmem:s18], [sflag:$0x7], $0x4000, $0x38;
	[tilespmem:$0x11C80] =	vst v63  }
0x1fa: {  	_ =	swait.ge [sflag:s24], $0x4000  }
0x1fb: {  	[sflag:s24] =	ssyncset.done $0x0  }
0x1fc: {  	[sflag:s24] =	ssyncadd.s32 $0xFFFFC000  }
0x1fd: {  	[hbm4b:s6+s2] =	stream.linear.scatter [tilespmem:s14], [sflag:$0x8], $0x4000, $0x38;
	[tilespmem:$0x11C80] =	vst v63  }
0x1fe: {  	_ =	swait.ge [sflag:s11], $0x4000  }
0x1ff: {  	[sflag:s11] =	ssyncset.done $0x0  }
0x200: {  	[sflag:s11] =	ssyncadd.s32 $0xFFFFC000  }
0x201: {  	[hbm4b:s5+s2] =	stream.linear.scatter [tilespmem:s9], [sflag:$0x5], $0x4000, $0x38;
	[tilespmem:$0x11C80] =	vst v63  }
0x202: {  	_ =	swait.ge [sflag:s15], $0x4000  }
0x203: {  	[sflag:s15] =	ssyncset.done $0x0  }
0x204: {  	[sflag:s15] =	ssyncadd.s32 $0xFFFFC000  }
0x205: {  	_ =	swait.ge [sflag:s13], $0x4000  }
0x206: {  	[sflag:s13] =	ssyncset.done $0x0  }
0x207: {  	p1 =	sne.s32 s0, $0x1;
	[sflag:s13] =	ssyncadd.s32 $0xFFFFC000  }
.Ltmp2:
0x208: {  	_ =	swait.ge [sflag:s12], $0x4000;
	(pc) =	sbr.rel @p1 .LBB2_3-.Ltmp2, $4  }
0x209: {  	[sflag:s12] =	ssyncset.done $0x0  }
0x20a: {  	[sflag:s12] =	ssyncadd.s32 $0xFFFFC000  }
0x20b: {  	_ =	swait.ge [sflag:s4], $0x4000  }
0x20c: {  	s0 =	sadd.s32 $0xFFFFFFFF, s0;
	s1 =	rddreg [dreg:$0x5];
	[sflag:s4] =	ssyncset.done $0x0  }
0x20d: {  	s28 =	rddreg [dreg:$0x4]  }
.LBB2_5:
0x20e: {  	s0 =	rddreg [dreg:$0x6];
	[sflag:s4] =	ssyncadd.s32 @p0 $0xFFFFC000  }
0x20f: {  	[spmem:s31], [sflag:s0] =	dma.local [hbm:s1], $0x200  }
0x210: {  	s0 =	rddreg [dreg:$0x7]  }
0x211: {  	[tilespmem:s2], [sflag:$0xA] =	stream.linear.gather [hbm4b:s0+s2], $0xC80, $0x38;
	[tilespmem:$0x11C80] =	vst v63  }
0x212: {  	_ =	swait.ge [sflag:s30], $0xC80  }
0x213: {  	[sflag:s30] =	ssyncset.done $0x0  }
0x214: {  	[sflag:s30] =	ssyncadd.s32 $0xFFFFF380  }
0x215: {  	_ =	swait.ge [sflag:s29], $0x200  }
0x216: {  	[sflag:s29] =	ssyncset.done $0x0  }
0x217: {  	[sflag:s29] =	ssyncadd.s32 $0xFFFFFE00  }
0x218: {  	[bflag:$0x0] =	sbarrier.arrive $0xFFFF  }
0x219: {  	s30 =	rddreg [dreg:$0x8]  }
0x21a: {  	[tilespmem:s9], [sflag:$0x1] =	stream.indirect.gather [spmem:s3], $0x80, s30, s22, $0xb8;
	[tilespmem:$0x11C80] =	vst v63  }
0x21b: {  	s31 =	rddreg [dreg:$0x9]  }
0x21c: {  	[tilespmem:s20], [sflag:$0x2] =	stream.indirect.gather [spmem:s3], $0x80, s31, s22, $0xb8;
	[tilespmem:$0x11C80] =	vst v63  }
0x21d: {  	s29 =	rddreg [dreg:$0xa]  }
0x21e: {  	[tilespmem:s18], [sflag:$0x3] =	stream.indirect.gather [spmem:s3], $0x80, s29, s22, $0xb8;
	[tilespmem:$0x11C80] =	vst v63  }
0x21f: {  	s30 =	rddreg [dreg:$0xb]  }
0x220: {  	[tilespmem:s14], [sflag:$0x4] =	stream.indirect.gather [spmem:s3], $0x80, s30, s22, $0xb8;
	[tilespmem:$0x11C80] =	vst v63  }
0x221: {  	_ =	swait.ge [sflag:s11], $0x4000  }
0x222: {  	[sflag:s11] =	ssyncset.done $0x0  }
0x223: {  	s31 =	rddreg [dreg:$0xc];
	[sflag:s11] =	ssyncadd.s32 $0xFFFFC000  }
0x224: {  	[hbm4b:s31+s2] =	stream.linear.scatter [tilespmem:s9], [sflag:$0x5], $0x4000, $0x38;
	[tilespmem:$0x11C80] =	vst v63  }
0x225: {  	_ =	swait.ge [sflag:s4], $0x4000  }
0x226: {  	[sflag:s4] =	ssyncset.done $0x0  }
0x227: {  	s1 =	rddreg [dreg:$0xd];
	[sflag:s4] =	ssyncadd.s32 $0xFFFFC000  }
0x228: {  	[tilespmem:s9], [sflag:$0x1] =	stream.indirect.gather [spmem:s3], $0x80, s1, s22, $0xb8;
	[tilespmem:$0x11C80] =	vst v63  }
0x229: {  	_ =	swait.ge [sflag:s25], $0x4000  }
0x22a: {  	[sflag:s25] =	ssyncset.done $0x0  }
0x22b: {  	s29 =	rddreg [dreg:$0xe];
	[sflag:s25] =	ssyncadd.s32 $0xFFFFC000  }
0x22c: {  	[hbm4b:s29+s2] =	stream.linear.scatter [tilespmem:s20], [sflag:$0x6], $0x4000, $0x38;
	[tilespmem:$0x11C80] =	vst v63  }
0x22d: {  	_ =	swait.ge [sflag:s15], $0x4000  }
0x22e: {  	[sflag:s15] =	ssyncset.done $0x0  }
0x22f: {  	s30 =	rddreg [dreg:$0xf];
	[sflag:s15] =	ssyncadd.s32 $0xFFFFC000  }
0x230: {  	[tilespmem:s20], [sflag:$0x2] =	stream.indirect.gather [spmem:s3], $0x80, s30, s22, $0xb8;
	[tilespmem:$0x11C80] =	vst v63  }
0x231: {  	_ =	swait.ge [sflag:s26], $0x4000  }
0x232: {  	[sflag:s26] =	ssyncset.done $0x0  }
0x233: {  	s31 =	rddreg [dreg:$0x10];
	[sflag:s26] =	ssyncadd.s32 $0xFFFFC000  }
0x234: {  	[hbm4b:s31+s2] =	stream.linear.scatter [tilespmem:s18], [sflag:$0x7], $0x4000, $0x38;
	[tilespmem:$0x11C80] =	vst v63  }
0x235: {  	_ =	swait.ge [sflag:s13], $0x4000  }
0x236: {  	[sflag:s13] =	ssyncset.done $0x0  }
0x237: {  	s1 =	rddreg [dreg:$0x11];
	[sflag:s13] =	ssyncadd.s32 $0xFFFFC000  }
0x238: {  	[tilespmem:s18], [sflag:$0x3] =	stream.indirect.gather [spmem:s3], $0x80, s1, s22, $0xb8;
	[tilespmem:$0x11C80] =	vst v63  }
0x239: {  	_ =	swait.ge [sflag:s24], $0x4000  }
0x23a: {  	[sflag:s24] =	ssyncset.done $0x0  }
0x23b: {  	s29 =	rddreg [dreg:$0x12];
	[sflag:s24] =	ssyncadd.s32 $0xFFFFC000  }
0x23c: {  	[hbm4b:s29+s2] =	stream.linear.scatter [tilespmem:s14], [sflag:$0x8], $0x4000, $0x38;
	[tilespmem:$0x11C80] =	vst v63  }
0x23d: {  	_ =	swait.ge [sflag:s12], $0x4000  }
0x23e: {  	[sflag:s12] =	ssyncset.done $0x0  }
0x23f: {  	s30 =	rddreg [dreg:$0x13];
	[sflag:s12] =	ssyncadd.s32 $0xFFFFC000  }
0x240: {  	[tilespmem:s14], [sflag:$0x4] =	stream.indirect.gather [spmem:s3], $0x80, s30, s22, $0xb8;
	[tilespmem:$0x11C80] =	vst v63  }
0x241: {  	_ =	swait.ge [sflag:s11], $0x4000  }
0x242: {  	[sflag:s11] =	ssyncset.done $0x0  }
0x243: {  	s31 =	rddreg [dreg:$0x14];
	[sflag:s11] =	ssyncadd.s32 $0xFFFFC000  }
0x244: {  	[hbm4b:s31+s2] =	stream.linear.scatter [tilespmem:s9], [sflag:$0x5], $0x4000, $0x38;
	[tilespmem:$0x11C80] =	vst v63  }
0x245: {  	_ =	swait.ge [sflag:s4], $0x4000  }
0x246: {  	[sflag:s4] =	ssyncset.done $0x0  }
0x247: {  	s1 =	rddreg [dreg:$0x15];
	[sflag:s4] =	ssyncadd.s32 $0xFFFFC000  }
0x248: {  	[tilespmem:s9], [sflag:$0x1] =	stream.indirect.gather [spmem:s3], $0x80, s1, s22, $0xb8;
	[tilespmem:$0x11C80] =	vst v63  }
0x249: {  	_ =	swait.ge [sflag:s25], $0x4000  }
0x24a: {  	[sflag:s25] =	ssyncset.done $0x0  }
0x24b: {  	s29 =	rddreg [dreg:$0x16];
	[sflag:s25] =	ssyncadd.s32 $0xFFFFC000  }
0x24c: {  	[hbm4b:s29+s2] =	stream.linear.scatter [tilespmem:s20], [sflag:$0x6], $0x4000, $0x38;
	[tilespmem:$0x11C80] =	vst v63  }
0x24d: {  	_ =	swait.ge [sflag:s15], $0x4000  }
0x24e: {  	[sflag:s15] =	ssyncset.done $0x0  }
0x24f: {  	s30 =	rddreg [dreg:$0x17];
	[sflag:s15] =	ssyncadd.s32 $0xFFFFC000  }
0x250: {  	[tilespmem:s20], [sflag:$0x2] =	stream.indirect.gather [spmem:s3], $0x80, s30, s22, $0xb8;
	[tilespmem:$0x11C80] =	vst v63  }
0x251: {  	_ =	swait.ge [sflag:s26], $0x4000  }
0x252: {  	[sflag:s26] =	ssyncset.done $0x0  }
0x253: {  	s31 =	rddreg [dreg:$0x18];
	[sflag:s26] =	ssyncadd.s32 $0xFFFFC000  }
0x254: {  	[hbm4b:s31+s2] =	stream.linear.scatter [tilespmem:s18], [sflag:$0x7], $0x4000, $0x38;
	[tilespmem:$0x11C80] =	vst v63  }
0x255: {  	_ =	swait.ge [sflag:s13], $0x4000  }
0x256: {  	[sflag:s13] =	ssyncset.done $0x0  }
0x257: {  	s1 =	rddreg [dreg:$0x19];
	[sflag:s13] =	ssyncadd.s32 $0xFFFFC000  }
0x258: {  	[tilespmem:s18], [sflag:$0x3] =	stream.indirect.gather [spmem:s3], $0x80, s1, s22, $0xb8;
	[tilespmem:$0x11C80] =	vst v63  }
0x259: {  	_ =	swait.ge [sflag:s24], $0x4000  }
0x25a: {  	[sflag:s24] =	ssyncset.done $0x0  }
0x25b: {  	s29 =	rddreg [dreg:$0x1a];
	[sflag:s24] =	ssyncadd.s32 $0xFFFFC000  }
0x25c: {  	[hbm4b:s29+s2] =	stream.linear.scatter [tilespmem:s14], [sflag:$0x8], $0x4000, $0x38;
	[tilespmem:$0x11C80] =	vst v63  }
0x25d: {  	_ =	swait.ge [sflag:s12], $0x4000  }
0x25e: {  	[sflag:s12] =	ssyncset.done $0x0  }
0x25f: {  	s30 =	rddreg [dreg:$0x1b];
	[sflag:s12] =	ssyncadd.s32 $0xFFFFC000  }
0x260: {  	[tilespmem:s14], [sflag:$0x4] =	stream.indirect.gather [spmem:s3], $0x80, s30, s22, $0xb8;
	[tilespmem:$0x11C80] =	vst v63  }
0x261: {  	_ =	swait.ge [sflag:s11], $0x4000  }
0x262: {  	[sflag:s11] =	ssyncset.done $0x0  }
0x263: {  	s31 =	rddreg [dreg:$0x1c];
	[sflag:s11] =	ssyncadd.s32 $0xFFFFC000  }
0x264: {  	[hbm4b:s31+s2] =	stream.linear.scatter [tilespmem:s9], [sflag:$0x5], $0x4000, $0x38;
	[tilespmem:$0x11C80] =	vst v63  }
0x265: {  	_ =	swait.ge [sflag:s4], $0x4000  }
0x266: {  	[sflag:s4] =	ssyncset.done $0x0  }
0x267: {  	s1 =	rddreg [dreg:$0x1d];
	[sflag:s4] =	ssyncadd.s32 $0xFFFFC000  }
0x268: {  	[tilespmem:s9], [sflag:$0x1] =	stream.indirect.gather [spmem:s3], $0x80, s1, s22, $0xb8;
	[tilespmem:$0x11C80] =	vst v63  }
0x269: {  	_ =	swait.ge [sflag:s25], $0x4000  }
0x26a: {  	[sflag:s25] =	ssyncset.done $0x0  }
0x26b: {  	s29 =	rddreg [dreg:$0x1e];
	[sflag:s25] =	ssyncadd.s32 $0xFFFFC000  }
0x26c: {  	[hbm4b:s29+s2] =	stream.linear.scatter [tilespmem:s20], [sflag:$0x6], $0x4000, $0x38;
	[tilespmem:$0x11C80] =	vst v63  }
0x26d: {  	_ =	swait.ge [sflag:s15], $0x4000  }
0x26e: {  	[sflag:s15] =	ssyncset.done $0x0  }
0x26f: {  	s30 =	rddreg [dreg:$0x1f];
	[sflag:s15] =	ssyncadd.s32 $0xFFFFC000  }
0x270: {  	[tilespmem:s20], [sflag:$0x2] =	stream.indirect.gather [spmem:s3], $0x80, s30, s22, $0xb8;
	[tilespmem:$0x11C80] =	vst v63  }
0x271: {  	_ =	swait.ge [sflag:s26], $0x4000  }
0x272: {  	s31 =	sld [smem:$0x7EF]  }
0x273: {  	[sflag:s26] =	ssyncset.done $0x0  }
0x274: {  	[sflag:s26] =	ssyncadd.s32 $0xFFFFC000  }
0x275: {  	[hbm4b:s31+s2] =	stream.linear.scatter [tilespmem:s18], [sflag:$0x7], $0x4000, $0x38;
	[tilespmem:$0x11C80] =	vst v63  }
0x276: {  	_ =	swait.ge [sflag:s13], $0x4000  }
0x277: {  	s1 =	sld [smem:$0x7F0]  }
0x278: {  	[sflag:s13] =	ssyncset.done $0x0  }
0x279: {  	[sflag:s13] =	ssyncadd.s32 $0xFFFFC000  }
0x27a: {  	[tilespmem:s18], [sflag:$0x3] =	stream.indirect.gather [spmem:s3], $0x80, s1, s22, $0xb8;
	[tilespmem:$0x11C80] =	vst v63  }
0x27b: {  	_ =	swait.ge [sflag:s24], $0x4000  }
0x27c: {  	s29 =	sld [smem:$0x7F1]  }
0x27d: {  	[sflag:s24] =	ssyncset.done $0x0  }
0x27e: {  	[sflag:s24] =	ssyncadd.s32 $0xFFFFC000  }
0x27f: {  	[hbm4b:s29+s2] =	stream.linear.scatter [tilespmem:s14], [sflag:$0x8], $0x4000, $0x38;
	[tilespmem:$0x11C80] =	vst v63  }
0x280: {  	_ =	swait.ge [sflag:s12], $0x4000  }
0x281: {  	s30 =	sld [smem:$0x7F2]  }
0x282: {  	[sflag:s12] =	ssyncset.done $0x0  }
0x283: {  	[sflag:s12] =	ssyncadd.s32 $0xFFFFC000  }
0x284: {  	[tilespmem:s14], [sflag:$0x4] =	stream.indirect.gather [spmem:s3], $0x80, s30, s22, $0xb8;
	[tilespmem:$0x11C80] =	vst v63  }
0x285: {  	_ =	swait.ge [sflag:s11], $0x4000  }
0x286: {  	s31 =	sld [smem:$0x7F3]  }
0x287: {  	[sflag:s11] =	ssyncset.done $0x0  }
0x288: {  	[sflag:s11] =	ssyncadd.s32 $0xFFFFC000  }
0x289: {  	[hbm4b:s31+s2] =	stream.linear.scatter [tilespmem:s9], [sflag:$0x5], $0x4000, $0x38;
	[tilespmem:$0x11C80] =	vst v63  }
0x28a: {  	_ =	swait.ge [sflag:s4], $0x4000  }
0x28b: {  	s1 =	sld [smem:$0x7F4]  }
0x28c: {  	[sflag:s4] =	ssyncset.done $0x0  }
0x28d: {  	[sflag:s4] =	ssyncadd.s32 $0xFFFFC000  }
0x28e: {  	[tilespmem:s9], [sflag:$0x1] =	stream.indirect.gather [spmem:s3], $0x80, s1, s22, $0xb8;
	[tilespmem:$0x11C80] =	vst v63  }
0x28f: {  	_ =	swait.ge [sflag:s25], $0x4000  }
0x290: {  	s29 =	sld [smem:$0x7F5]  }
0x291: {  	[sflag:s25] =	ssyncset.done $0x0  }
0x292: {  	[sflag:s25] =	ssyncadd.s32 $0xFFFFC000  }
0x293: {  	[hbm4b:s29+s2] =	stream.linear.scatter [tilespmem:s20], [sflag:$0x6], $0x4000, $0x38;
	[tilespmem:$0x11C80] =	vst v63  }
0x294: {  	_ =	swait.ge [sflag:s15], $0x4000  }
0x295: {  	s30 =	sld [smem:$0x7F6]  }
0x296: {  	[sflag:s15] =	ssyncset.done $0x0  }
0x297: {  	[sflag:s15] =	ssyncadd.s32 $0xFFFFC000  }
0x298: {  	[tilespmem:s20], [sflag:$0x2] =	stream.indirect.gather [spmem:s3], $0x80, s30, s22, $0xb8;
	[tilespmem:$0x11C80] =	vst v63  }
0x299: {  	_ =	swait.ge [sflag:s26], $0x4000  }
0x29a: {  	s31 =	sld [smem:$0x7F7]  }
0x29b: {  	[sflag:s26] =	ssyncset.done $0x0  }
0x29c: {  	[sflag:s26] =	ssyncadd.s32 $0xFFFFC000  }
0x29d: {  	[hbm4b:s31+s2] =	stream.linear.scatter [tilespmem:s18], [sflag:$0x7], $0x4000, $0x38;
	[tilespmem:$0x11C80] =	vst v63  }
0x29e: {  	_ =	swait.ge [sflag:s13], $0x4000  }
0x29f: {  	s1 =	sld [smem:$0x7F8]  }
0x2a0: {  	[sflag:s13] =	ssyncset.done $0x0  }
0x2a1: {  	[sflag:s13] =	ssyncadd.s32 $0xFFFFC000  }
0x2a2: {  	[tilespmem:s18], [sflag:$0x3] =	stream.indirect.gather [spmem:s3], $0x80, s1, s22, $0xb8;
	[tilespmem:$0x11C80] =	vst v63  }
0x2a3: {  	_ =	swait.ge [sflag:s24], $0x4000  }
0x2a4: {  	s29 =	sld [smem:$0x7F9]  }
0x2a5: {  	[sflag:s24] =	ssyncset.done $0x0  }
0x2a6: {  	[sflag:s24] =	ssyncadd.s32 $0xFFFFC000  }
0x2a7: {  	[hbm4b:s29+s2] =	stream.linear.scatter [tilespmem:s14], [sflag:$0x8], $0x4000, $0x38;
	[tilespmem:$0x11C80] =	vst v63  }
0x2a8: {  	_ =	swait.ge [sflag:s12], $0x4000  }
0x2a9: {  	s30 =	sld [smem:$0x7FA]  }
0x2aa: {  	[sflag:s12] =	ssyncset.done $0x0  }
0x2ab: {  	[sflag:s12] =	ssyncadd.s32 $0xFFFFC000  }
0x2ac: {  	[tilespmem:s14], [sflag:$0x4] =	stream.indirect.gather [spmem:s3], $0x80, s30, s22, $0xb8;
	[tilespmem:$0x11C80] =	vst v63  }
0x2ad: {  	_ =	swait.ge [sflag:s11], $0x4000  }
0x2ae: {  	s31 =	sld [smem:$0x7FB]  }
0x2af: {  	[sflag:s11] =	ssyncset.done $0x0  }
0x2b0: {  	[sflag:s11] =	ssyncadd.s32 $0xFFFFC000  }
0x2b1: {  	[hbm4b:s31+s2] =	stream.linear.scatter [tilespmem:s9], [sflag:$0x5], $0x4000, $0x38;
	[tilespmem:$0x11C80] =	vst v63  }
0x2b2: {  	_ =	swait.ge [sflag:s4], $0x4000  }
0x2b3: {  	s1 =	sld [smem:$0x7FC]  }
0x2b4: {  	[sflag:s4] =	ssyncset.done $0x0  }
0x2b5: {  	[sflag:s4] =	ssyncadd.s32 $0xFFFFC000  }
0x2b6: {  	[tilespmem:s9], [sflag:$0x1] =	stream.indirect.gather [spmem:s3], $0x80, s1, s22, $0xb8;
	[tilespmem:$0x11C80] =	vst v63  }
0x2b7: {  	_ =	swait.ge [sflag:s25], $0x4000  }
0x2b8: {  	s29 =	sld [smem:$0x7FD]  }
0x2b9: {  	[sflag:s25] =	ssyncset.done $0x0  }
0x2ba: {  	[sflag:s25] =	ssyncadd.s32 $0xFFFFC000  }
0x2bb: {  	[hbm4b:s29+s2] =	stream.linear.scatter [tilespmem:s20], [sflag:$0x6], $0x4000, $0x38;
	[tilespmem:$0x11C80] =	vst v63  }
0x2bc: {  	_ =	swait.ge [sflag:s15], $0x4000  }
0x2bd: {  	[sflag:s15] =	ssyncset.done $0x0  }
0x2be: {  	[sflag:s15] =	ssyncadd.s32 $0xFFFFC000  }
0x2bf: {  	[tilespmem:s20], [sflag:$0x2] =	stream.indirect.gather [spmem:s3], $0x80, s23, s22, $0xb8;
	[tilespmem:$0x11C80] =	vst v63  }
0x2c0: {  	_ =	swait.ge [sflag:s26], $0x4000  }
0x2c1: {  	[sflag:s26] =	ssyncset.done $0x0  }
0x2c2: {  	[sflag:s26] =	ssyncadd.s32 $0xFFFFC000  }
0x2c3: {  	[hbm4b:s21+s2] =	stream.linear.scatter [tilespmem:s18], [sflag:$0x7], $0x4000, $0x38;
	[tilespmem:$0x11C80] =	vst v63  }
0x2c4: {  	_ =	swait.ge [sflag:s13], $0x4000  }
0x2c5: {  	[sflag:s13] =	ssyncset.done $0x0  }
0x2c6: {  	[sflag:s13] =	ssyncadd.s32 $0xFFFFC000  }
0x2c7: {  	[tilespmem:s18], [sflag:$0x3] =	stream.indirect.gather [spmem:s3], $0x80, s19, s22, $0xb8;
	[tilespmem:$0x11C80] =	vst v63  }
0x2c8: {  	_ =	swait.ge [sflag:s24], $0x4000  }
0x2c9: {  	[sflag:s24] =	ssyncset.done $0x0  }
0x2ca: {  	[sflag:s24] =	ssyncadd.s32 $0xFFFFC000  }
0x2cb: {  	[hbm4b:s17+s2] =	stream.linear.scatter [tilespmem:s14], [sflag:$0x8], $0x4000, $0x38;
	[tilespmem:$0x11C80] =	vst v63  }
0x2cc: {  	_ =	swait.ge [sflag:s12], $0x4000  }
0x2cd: {  	[sflag:s12] =	ssyncset.done $0x0  }
0x2ce: {  	[sflag:s12] =	ssyncadd.s32 $0xFFFFC000  }
0x2cf: {  	[tilespmem:s14], [sflag:$0x4] =	stream.indirect.gather [spmem:s3], $0x80, s16, s22, $0xb8;
	[tilespmem:$0x11C80] =	vst v63  }
0x2d0: {  	_ =	swait.ge [sflag:s11], $0x4000  }
0x2d1: {  	[sflag:s11] =	ssyncset.done $0x0  }
0x2d2: {  	[sflag:s11] =	ssyncadd.s32 $0xFFFFC000  }
0x2d3: {  	[hbm4b:s10+s2] =	stream.linear.scatter [tilespmem:s9], [sflag:$0x5], $0x4000, $0x38;
	[tilespmem:$0x11C80] =	vst v63  }
0x2d4: {  	_ =	swait.ge [sflag:s4], $0x4000  }
0x2d5: {  	[sflag:s4] =	ssyncset.done $0x0  }
0x2d6: {  	s30 =	simm.s32 $0xC00;
	[sflag:s4] =	ssyncadd.s32 $0xFFFFC000  }
0x2d7: {  	[tilespmem:s9], [sflag:$0x1] =	stream.indirect.gather [spmem:s3], $0x80, s30, s22, $0xb8;
	[tilespmem:$0x11C80] =	vst v63  }
0x2d8: {  	_ =	swait.ge [sflag:s25], $0x4000  }
0x2d9: {  	[sflag:s25] =	ssyncset.done $0x0  }
0x2da: {  	[sflag:s25] =	ssyncadd.s32 $0xFFFFC000  }
0x2db: {  	[hbm4b:s8+s2] =	stream.linear.scatter [tilespmem:s20], [sflag:$0x6], $0x4000, $0x38;
	[tilespmem:$0x11C80] =	vst v63  }
0x2dc: {  	_ =	swait.ge [sflag:s26], $0x4000  }
0x2dd: {  	[sflag:s26] =	ssyncset.done $0x0  }
0x2de: {  	[sflag:s26] =	ssyncadd.s32 $0xFFFFC000  }
0x2df: {  	[hbm4b:s7+s2] =	stream.linear.scatter [tilespmem:s18], [sflag:$0x7], $0x4000, $0x38;
	[tilespmem:$0x11C80] =	vst v63  }
0x2e0: {  	_ =	swait.ge [sflag:s24], $0x4000  }
0x2e1: {  	[sflag:s24] =	ssyncset.done $0x0  }
0x2e2: {  	[sflag:s24] =	ssyncadd.s32 $0xFFFFC000  }
0x2e3: {  	[hbm4b:s6+s2] =	stream.linear.scatter [tilespmem:s14], [sflag:$0x8], $0x4000, $0x38;
	[tilespmem:$0x11C80] =	vst v63  }
0x2e4: {  	_ =	swait.ge [sflag:s11], $0x4000  }
0x2e5: {  	[sflag:s11] =	ssyncset.done $0x0  }
0x2e6: {  	[sflag:s11] =	ssyncadd.s32 $0xFFFFC000  }
0x2e7: {  	[hbm4b:s5+s2] =	stream.linear.scatter [tilespmem:s9], [sflag:$0x5], $0x4000, $0x38;
	[tilespmem:$0x11C80] =	vst v63  }
0x2e8: {  	_ =	swait.ge [sflag:s15], $0x4000  }
0x2e9: {  	[sflag:s15] =	ssyncset.done $0x0  }
0x2ea: {  	[sflag:s15] =	ssyncadd.s32 $0xFFFFC000  }
0x2eb: {  	_ =	swait.ge [sflag:s13], $0x4000  }
0x2ec: {  	[sflag:s13] =	ssyncset.done $0x0  }
0x2ed: {  	[sflag:s13] =	ssyncadd.s32 $0xFFFFC000  }
0x2ee: {  	_ =	swait.ge [sflag:s12], $0x4000  }
0x2ef: {  	[sflag:s12] =	ssyncset.done $0x0  }
0x2f0: {  	[sflag:s12] =	ssyncadd.s32 $0xFFFFC000  }
0x2f1: {  	_ =	swait.ge [sflag:s4], $0x4000  }
0x2f2: {  	[sflag:s4] =	ssyncset.done $0x0  }
0x2f3: {  	[sflag:s4] =	ssyncadd.s32 $0xFFFFC000  }
0x2f4: {  	_ =	sfence.sel $0x180000  }
0x2f5: {  	s31 =	stileid.u32;
	[bflag:$0x0] =	sbarrier.arrive $0xFFFF  }
0x2f6: {  	p0 =	sne.s32 s31, $0x0;
	_ =	strace $0x90000047  }
0x2f7: {  	s0 =	sadd.s32 @!p0 $0x100000, s28;
	[bflag:$0x2] =	sbarrier.arrive $0xFFFF  }
0x2f8: {  	[sflag:s0] =	ssyncadd.tile.s32 @!p0 $0x1;
	_ =	shalt  }
.LBB2_2:
.Ltmp3:
0x2f9: {  	(pc) =	sbr.rel .LBB2_5-.Ltmp3, $2  }
0x2fa: {  	_ =	sdelay $0x2  }
0x2fb: {  	s28 =	rddreg [dreg:$0x4]  }
.Lfunc_end2:
_tile_overlayer_lowered:
.L_overlay_start_2:
0x2fc: {  	(tag) =	ssettag $0x2  }
0x2fd: {  	s0 =	rddreg [dreg:$0x0];
	s2 =	stileid.u32  }
0x2fe: {  	s1 =	rddreg [dreg:$0x1];
	p0 =	sne.s32 s2, $0x0  }
0x2ff: {  	s3 =	rddreg [dreg:$0x2];
	[bflag:$0x3] =	sbarrier.arrive $0xFFFF;
	s2 =	simm.s32 @!p0 $0x1C0A  }
0x300: {  	[timem:s3], [sflag:s2] =	dma.local @!p0 [hbm:s0], s1  }
0x301: {  	s0 =	simm.s32 @!p0 $0xA  }
0x302: {  	_ =	swait.ge @!p0 [sflag:s0], s1  }
0x303: {  	s1 =	ssub.s32 @!p0 $0x0, s1;
	[sflag:s0] =	ssyncset.done @!p0 $0x0  }
0x304: {  	[sflag:s0] =	ssyncadd.s32 @!p0 s1  }
0x305: {  	[bflag:$0x3] =	sbarrier.arrive $0xFFFF  }
0x306: {  	_ =	shalt  }

</sc_bundles>
